<compile_context>
chip_gen: v7x
topology: tpu7x:2x2x1
jax: 0.10.2.dev20260603
libtpu: 0.0.44.dev20260713+nightly
codegen_flags: <defaults>
</compile_context>

<pallas_src>
import functools

import numpy as np
import jax
import jax.numpy as jnp
from jax import lax
from jax.experimental import pallas as pl
from jax.experimental.pallas import tpu as pltpu
from jax.experimental.pallas import tpu_sc as plsc

EMBED = 64
SEQ = 50
NUM_CORES = 2
NUM_SUBCORES = 16
NUM_WORKERS = NUM_CORES * NUM_SUBCORES
RPC = 4
NBUF = 4
LANES = 16
VREGS_PER_ROW = EMBED // LANES


def _positional_encoding(seq_len, d_model):
    pos = np.arange(seq_len)[:, np.newaxis]
    i = np.arange(d_model)[np.newaxis, :]
    angle_rates = 1.0 / np.power(10000, 2 * (i // 2) / np.float32(d_model))
    angle_rads = pos * angle_rates
    angle_rads[:, 0::2] = np.sin(angle_rads[:, 0::2])
    angle_rads[:, 1::2] = np.cos(angle_rads[:, 1::2])
    return angle_rads.astype(np.float32)


@functools.lru_cache(maxsize=None)
def _build(batch, vocab):
    bpw = batch // NUM_WORKERS
    num_chunks = bpw // RPC

    @functools.partial(
        pl.kernel,
        mesh=plsc.VectorSubcoreMesh(core_axis_name="c", subcore_axis_name="s"),
        out_type=jax.ShapeDtypeStruct((batch, SEQ, EMBED), jnp.float32),
        scratch_types=(
            [pltpu.VMEM((bpw, SEQ), jnp.int32),
             pltpu.VMEM((SEQ, EMBED), jnp.float32)]
            + [pltpu.VMEM((RPC, SEQ, EMBED), jnp.float32)] * NBUF
            + [pltpu.SemaphoreType.DMA] * (2 * NBUF)
        ),
        compiler_params=pltpu.CompilerParams(use_tc_tiling_on_sc=False),
    )
    def emb_kernel(x_hbm, pe_hbm, table_hbm, out_hbm, idx_v, pe_v, *bufsem):
        bufs = bufsem[:NBUF]
        gsem = bufsem[NBUF:2 * NBUF]
        ssem = bufsem[2 * NBUF:]
        w = lax.axis_index("s") * NUM_CORES + lax.axis_index("c")
        batch_base = w * bpw
        pltpu.sync_copy(x_hbm.at[pl.ds(batch_base, bpw)], idx_v)
        pltpu.sync_copy(pe_hbm, pe_v)

        def gather(j, s):
            for k in range(RPC):
                pltpu.async_copy(
                    table_hbm.at[idx_v.at[RPC * j + k]], bufs[s].at[k],
                    gsem[s])

        def store_copy(j, s):
            return pltpu.make_async_copy(
                bufs[s],
                out_hbm.at[pl.ds(batch_base + RPC * j, RPC)], ssem[s])

        for s in range(NBUF - 1):
            gather(s, s)

        def process(j, s, sp):
            for k in range(RPC):
                pltpu.make_async_copy(
                    table_hbm.at[idx_v.at[RPC * j + k]], bufs[s].at[k],
                    gsem[s]).wait()

            def add_rows(r, carry):
                for d in range(VREGS_PER_ROW):
                    sl = pl.ds(d * LANES, LANES)
                    pv = pe_v[r, sl]
                    for k in range(RPC):
                        bufs[s][k, r, sl] = bufs[s][k, r, sl] + pv
                return carry

            lax.fori_loop(0, SEQ, add_rows, 0)
            store_copy(j, s).start()

            @pl.when(j + NBUF - 1 < num_chunks)
            def _():
                @pl.when(j >= 1)
                def _():
                    store_copy(j - 1, sp).wait()
                gather(j + NBUF - 1, sp)

        def step(t, carry):
            for s in range(NBUF):
                j = NBUF * t + s
                process(j, s, (s + NBUF - 1) % NBUF)
            return carry

        lax.fori_loop(0, num_chunks // NBUF, step, 0)
        for s in range(NBUF):
            store_copy(num_chunks - NBUF + s, s).wait()

    return emb_kernel


def kernel(x, table):
    batch, seq = x.shape
    vocab, embed = table.shape
    assert embed == EMBED and seq == SEQ
    assert batch % (NUM_WORKERS * RPC * NBUF) == 0
    pe = _positional_encoding(SEQ, EMBED)
    return _build(batch, vocab)(x, jnp.asarray(pe), table)

# --- scband reference (transcript-rebuilt; emitter-appended) ---
"""Pipeline reference for scband-positional-encoding-8615704395987 (READ-ONLY COPY).

The authoritative reference and input builder live on the scoring server;
editing this copy changes nothing except your own understanding.
"""

import jax, jax.numpy as jnp
import numpy as np

VOCAB = 1000000
EMBED = 64
SEQ = 50
BATCH = 16384


def get_positional_encoding(seq_len, d_model):
    pos = np.arange(seq_len)[:, np.newaxis]
    i = np.arange(d_model)[np.newaxis, :]
    angle_rates = 1.0 / np.power(10000, 2 * (i // 2) / np.float32(d_model))
    angle_rads = pos * angle_rates
    angle_rads[:, 0::2] = np.sin(angle_rads[:, 0::2])
    angle_rads[:, 1::2] = np.cos(angle_rads[:, 1::2])
    return jnp.asarray(angle_rads[np.newaxis, ...], dtype=jnp.float32)


def setup_inputs(seed: int = 0) -> dict:
    key = jax.random.key(seed)
    k1, k2 = jax.random.split(key)
    x = jax.random.randint(k1, (BATCH, SEQ), 0, VOCAB, dtype=jnp.int32)
    # Learned embedding table (Keras Embedding default: uniform init)
    table = jax.random.uniform(k2, (VOCAB, EMBED), dtype=jnp.float32, minval=-0.05, maxval=0.05)
    return {"x": x, "table": table}


def reference(x, table):
    pos_encoding = get_positional_encoding(SEQ, EMBED)  # [1, SEQ, EMBED]
    length = x.shape[1]
    emb = jnp.take(table, x, axis=0)  # [B, L, EMBED] embedding gather
    return emb + pos_encoding[:, :length, :]

if __name__ == "__main__":
    import jax
    _d = setup_inputs()
    print(jax.jit(kernel)(*tuple(_d.values())))

</pallas_src>

<mosaic_0001>
#map = affine_map<(d0, d1) -> (0, 0)>
#map1 = affine_map<(d0, d1) -> (0, 0, 0)>
module attributes {stable_mosaic.version = 14 : i64} {
  func.func @emb_kernel(%arg0: i32, %arg1: i32, %arg2: memref<16384x50xi32, #tpu.memory_space<hbm>>, %arg3: memref<50x64xf32, #tpu.memory_space<hbm>>, %arg4: memref<1000000x64xf32, #tpu.memory_space<hbm>>, %arg5: memref<16384x50x64xf32, #tpu.memory_space<hbm>>, %arg6: memref<512x50xi32, #tpu.memory_space<vmem>>, %arg7: memref<50x64xf32, #tpu.memory_space<vmem>>, %arg8: memref<4x50x64xf32, #tpu.memory_space<vmem>>, %arg9: memref<4x50x64xf32, #tpu.memory_space<vmem>>, %arg10: memref<4x50x64xf32, #tpu.memory_space<vmem>>, %arg11: memref<4x50x64xf32, #tpu.memory_space<vmem>>, %arg12: memref<!tpu.dma_semaphore, #tpu.memory_space<semaphore_mem>>, %arg13: memref<!tpu.dma_semaphore, #tpu.memory_space<semaphore_mem>>, %arg14: memref<!tpu.dma_semaphore, #tpu.memory_space<semaphore_mem>>, %arg15: memref<!tpu.dma_semaphore, #tpu.memory_space<semaphore_mem>>, %arg16: memref<!tpu.dma_semaphore, #tpu.memory_space<semaphore_mem>>, %arg17: memref<!tpu.dma_semaphore, #tpu.memory_space<semaphore_mem>>, %arg18: memref<!tpu.dma_semaphore, #tpu.memory_space<semaphore_mem>>, %arg19: memref<!tpu.dma_semaphore, #tpu.memory_space<semaphore_mem>>) attributes {dimension_semantics = [#tpu.dimension_semantics<core_parallel>, #tpu.dimension_semantics<subcore_parallel>], iteration_bounds = array<i64: 2, 16>, scalar_prefetch = 0 : i64, scratch_operands = 14 : i64, tpu.core_type = #tpu.core_type<sc_vector_subcore>, window_params = [{transform_indices = #map}, {transform_indices = #map}, {transform_indices = #map}, {transform_indices = #map1}]} {
    %mul3A = arith.constant 2 : i32
    %mul3A_0 = arith.muli %arg1, %mul3A : i32
    %add3A = arith.addi %mul3A_0, %arg0 : i32
    %mul3A_1 = arith.constant 512 : i32
    %mul3A_2 = arith.muli %add3A, %mul3A_1 : i32
    "tpu.region"() ({
      %run_scoped3A = tpu.sem_alloc : memref<!tpu.dma_semaphore, #tpu.memory_space<semaphore_mem>>
      %dma_start3A_182 = arith.constant 0 : i32
      %dma_start3A_183 = tpu.memref_slice %arg2[%mul3A_2, %dma_start3A_182] : memref<16384x50xi32, #tpu.memory_space<hbm>> -> memref<512x50xi32, #tpu.memory_space<hbm>>
      %dma_start3A_184 = arith.constant 0 : i32
      %dma_start3A_185 = tpu.memref_slice %arg2[%mul3A_2, %dma_start3A_184] : memref<16384x50xi32, #tpu.memory_space<hbm>> -> memref<512x50xi32, #tpu.memory_space<hbm>>
      tpu.enqueue_dma source(%dma_start3A_185 : memref<512x50xi32, #tpu.memory_space<hbm>>) target(%arg6 : memref<512x50xi32, #tpu.memory_space<vmem>>) target_semaphore(%run_scoped3A : memref<!tpu.dma_semaphore, #tpu.memory_space<semaphore_mem>>)
      %dma_wait3A_186 = arith.constant 0 : i32
      %dma_wait3A_187 = tpu.memref_slice %arg2[%mul3A_2, %dma_wait3A_186] : memref<16384x50xi32, #tpu.memory_space<hbm>> -> memref<512x50xi32, #tpu.memory_space<hbm>>
      %dma_wait3A_188 = arith.constant 0 : i32
      %dma_wait3A_189 = tpu.memref_slice %arg2[%mul3A_2, %dma_wait3A_188] : memref<16384x50xi32, #tpu.memory_space<hbm>> -> memref<512x50xi32, #tpu.memory_space<hbm>>
      tpu.wait_dma2 semaphore(%run_scoped3A : memref<!tpu.dma_semaphore, #tpu.memory_space<semaphore_mem>>) src(%dma_wait3A_189 : memref<512x50xi32, #tpu.memory_space<hbm>>) dst(%arg6 : memref<512x50xi32, #tpu.memory_space<vmem>>)
      tpu.yield
    }) : () -> ()
    "tpu.region"() ({
      %run_scoped3A = tpu.sem_alloc : memref<!tpu.dma_semaphore, #tpu.memory_space<semaphore_mem>>
      tpu.enqueue_dma source(%arg3 : memref<50x64xf32, #tpu.memory_space<hbm>>) target(%arg7 : memref<50x64xf32, #tpu.memory_space<vmem>>) target_semaphore(%run_scoped3A : memref<!tpu.dma_semaphore, #tpu.memory_space<semaphore_mem>>)
      tpu.wait_dma2 semaphore(%run_scoped3A : memref<!tpu.dma_semaphore, #tpu.memory_space<semaphore_mem>>) src(%arg3 : memref<50x64xf32, #tpu.memory_space<hbm>>) dst(%arg7 : memref<50x64xf32, #tpu.memory_space<vmem>>)
      tpu.yield
    }) : () -> ()
    %dma_start3A = arith.constant 0 : i32
    %dma_start3A_3 = arith.constant 0 : i32
    %dma_start3A_4 = arith.constant 0 : i32
    %dma_start3A_5 = arith.constant 0 : i32
    %dma_start3A_6 = tpu.memref_slice %arg8[%dma_start3A_3, %dma_start3A_4, %dma_start3A_5] : memref<4x50x64xf32, #tpu.memory_space<vmem>> -> memref<1x50x64xf32, #tpu.memory_space<vmem>>
    %dma_start3A_7 = tpu.memref_squeeze %dma_start3A_6 : memref<1x50x64xf32, #tpu.memory_space<vmem>> -> memref<50x64xf32, #tpu.memory_space<vmem>>
    %dma_start3A_8 = arith.constant 0 : i32
    %dma_start3A_9 = tpu.memref_slice %arg6[%dma_start3A, %dma_start3A_8] : memref<512x50xi32, #tpu.memory_space<vmem>> -> memref<1x50xi32, #tpu.memory_space<vmem>>
    %dma_start3A_10 = tpu.memref_squeeze %dma_start3A_9 : memref<1x50xi32, #tpu.memory_space<vmem>> -> memref<50xi32, #tpu.memory_space<vmem>>
    %dma_start3A_11 = arith.constant 0 : i32
    %dma_start3A_12 = arith.constant 0 : i32
    %dma_start3A_13 = tpu.memref_slice %arg4[%dma_start3A_11, %dma_start3A_12] : memref<1000000x64xf32, #tpu.memory_space<hbm>> -> memref<1000000x64xf32, #tpu.memory_space<hbm>>
    tpu.enqueue_indirect_dma source(%dma_start3A_13 : memref<1000000x64xf32, #tpu.memory_space<hbm>>) target(%dma_start3A_7 : memref<50x64xf32, #tpu.memory_space<vmem>>) offsets(%dma_start3A_10 : memref<50xi32, #tpu.memory_space<vmem>>) semaphore(%arg12 : memref<!tpu.dma_semaphore, #tpu.memory_space<semaphore_mem>>)
    %dma_start3A_14 = arith.constant 1 : i32
    %dma_start3A_15 = arith.constant 1 : i32
    %dma_start3A_16 = arith.constant 0 : i32
    %dma_start3A_17 = arith.constant 0 : i32
    %dma_start3A_18 = tpu.memref_slice %arg8[%dma_start3A_15, %dma_start3A_16, %dma_start3A_17] : memref<4x50x64xf32, #tpu.memory_space<vmem>> -> memref<1x50x64xf32, #tpu.memory_space<vmem>>
    %dma_start3A_19 = tpu.memref_squeeze %dma_start3A_18 : memref<1x50x64xf32, #tpu.memory_space<vmem>> -> memref<50x64xf32, #tpu.memory_space<vmem>>
    %dma_start3A_20 = arith.constant 0 : i32
    %dma_start3A_21 = tpu.memref_slice %arg6[%dma_start3A_14, %dma_start3A_20] : memref<512x50xi32, #tpu.memory_space<vmem>> -> memref<1x50xi32, #tpu.memory_space<vmem>>
    %dma_start3A_22 = tpu.memref_squeeze %dma_start3A_21 : memref<1x50xi32, #tpu.memory_space<vmem>> -> memref<50xi32, #tpu.memory_space<vmem>>
    %dma_start3A_23 = arith.constant 0 : i32
    %dma_start3A_24 = arith.constant 0 : i32
    %dma_start3A_25 = tpu.memref_slice %arg4[%dma_start3A_23, %dma_start3A_24] : memref<1000000x64xf32, #tpu.memory_space<hbm>> -> memref<1000000x64xf32, #tpu.memory_space<hbm>>
    tpu.enqueue_indirect_dma source(%dma_start3A_25 : memref<1000000x64xf32, #tpu.memory_space<hbm>>) target(%dma_start3A_19 : memref<50x64xf32, #tpu.memory_space<vmem>>) offsets(%dma_start3A_22 : memref<50xi32, #tpu.memory_space<vmem>>) semaphore(%arg12 : memref<!tpu.dma_semaphore, #tpu.memory_space<semaphore_mem>>)
    %dma_start3A_26 = arith.constant 2 : i32
    %dma_start3A_27 = arith.constant 2 : i32
    %dma_start3A_28 = arith.constant 0 : i32
    %dma_start3A_29 = arith.constant 0 : i32
    %dma_start3A_30 = tpu.memref_slice %arg8[%dma_start3A_27, %dma_start3A_28, %dma_start3A_29] : memref<4x50x64xf32, #tpu.memory_space<vmem>> -> memref<1x50x64xf32, #tpu.memory_space<vmem>>
    %dma_start3A_31 = tpu.memref_squeeze %dma_start3A_30 : memref<1x50x64xf32, #tpu.memory_space<vmem>> -> memref<50x64xf32, #tpu.memory_space<vmem>>
    %dma_start3A_32 = arith.constant 0 : i32
    %dma_start3A_33 = tpu.memref_slice %arg6[%dma_start3A_26, %dma_start3A_32] : memref<512x50xi32, #tpu.memory_space<vmem>> -> memref<1x50xi32, #tpu.memory_space<vmem>>
    %dma_start3A_34 = tpu.memref_squeeze %dma_start3A_33 : memref<1x50xi32, #tpu.memory_space<vmem>> -> memref<50xi32, #tpu.memory_space<vmem>>
    %dma_start3A_35 = arith.constant 0 : i32
    %dma_start3A_36 = arith.constant 0 : i32
    %dma_start3A_37 = tpu.memref_slice %arg4[%dma_start3A_35, %dma_start3A_36] : memref<1000000x64xf32, #tpu.memory_space<hbm>> -> memref<1000000x64xf32, #tpu.memory_space<hbm>>
    tpu.enqueue_indirect_dma source(%dma_start3A_37 : memref<1000000x64xf32, #tpu.memory_space<hbm>>) target(%dma_start3A_31 : memref<50x64xf32, #tpu.memory_space<vmem>>) offsets(%dma_start3A_34 : memref<50xi32, #tpu.memory_space<vmem>>) semaphore(%arg12 : memref<!tpu.dma_semaphore, #tpu.memory_space<semaphore_mem>>)
    %dma_start3A_38 = arith.constant 3 : i32
    %dma_start3A_39 = arith.constant 3 : i32
    %dma_start3A_40 = arith.constant 0 : i32
    %dma_start3A_41 = arith.constant 0 : i32
    %dma_start3A_42 = tpu.memref_slice %arg8[%dma_start3A_39, %dma_start3A_40, %dma_start3A_41] : memref<4x50x64xf32, #tpu.memory_space<vmem>> -> memref<1x50x64xf32, #tpu.memory_space<vmem>>
    %dma_start3A_43 = tpu.memref_squeeze %dma_start3A_42 : memref<1x50x64xf32, #tpu.memory_space<vmem>> -> memref<50x64xf32, #tpu.memory_space<vmem>>
    %dma_start3A_44 = arith.constant 0 : i32
    %dma_start3A_45 = tpu.memref_slice %arg6[%dma_start3A_38, %dma_start3A_44] : memref<512x50xi32, #tpu.memory_space<vmem>> -> memref<1x50xi32, #tpu.memory_space<vmem>>
    %dma_start3A_46 = tpu.memref_squeeze %dma_start3A_45 : memref<1x50xi32, #tpu.memory_space<vmem>> -> memref<50xi32, #tpu.memory_space<vmem>>
    %dma_start3A_47 = arith.constant 0 : i32
    %dma_start3A_48 = arith.constant 0 : i32
    %dma_start3A_49 = tpu.memref_slice %arg4[%dma_start3A_47, %dma_start3A_48] : memref<1000000x64xf32, #tpu.memory_space<hbm>> -> memref<1000000x64xf32, #tpu.memory_space<hbm>>
    tpu.enqueue_indirect_dma source(%dma_start3A_49 : memref<1000000x64xf32, #tpu.memory_space<hbm>>) target(%dma_start3A_43 : memref<50x64xf32, #tpu.memory_space<vmem>>) offsets(%dma_start3A_46 : memref<50xi32, #tpu.memory_space<vmem>>) semaphore(%arg12 : memref<!tpu.dma_semaphore, #tpu.memory_space<semaphore_mem>>)
    %dma_start3A_50 = arith.constant 4 : i32
    %dma_start3A_51 = arith.constant 0 : i32
    %dma_start3A_52 = arith.constant 0 : i32
    %dma_start3A_53 = arith.constant 0 : i32
    %dma_start3A_54 = tpu.memref_slice %arg9[%dma_start3A_51, %dma_start3A_52, %dma_start3A_53] : memref<4x50x64xf32, #tpu.memory_space<vmem>> -> memref<1x50x64xf32, #tpu.memory_space<vmem>>
    %dma_start3A_55 = tpu.memref_squeeze %dma_start3A_54 : memref<1x50x64xf32, #tpu.memory_space<vmem>> -> memref<50x64xf32, #tpu.memory_space<vmem>>
    %dma_start3A_56 = arith.constant 0 : i32
    %dma_start3A_57 = tpu.memref_slice %arg6[%dma_start3A_50, %dma_start3A_56] : memref<512x50xi32, #tpu.memory_space<vmem>> -> memref<1x50xi32, #tpu.memory_space<vmem>>
    %dma_start3A_58 = tpu.memref_squeeze %dma_start3A_57 : memref<1x50xi32, #tpu.memory_space<vmem>> -> memref<50xi32, #tpu.memory_space<vmem>>
    %dma_start3A_59 = arith.constant 0 : i32
    %dma_start3A_60 = arith.constant 0 : i32
    %dma_start3A_61 = tpu.memref_slice %arg4[%dma_start3A_59, %dma_start3A_60] : memref<1000000x64xf32, #tpu.memory_space<hbm>> -> memref<1000000x64xf32, #tpu.memory_space<hbm>>
    tpu.enqueue_indirect_dma source(%dma_start3A_61 : memref<1000000x64xf32, #tpu.memory_space<hbm>>) target(%dma_start3A_55 : memref<50x64xf32, #tpu.memory_space<vmem>>) offsets(%dma_start3A_58 : memref<50xi32, #tpu.memory_space<vmem>>) semaphore(%arg13 : memref<!tpu.dma_semaphore, #tpu.memory_space<semaphore_mem>>)
    %dma_start3A_62 = arith.constant 5 : i32
    %dma_start3A_63 = arith.constant 1 : i32
    %dma_start3A_64 = arith.constant 0 : i32
    %dma_start3A_65 = arith.constant 0 : i32
    %dma_start3A_66 = tpu.memref_slice %arg9[%dma_start3A_63, %dma_start3A_64, %dma_start3A_65] : memref<4x50x64xf32, #tpu.memory_space<vmem>> -> memref<1x50x64xf32, #tpu.memory_space<vmem>>
    %dma_start3A_67 = tpu.memref_squeeze %dma_start3A_66 : memref<1x50x64xf32, #tpu.memory_space<vmem>> -> memref<50x64xf32, #tpu.memory_space<vmem>>
    %dma_start3A_68 = arith.constant 0 : i32
    %dma_start3A_69 = tpu.memref_slice %arg6[%dma_start3A_62, %dma_start3A_68] : memref<512x50xi32, #tpu.memory_space<vmem>> -> memref<1x50xi32, #tpu.memory_space<vmem>>
    %dma_start3A_70 = tpu.memref_squeeze %dma_start3A_69 : memref<1x50xi32, #tpu.memory_space<vmem>> -> memref<50xi32, #tpu.memory_space<vmem>>
    %dma_start3A_71 = arith.constant 0 : i32
    %dma_start3A_72 = arith.constant 0 : i32
    %dma_start3A_73 = tpu.memref_slice %arg4[%dma_start3A_71, %dma_start3A_72] : memref<1000000x64xf32, #tpu.memory_space<hbm>> -> memref<1000000x64xf32, #tpu.memory_space<hbm>>
    tpu.enqueue_indirect_dma source(%dma_start3A_73 : memref<1000000x64xf32, #tpu.memory_space<hbm>>) target(%dma_start3A_67 : memref<50x64xf32, #tpu.memory_space<vmem>>) offsets(%dma_start3A_70 : memref<50xi32, #tpu.memory_space<vmem>>) semaphore(%arg13 : memref<!tpu.dma_semaphore, #tpu.memory_space<semaphore_mem>>)
    %dma_start3A_74 = arith.constant 6 : i32
    %dma_start3A_75 = arith.constant 2 : i32
    %dma_start3A_76 = arith.constant 0 : i32
    %dma_start3A_77 = arith.constant 0 : i32
    %dma_start3A_78 = tpu.memref_slice %arg9[%dma_start3A_75, %dma_start3A_76, %dma_start3A_77] : memref<4x50x64xf32, #tpu.memory_space<vmem>> -> memref<1x50x64xf32, #tpu.memory_space<vmem>>
    %dma_start3A_79 = tpu.memref_squeeze %dma_start3A_78 : memref<1x50x64xf32, #tpu.memory_space<vmem>> -> memref<50x64xf32, #tpu.memory_space<vmem>>
    %dma_start3A_80 = arith.constant 0 : i32
    %dma_start3A_81 = tpu.memref_slice %arg6[%dma_start3A_74, %dma_start3A_80] : memref<512x50xi32, #tpu.memory_space<vmem>> -> memref<1x50xi32, #tpu.memory_space<vmem>>
    %dma_start3A_82 = tpu.memref_squeeze %dma_start3A_81 : memref<1x50xi32, #tpu.memory_space<vmem>> -> memref<50xi32, #tpu.memory_space<vmem>>
    %dma_start3A_83 = arith.constant 0 : i32
    %dma_start3A_84 = arith.constant 0 : i32
    %dma_start3A_85 = tpu.memref_slice %arg4[%dma_start3A_83, %dma_start3A_84] : memref<1000000x64xf32, #tpu.memory_space<hbm>> -> memref<1000000x64xf32, #tpu.memory_space<hbm>>
    tpu.enqueue_indirect_dma source(%dma_start3A_85 : memref<1000000x64xf32, #tpu.memory_space<hbm>>) target(%dma_start3A_79 : memref<50x64xf32, #tpu.memory_space<vmem>>) offsets(%dma_start3A_82 : memref<50xi32, #tpu.memory_space<vmem>>) semaphore(%arg13 : memref<!tpu.dma_semaphore, #tpu.memory_space<semaphore_mem>>)
    %dma_start3A_86 = arith.constant 7 : i32
    %dma_start3A_87 = arith.constant 3 : i32
    %dma_start3A_88 = arith.constant 0 : i32
    %dma_start3A_89 = arith.constant 0 : i32
    %dma_start3A_90 = tpu.memref_slice %arg9[%dma_start3A_87, %dma_start3A_88, %dma_start3A_89] : memref<4x50x64xf32, #tpu.memory_space<vmem>> -> memref<1x50x64xf32, #tpu.memory_space<vmem>>
    %dma_start3A_91 = tpu.memref_squeeze %dma_start3A_90 : memref<1x50x64xf32, #tpu.memory_space<vmem>> -> memref<50x64xf32, #tpu.memory_space<vmem>>
    %dma_start3A_92 = arith.constant 0 : i32
    %dma_start3A_93 = tpu.memref_slice %arg6[%dma_start3A_86, %dma_start3A_92] : memref<512x50xi32, #tpu.memory_space<vmem>> -> memref<1x50xi32, #tpu.memory_space<vmem>>
    %dma_start3A_94 = tpu.memref_squeeze %dma_start3A_93 : memref<1x50xi32, #tpu.memory_space<vmem>> -> memref<50xi32, #tpu.memory_space<vmem>>
    %dma_start3A_95 = arith.constant 0 : i32
    %dma_start3A_96 = arith.constant 0 : i32
    %dma_start3A_97 = tpu.memref_slice %arg4[%dma_start3A_95, %dma_start3A_96] : memref<1000000x64xf32, #tpu.memory_space<hbm>> -> memref<1000000x64xf32, #tpu.memory_space<hbm>>
    tpu.enqueue_indirect_dma source(%dma_start3A_97 : memref<1000000x64xf32, #tpu.memory_space<hbm>>) target(%dma_start3A_91 : memref<50x64xf32, #tpu.memory_space<vmem>>) offsets(%dma_start3A_94 : memref<50xi32, #tpu.memory_space<vmem>>) semaphore(%arg13 : memref<!tpu.dma_semaphore, #tpu.memory_space<semaphore_mem>>)
    %dma_start3A_98 = arith.constant 8 : i32
    %dma_start3A_99 = arith.constant 0 : i32
    %dma_start3A_100 = arith.constant 0 : i32
    %dma_start3A_101 = arith.constant 0 : i32
    %dma_start3A_102 = tpu.memref_slice %arg10[%dma_start3A_99, %dma_start3A_100, %dma_start3A_101] : memref<4x50x64xf32, #tpu.memory_space<vmem>> -> memref<1x50x64xf32, #tpu.memory_space<vmem>>
    %dma_start3A_103 = tpu.memref_squeeze %dma_start3A_102 : memref<1x50x64xf32, #tpu.memory_space<vmem>> -> memref<50x64xf32, #tpu.memory_space<vmem>>
    %dma_start3A_104 = arith.constant 0 : i32
    %dma_start3A_105 = tpu.memref_slice %arg6[%dma_start3A_98, %dma_start3A_104] : memref<512x50xi32, #tpu.memory_space<vmem>> -> memref<1x50xi32, #tpu.memory_space<vmem>>
    %dma_start3A_106 = tpu.memref_squeeze %dma_start3A_105 : memref<1x50xi32, #tpu.memory_space<vmem>> -> memref<50xi32, #tpu.memory_space<vmem>>
    %dma_start3A_107 = arith.constant 0 : i32
    %dma_start3A_108 = arith.constant 0 : i32
    %dma_start3A_109 = tpu.memref_slice %arg4[%dma_start3A_107, %dma_start3A_108] : memref<1000000x64xf32, #tpu.memory_space<hbm>> -> memref<1000000x64xf32, #tpu.memory_space<hbm>>
    tpu.enqueue_indirect_dma source(%dma_start3A_109 : memref<1000000x64xf32, #tpu.memory_space<hbm>>) target(%dma_start3A_103 : memref<50x64xf32, #tpu.memory_space<vmem>>) offsets(%dma_start3A_106 : memref<50xi32, #tpu.memory_space<vmem>>) semaphore(%arg14 : memref<!tpu.dma_semaphore, #tpu.memory_space<semaphore_mem>>)
    %dma_start3A_110 = arith.constant 9 : i32
    %dma_start3A_111 = arith.constant 1 : i32
    %dma_start3A_112 = arith.constant 0 : i32
    %dma_start3A_113 = arith.constant 0 : i32
    %dma_start3A_114 = tpu.memref_slice %arg10[%dma_start3A_111, %dma_start3A_112, %dma_start3A_113] : memref<4x50x64xf32, #tpu.memory_space<vmem>> -> memref<1x50x64xf32, #tpu.memory_space<vmem>>
    %dma_start3A_115 = tpu.memref_squeeze %dma_start3A_114 : memref<1x50x64xf32, #tpu.memory_space<vmem>> -> memref<50x64xf32, #tpu.memory_space<vmem>>
    %dma_start3A_116 = arith.constant 0 : i32
    %dma_start3A_117 = tpu.memref_slice %arg6[%dma_start3A_110, %dma_start3A_116] : memref<512x50xi32, #tpu.memory_space<vmem>> -> memref<1x50xi32, #tpu.memory_space<vmem>>
    %dma_start3A_118 = tpu.memref_squeeze %dma_start3A_117 : memref<1x50xi32, #tpu.memory_space<vmem>> -> memref<50xi32, #tpu.memory_space<vmem>>
    %dma_start3A_119 = arith.constant 0 : i32
    %dma_start3A_120 = arith.constant 0 : i32
    %dma_start3A_121 = tpu.memref_slice %arg4[%dma_start3A_119, %dma_start3A_120] : memref<1000000x64xf32, #tpu.memory_space<hbm>> -> memref<1000000x64xf32, #tpu.memory_space<hbm>>
    tpu.enqueue_indirect_dma source(%dma_start3A_121 : memref<1000000x64xf32, #tpu.memory_space<hbm>>) target(%dma_start3A_115 : memref<50x64xf32, #tpu.memory_space<vmem>>) offsets(%dma_start3A_118 : memref<50xi32, #tpu.memory_space<vmem>>) semaphore(%arg14 : memref<!tpu.dma_semaphore, #tpu.memory_space<semaphore_mem>>)
    %dma_start3A_122 = arith.constant 10 : i32
    %dma_start3A_123 = arith.constant 2 : i32
    %dma_start3A_124 = arith.constant 0 : i32
    %dma_start3A_125 = arith.constant 0 : i32
    %dma_start3A_126 = tpu.memref_slice %arg10[%dma_start3A_123, %dma_start3A_124, %dma_start3A_125] : memref<4x50x64xf32, #tpu.memory_space<vmem>> -> memref<1x50x64xf32, #tpu.memory_space<vmem>>
    %dma_start3A_127 = tpu.memref_squeeze %dma_start3A_126 : memref<1x50x64xf32, #tpu.memory_space<vmem>> -> memref<50x64xf32, #tpu.memory_space<vmem>>
    %dma_start3A_128 = arith.constant 0 : i32
    %dma_start3A_129 = tpu.memref_slice %arg6[%dma_start3A_122, %dma_start3A_128] : memref<512x50xi32, #tpu.memory_space<vmem>> -> memref<1x50xi32, #tpu.memory_space<vmem>>
    %dma_start3A_130 = tpu.memref_squeeze %dma_start3A_129 : memref<1x50xi32, #tpu.memory_space<vmem>> -> memref<50xi32, #tpu.memory_space<vmem>>
    %dma_start3A_131 = arith.constant 0 : i32
    %dma_start3A_132 = arith.constant 0 : i32
    %dma_start3A_133 = tpu.memref_slice %arg4[%dma_start3A_131, %dma_start3A_132] : memref<1000000x64xf32, #tpu.memory_space<hbm>> -> memref<1000000x64xf32, #tpu.memory_space<hbm>>
    tpu.enqueue_indirect_dma source(%dma_start3A_133 : memref<1000000x64xf32, #tpu.memory_space<hbm>>) target(%dma_start3A_127 : memref<50x64xf32, #tpu.memory_space<vmem>>) offsets(%dma_start3A_130 : memref<50xi32, #tpu.memory_space<vmem>>) semaphore(%arg14 : memref<!tpu.dma_semaphore, #tpu.memory_space<semaphore_mem>>)
    %dma_start3A_134 = arith.constant 11 : i32
    %dma_start3A_135 = arith.constant 3 : i32
    %dma_start3A_136 = arith.constant 0 : i32
    %dma_start3A_137 = arith.constant 0 : i32
    %dma_start3A_138 = tpu.memref_slice %arg10[%dma_start3A_135, %dma_start3A_136, %dma_start3A_137] : memref<4x50x64xf32, #tpu.memory_space<vmem>> -> memref<1x50x64xf32, #tpu.memory_space<vmem>>
    %dma_start3A_139 = tpu.memref_squeeze %dma_start3A_138 : memref<1x50x64xf32, #tpu.memory_space<vmem>> -> memref<50x64xf32, #tpu.memory_space<vmem>>
    %dma_start3A_140 = arith.constant 0 : i32
    %dma_start3A_141 = tpu.memref_slice %arg6[%dma_start3A_134, %dma_start3A_140] : memref<512x50xi32, #tpu.memory_space<vmem>> -> memref<1x50xi32, #tpu.memory_space<vmem>>
    %dma_start3A_142 = tpu.memref_squeeze %dma_start3A_141 : memref<1x50xi32, #tpu.memory_space<vmem>> -> memref<50xi32, #tpu.memory_space<vmem>>
    %dma_start3A_143 = arith.constant 0 : i32
    %dma_start3A_144 = arith.constant 0 : i32
    %dma_start3A_145 = tpu.memref_slice %arg4[%dma_start3A_143, %dma_start3A_144] : memref<1000000x64xf32, #tpu.memory_space<hbm>> -> memref<1000000x64xf32, #tpu.memory_space<hbm>>
    tpu.enqueue_indirect_dma source(%dma_start3A_145 : memref<1000000x64xf32, #tpu.memory_space<hbm>>) target(%dma_start3A_139 : memref<50x64xf32, #tpu.memory_space<vmem>>) offsets(%dma_start3A_142 : memref<50xi32, #tpu.memory_space<vmem>>) semaphore(%arg14 : memref<!tpu.dma_semaphore, #tpu.memory_space<semaphore_mem>>)
    %scan3A = arith.constant 0 : i32
    %scan3A_146 = arith.constant 0 : i32
    %scan3A_147 = arith.constant 32 : i32
    %scan3A_148 = arith.addi %scan3A_146, %scan3A_147 : i32
    %scan3A_149 = arith.constant 1 : i32
    scf.for %scan3A_182 = %scan3A_146 to %scan3A_148 step %scan3A_149  : i32 {
      %mul3A_183 = arith.constant 4 : i32
      %mul3A_184 = arith.muli %mul3A_183, %scan3A_182 : i32
      %add3A_185 = arith.constant 0 : i32
      %add3A_186 = arith.addi %mul3A_184, %add3A_185 : i32
      %mul3A_187 = arith.constant 4 : i32
      %mul3A_188 = arith.muli %mul3A_187, %add3A_186 : i32
      %add3A_189 = arith.constant 0 : i32
      %add3A_190 = arith.addi %mul3A_188, %add3A_189 : i32
      %dma_wait3A_191 = arith.constant 0 : i32
      %dma_wait3A_192 = arith.constant 0 : i32
      %dma_wait3A_193 = arith.constant 0 : i32
      %dma_wait3A_194 = tpu.memref_slice %arg8[%dma_wait3A_191, %dma_wait3A_192, %dma_wait3A_193] : memref<4x50x64xf32, #tpu.memory_space<vmem>> -> memref<1x50x64xf32, #tpu.memory_space<vmem>>
      %dma_wait3A_195 = tpu.memref_squeeze %dma_wait3A_194 : memref<1x50x64xf32, #tpu.memory_space<vmem>> -> memref<50x64xf32, #tpu.memory_space<vmem>>
      %dma_wait3A_196 = arith.constant 0 : i32
      %dma_wait3A_197 = tpu.memref_slice %arg6[%add3A_190, %dma_wait3A_196] : memref<512x50xi32, #tpu.memory_space<vmem>> -> memref<1x50xi32, #tpu.memory_space<vmem>>
      %dma_wait3A_198 = tpu.memref_squeeze %dma_wait3A_197 : memref<1x50xi32, #tpu.memory_space<vmem>> -> memref<50xi32, #tpu.memory_space<vmem>>
      %dma_wait3A_199 = arith.constant 0 : i32
      %dma_wait3A_200 = arith.constant 0 : i32
      %dma_wait3A_201 = tpu.memref_slice %arg4[%dma_wait3A_199, %dma_wait3A_200] : memref<1000000x64xf32, #tpu.memory_space<hbm>> -> memref<1000000x64xf32, #tpu.memory_space<hbm>>
      tpu.wait_indirect_dma semaphore(%arg12 : memref<!tpu.dma_semaphore, #tpu.memory_space<semaphore_mem>>) src(%dma_wait3A_201 : memref<1000000x64xf32, #tpu.memory_space<hbm>>) dst(%dma_wait3A_195 : memref<50x64xf32, #tpu.memory_space<vmem>>)
      %mul3A_202 = arith.constant 4 : i32
      %mul3A_203 = arith.muli %mul3A_202, %add3A_186 : i32
      %add3A_204 = arith.constant 1 : i32
      %add3A_205 = arith.addi %mul3A_203, %add3A_204 : i32
      %dma_wait3A_206 = arith.constant 1 : i32
      %dma_wait3A_207 = arith.constant 0 : i32
      %dma_wait3A_208 = arith.constant 0 : i32
      %dma_wait3A_209 = tpu.memref_slice %arg8[%dma_wait3A_206, %dma_wait3A_207, %dma_wait3A_208] : memref<4x50x64xf32, #tpu.memory_space<vmem>> -> memref<1x50x64xf32, #tpu.memory_space<vmem>>
      %dma_wait3A_210 = tpu.memref_squeeze %dma_wait3A_209 : memref<1x50x64xf32, #tpu.memory_space<vmem>> -> memref<50x64xf32, #tpu.memory_space<vmem>>
      %dma_wait3A_211 = arith.constant 0 : i32
      %dma_wait3A_212 = tpu.memref_slice %arg6[%add3A_205, %dma_wait3A_211] : memref<512x50xi32, #tpu.memory_space<vmem>> -> memref<1x50xi32, #tpu.memory_space<vmem>>
      %dma_wait3A_213 = tpu.memref_squeeze %dma_wait3A_212 : memref<1x50xi32, #tpu.memory_space<vmem>> -> memref<50xi32, #tpu.memory_space<vmem>>
      %dma_wait3A_214 = arith.constant 0 : i32
      %dma_wait3A_215 = arith.constant 0 : i32
      %dma_wait3A_216 = tpu.memref_slice %arg4[%dma_wait3A_214, %dma_wait3A_215] : memref<1000000x64xf32, #tpu.memory_space<hbm>> -> memref<1000000x64xf32, #tpu.memory_space<hbm>>
      tpu.wait_indirect_dma semaphore(%arg12 : memref<!tpu.dma_semaphore, #tpu.memory_space<semaphore_mem>>) src(%dma_wait3A_216 : memref<1000000x64xf32, #tpu.memory_space<hbm>>) dst(%dma_wait3A_210 : memref<50x64xf32, #tpu.memory_space<vmem>>)
      %mul3A_217 = arith.constant 4 : i32
      %mul3A_218 = arith.muli %mul3A_217, %add3A_186 : i32
      %add3A_219 = arith.constant 2 : i32
      %add3A_220 = arith.addi %mul3A_218, %add3A_219 : i32
      %dma_wait3A_221 = arith.constant 2 : i32
      %dma_wait3A_222 = arith.constant 0 : i32
      %dma_wait3A_223 = arith.constant 0 : i32
      %dma_wait3A_224 = tpu.memref_slice %arg8[%dma_wait3A_221, %dma_wait3A_222, %dma_wait3A_223] : memref<4x50x64xf32, #tpu.memory_space<vmem>> -> memref<1x50x64xf32, #tpu.memory_space<vmem>>
      %dma_wait3A_225 = tpu.memref_squeeze %dma_wait3A_224 : memref<1x50x64xf32, #tpu.memory_space<vmem>> -> memref<50x64xf32, #tpu.memory_space<vmem>>
      %dma_wait3A_226 = arith.constant 0 : i32
      %dma_wait3A_227 = tpu.memref_slice %arg6[%add3A_220, %dma_wait3A_226] : memref<512x50xi32, #tpu.memory_space<vmem>> -> memref<1x50xi32, #tpu.memory_space<vmem>>
      %dma_wait3A_228 = tpu.memref_squeeze %dma_wait3A_227 : memref<1x50xi32, #tpu.memory_space<vmem>> -> memref<50xi32, #tpu.memory_space<vmem>>
      %dma_wait3A_229 = arith.constant 0 : i32
      %dma_wait3A_230 = arith.constant 0 : i32
      %dma_wait3A_231 = tpu.memref_slice %arg4[%dma_wait3A_229, %dma_wait3A_230] : memref<1000000x64xf32, #tpu.memory_space<hbm>> -> memref<1000000x64xf32, #tpu.memory_space<hbm>>
      tpu.wait_indirect_dma semaphore(%arg12 : memref<!tpu.dma_semaphore, #tpu.memory_space<semaphore_mem>>) src(%dma_wait3A_231 : memref<1000000x64xf32, #tpu.memory_space<hbm>>) dst(%dma_wait3A_225 : memref<50x64xf32, #tpu.memory_space<vmem>>)
      %mul3A_232 = arith.constant 4 : i32
      %mul3A_233 = arith.muli %mul3A_232, %add3A_186 : i32
      %add3A_234 = arith.constant 3 : i32
      %add3A_235 = arith.addi %mul3A_233, %add3A_234 : i32
      %dma_wait3A_236 = arith.constant 3 : i32
      %dma_wait3A_237 = arith.constant 0 : i32
      %dma_wait3A_238 = arith.constant 0 : i32
      %dma_wait3A_239 = tpu.memref_slice %arg8[%dma_wait3A_236, %dma_wait3A_237, %dma_wait3A_238] : memref<4x50x64xf32, #tpu.memory_space<vmem>> -> memref<1x50x64xf32, #tpu.memory_space<vmem>>
      %dma_wait3A_240 = tpu.memref_squeeze %dma_wait3A_239 : memref<1x50x64xf32, #tpu.memory_space<vmem>> -> memref<50x64xf32, #tpu.memory_space<vmem>>
      %dma_wait3A_241 = arith.constant 0 : i32
      %dma_wait3A_242 = tpu.memref_slice %arg6[%add3A_235, %dma_wait3A_241] : memref<512x50xi32, #tpu.memory_space<vmem>> -> memref<1x50xi32, #tpu.memory_space<vmem>>
      %dma_wait3A_243 = tpu.memref_squeeze %dma_wait3A_242 : memref<1x50xi32, #tpu.memory_space<vmem>> -> memref<50xi32, #tpu.memory_space<vmem>>
      %dma_wait3A_244 = arith.constant 0 : i32
      %dma_wait3A_245 = arith.constant 0 : i32
      %dma_wait3A_246 = tpu.memref_slice %arg4[%dma_wait3A_244, %dma_wait3A_245] : memref<1000000x64xf32, #tpu.memory_space<hbm>> -> memref<1000000x64xf32, #tpu.memory_space<hbm>>
      tpu.wait_indirect_dma semaphore(%arg12 : memref<!tpu.dma_semaphore, #tpu.memory_space<semaphore_mem>>) src(%dma_wait3A_246 : memref<1000000x64xf32, #tpu.memory_space<hbm>>) dst(%dma_wait3A_240 : memref<50x64xf32, #tpu.memory_space<vmem>>)
      %scan3A_247 = arith.constant 0 : i32
      %scan3A_248 = arith.constant 0 : i32
      %scan3A_249 = arith.constant 50 : i32
      %scan3A_250 = arith.addi %scan3A_248, %scan3A_249 : i32
      %scan3A_251 = arith.constant 1 : i32
      scf.for %scan3A_531 = %scan3A_248 to %scan3A_250 step %scan3A_251  : i32 {
        %get3A = arith.index_cast %scan3A_531 : i32 to index
        %get3A_532 = arith.constant 0 : index
        %get3A_533 = tpu.vector_load %arg7[%get3A, %get3A_532] {strides = array<i32>} : memref<50x64xf32, #tpu.memory_space<vmem>>, vector<1x16xf32>,
        %get3A_534 = vector.shape_cast %get3A_533 : vector<1x16xf32> to vector<16xf32>
        %get3A_535 = arith.constant 0 : i32
        %get3A_536 = arith.index_cast %get3A_535 : i32 to index
        %get3A_537 = arith.index_cast %scan3A_531 : i32 to index
        %get3A_538 = arith.constant 0 : index
        %get3A_539 = tpu.vector_load %arg8[%get3A_536, %get3A_537, %get3A_538] {strides = array<i32>} : memref<4x50x64xf32, #tpu.memory_space<vmem>>, vector<1x1x16xf32>,
        %get3A_540 = vector.shape_cast %get3A_539 : vector<1x1x16xf32> to vector<16xf32>
        %add3A_541 = arith.addf %get3A_540, %get3A_534 : vector<16xf32>
        %swap3A = arith.constant 0 : i32
        %swap3A_542 = arith.index_cast %swap3A : i32 to index
        %swap3A_543 = arith.index_cast %scan3A_531 : i32 to index
        %swap3A_544 = arith.constant 0 : index
        %swap3A_545 = tpu.vector_load %arg8[%swap3A_542, %swap3A_543, %swap3A_544] {strides = array<i32>} : memref<4x50x64xf32, #tpu.memory_space<vmem>>, vector<1x1x16xf32>,
        %swap3A_546 = vector.shape_cast %swap3A_545 : vector<1x1x16xf32> to vector<16xf32>
        %swap3A_547 = vector.shape_cast %add3A_541 : vector<16xf32> to vector<1x1x16xf32>
        tpu.vector_store %arg8[%swap3A_542, %swap3A_543, %swap3A_544], %swap3A_547 {strides = array<i32>} : memref<4x50x64xf32, #tpu.memory_space<vmem>>, vector<1x1x16xf32>,
        %get3A_548 = arith.constant 1 : i32
        %get3A_549 = arith.index_cast %get3A_548 : i32 to index
        %get3A_550 = arith.index_cast %scan3A_531 : i32 to index
        %get3A_551 = arith.constant 0 : index
        %get3A_552 = tpu.vector_load %arg8[%get3A_549, %get3A_550, %get3A_551] {strides = array<i32>} : memref<4x50x64xf32, #tpu.memory_space<vmem>>, vector<1x1x16xf32>,
        %get3A_553 = vector.shape_cast %get3A_552 : vector<1x1x16xf32> to vector<16xf32>
        %add3A_554 = arith.addf %get3A_553, %get3A_534 : vector<16xf32>
        %swap3A_555 = arith.constant 1 : i32
        %swap3A_556 = arith.index_cast %swap3A_555 : i32 to index
        %swap3A_557 = arith.index_cast %scan3A_531 : i32 to index
        %swap3A_558 = arith.constant 0 : index
        %swap3A_559 = tpu.vector_load %arg8[%swap3A_556, %swap3A_557, %swap3A_558] {strides = array<i32>} : memref<4x50x64xf32, #tpu.memory_space<vmem>>, vector<1x1x16xf32>,
        %swap3A_560 = vector.shape_cast %swap3A_559 : vector<1x1x16xf32> to vector<16xf32>
        %swap3A_561 = vector.shape_cast %add3A_554 : vector<16xf32> to vector<1x1x16xf32>
        tpu.vector_store %arg8[%swap3A_556, %swap3A_557, %swap3A_558], %swap3A_561 {strides = array<i32>} : memref<4x50x64xf32, #tpu.memory_space<vmem>>, vector<1x1x16xf32>,
        %get3A_562 = arith.constant 2 : i32
        %get3A_563 = arith.index_cast %get3A_562 : i32 to index
        %get3A_564 = arith.index_cast %scan3A_531 : i32 to index
        %get3A_565 = arith.constant 0 : index
        %get3A_566 = tpu.vector_load %arg8[%get3A_563, %get3A_564, %get3A_565] {strides = array<i32>} : memref<4x50x64xf32, #tpu.memory_space<vmem>>, vector<1x1x16xf32>,
        %get3A_567 = vector.shape_cast %get3A_566 : vector<1x1x16xf32> to vector<16xf32>
        %add3A_568 = arith.addf %get3A_567, %get3A_534 : vector<16xf32>
        %swap3A_569 = arith.constant 2 : i32
        %swap3A_570 = arith.index_cast %swap3A_569 : i32 to index
        %swap3A_571 = arith.index_cast %scan3A_531 : i32 to index
        %swap3A_572 = arith.constant 0 : index
        %swap3A_573 = tpu.vector_load %arg8[%swap3A_570, %swap3A_571, %swap3A_572] {strides = array<i32>} : memref<4x50x64xf32, #tpu.memory_space<vmem>>, vector<1x1x16xf32>,
        %swap3A_574 = vector.shape_cast %swap3A_573 : vector<1x1x16xf32> to vector<16xf32>
        %swap3A_575 = vector.shape_cast %add3A_568 : vector<16xf32> to vector<1x1x16xf32>
        tpu.vector_store %arg8[%swap3A_570, %swap3A_571, %swap3A_572], %swap3A_575 {strides = array<i32>} : memref<4x50x64xf32, #tpu.memory_space<vmem>>, vector<1x1x16xf32>,
        %get3A_576 = arith.constant 3 : i32
        %get3A_577 = arith.index_cast %get3A_576 : i32 to index
        %get3A_578 = arith.index_cast %scan3A_531 : i32 to index
        %get3A_579 = arith.constant 0 : index
        %get3A_580 = tpu.vector_load %arg8[%get3A_577, %get3A_578, %get3A_579] {strides = array<i32>} : memref<4x50x64xf32, #tpu.memory_space<vmem>>, vector<1x1x16xf32>,
        %get3A_581 = vector.shape_cast %get3A_580 : vector<1x1x16xf32> to vector<16xf32>
        %add3A_582 = arith.addf %get3A_581, %get3A_534 : vector<16xf32>
        %swap3A_583 = arith.constant 3 : i32
        %swap3A_584 = arith.index_cast %swap3A_583 : i32 to index
        %swap3A_585 = arith.index_cast %scan3A_531 : i32 to index
        %swap3A_586 = arith.constant 0 : index
        %swap3A_587 = tpu.vector_load %arg8[%swap3A_584, %swap3A_585, %swap3A_586] {strides = array<i32>} : memref<4x50x64xf32, #tpu.memory_space<vmem>>, vector<1x1x16xf32>,
        %swap3A_588 = vector.shape_cast %swap3A_587 : vector<1x1x16xf32> to vector<16xf32>
        %swap3A_589 = vector.shape_cast %add3A_582 : vector<16xf32> to vector<1x1x16xf32>
        tpu.vector_store %arg8[%swap3A_584, %swap3A_585, %swap3A_586], %swap3A_589 {strides = array<i32>} : memref<4x50x64xf32, #tpu.memory_space<vmem>>, vector<1x1x16xf32>,
        %get3A_590 = arith.index_cast %scan3A_531 : i32 to index
        %get3A_591 = arith.constant 16 : index
        %get3A_592 = tpu.vector_load %arg7[%get3A_590, %get3A_591] {strides = array<i32>} : memref<50x64xf32, #tpu.memory_space<vmem>>, vector<1x16xf32>,
        %get3A_593 = vector.shape_cast %get3A_592 : vector<1x16xf32> to vector<16xf32>
        %get3A_594 = arith.constant 0 : i32
        %get3A_595 = arith.index_cast %get3A_594 : i32 to index
        %get3A_596 = arith.index_cast %scan3A_531 : i32 to index
        %get3A_597 = arith.constant 16 : index
        %get3A_598 = tpu.vector_load %arg8[%get3A_595, %get3A_596, %get3A_597] {strides = array<i32>} : memref<4x50x64xf32, #tpu.memory_space<vmem>>, vector<1x1x16xf32>,
        %get3A_599 = vector.shape_cast %get3A_598 : vector<1x1x16xf32> to vector<16xf32>
        %add3A_600 = arith.addf %get3A_599, %get3A_593 : vector<16xf32>
        %swap3A_601 = arith.constant 0 : i32
        %swap3A_602 = arith.index_cast %swap3A_601 : i32 to index
        %swap3A_603 = arith.index_cast %scan3A_531 : i32 to index
        %swap3A_604 = arith.constant 16 : index
        %swap3A_605 = tpu.vector_load %arg8[%swap3A_602, %swap3A_603, %swap3A_604] {strides = array<i32>} : memref<4x50x64xf32, #tpu.memory_space<vmem>>, vector<1x1x16xf32>,
        %swap3A_606 = vector.shape_cast %swap3A_605 : vector<1x1x16xf32> to vector<16xf32>
        %swap3A_607 = vector.shape_cast %add3A_600 : vector<16xf32> to vector<1x1x16xf32>
        tpu.vector_store %arg8[%swap3A_602, %swap3A_603, %swap3A_604], %swap3A_607 {strides = array<i32>} : memref<4x50x64xf32, #tpu.memory_space<vmem>>, vector<1x1x16xf32>,
        %get3A_608 = arith.constant 1 : i32
        %get3A_609 = arith.index_cast %get3A_608 : i32 to index
        %get3A_610 = arith.index_cast %scan3A_531 : i32 to index
        %get3A_611 = arith.constant 16 : index
        %get3A_612 = tpu.vector_load %arg8[%get3A_609, %get3A_610, %get3A_611] {strides = array<i32>} : memref<4x50x64xf32, #tpu.memory_space<vmem>>, vector<1x1x16xf32>,
        %get3A_613 = vector.shape_cast %get3A_612 : vector<1x1x16xf32> to vector<16xf32>
        %add3A_614 = arith.addf %get3A_613, %get3A_593 : vector<16xf32>
        %swap3A_615 = arith.constant 1 : i32
        %swap3A_616 = arith.index_cast %swap3A_615 : i32 to index
        %swap3A_617 = arith.index_cast %scan3A_531 : i32 to index
        %swap3A_618 = arith.constant 16 : index
        %swap3A_619 = tpu.vector_load %arg8[%swap3A_616, %swap3A_617, %swap3A_618] {strides = array<i32>} : memref<4x50x64xf32, #tpu.memory_space<vmem>>, vector<1x1x16xf32>,
        %swap3A_620 = vector.shape_cast %swap3A_619 : vector<1x1x16xf32> to vector<16xf32>
        %swap3A_621 = vector.shape_cast %add3A_614 : vector<16xf32> to vector<1x1x16xf32>
        tpu.vector_store %arg8[%swap3A_616, %swap3A_617, %swap3A_618], %swap3A_621 {strides = array<i32>} : memref<4x50x64xf32, #tpu.memory_space<vmem>>, vector<1x1x16xf32>,
        %get3A_622 = arith.constant 2 : i32
        %get3A_623 = arith.index_cast %get3A_622 : i32 to index
        %get3A_624 = arith.index_cast %scan3A_531 : i32 to index
        %get3A_625 = arith.constant 16 : index
        %get3A_626 = tpu.vector_load %arg8[%get3A_623, %get3A_624, %get3A_625] {strides = array<i32>} : memref<4x50x64xf32, #tpu.memory_space<vmem>>, vector<1x1x16xf32>,
        %get3A_627 = vector.shape_cast %get3A_626 : vector<1x1x16xf32> to vector<16xf32>
        %add3A_628 = arith.addf %get3A_627, %get3A_593 : vector<16xf32>
        %swap3A_629 = arith.constant 2 : i32
        %swap3A_630 = arith.index_cast %swap3A_629 : i32 to index
        %swap3A_631 = arith.index_cast %scan3A_531 : i32 to index
        %swap3A_632 = arith.constant 16 : index
        %swap3A_633 = tpu.vector_load %arg8[%swap3A_630, %swap3A_631, %swap3A_632] {strides = array<i32>} : memref<4x50x64xf32, #tpu.memory_space<vmem>>, vector<1x1x16xf32>,
        %swap3A_634 = vector.shape_cast %swap3A_633 : vector<1x1x16xf32> to vector<16xf32>
        %swap3A_635 = vector.shape_cast %add3A_628 : vector<16xf32> to vector<1x1x16xf32>
        tpu.vector_store %arg8[%swap3A_630, %swap3A_631, %swap3A_632], %swap3A_635 {strides = array<i32>} : memref<4x50x64xf32, #tpu.memory_space<vmem>>, vector<1x1x16xf32>,
        %get3A_636 = arith.constant 3 : i32
        %get3A_637 = arith.index_cast %get3A_636 : i32 to index
        %get3A_638 = arith.index_cast %scan3A_531 : i32 to index
        %get3A_639 = arith.constant 16 : index
        %get3A_640 = tpu.vector_load %arg8[%get3A_637, %get3A_638, %get3A_639] {strides = array<i32>} : memref<4x50x64xf32, #tpu.memory_space<vmem>>, vector<1x1x16xf32>,
        %get3A_641 = vector.shape_cast %get3A_640 : vector<1x1x16xf32> to vector<16xf32>
        %add3A_642 = arith.addf %get3A_641, %get3A_593 : vector<16xf32>
        %swap3A_643 = arith.constant 3 : i32
        %swap3A_644 = arith.index_cast %swap3A_643 : i32 to index
        %swap3A_645 = arith.index_cast %scan3A_531 : i32 to index
        %swap3A_646 = arith.constant 16 : index
        %swap3A_647 = tpu.vector_load %arg8[%swap3A_644, %swap3A_645, %swap3A_646] {strides = array<i32>} : memref<4x50x64xf32, #tpu.memory_space<vmem>>, vector<1x1x16xf32>,
        %swap3A_648 = vector.shape_cast %swap3A_647 : vector<1x1x16xf32> to vector<16xf32>
        %swap3A_649 = vector.shape_cast %add3A_642 : vector<16xf32> to vector<1x1x16xf32>
        tpu.vector_store %arg8[%swap3A_644, %swap3A_645, %swap3A_646], %swap3A_649 {strides = array<i32>} : memref<4x50x64xf32, #tpu.memory_space<vmem>>, vector<1x1x16xf32>,
        %get3A_650 = arith.index_cast %scan3A_531 : i32 to index
        %get3A_651 = arith.constant 32 : index
        %get3A_652 = tpu.vector_load %arg7[%get3A_650, %get3A_651] {strides = array<i32>} : memref<50x64xf32, #tpu.memory_space<vmem>>, vector<1x16xf32>,
        %get3A_653 = vector.shape_cast %get3A_652 : vector<1x16xf32> to vector<16xf32>
        %get3A_654 = arith.constant 0 : i32
        %get3A_655 = arith.index_cast %get3A_654 : i32 to index
        %get3A_656 = arith.index_cast %scan3A_531 : i32 to index
        %get3A_657 = arith.constant 32 : index
        %get3A_658 = tpu.vector_load %arg8[%get3A_655, %get3A_656, %get3A_657] {strides = array<i32>} : memref<4x50x64xf32, #tpu.memory_space<vmem>>, vector<1x1x16xf32>,
        %get3A_659 = vector.shape_cast %get3A_658 : vector<1x1x16xf32> to vector<16xf32>
        %add3A_660 = arith.addf %get3A_659, %get3A_653 : vector<16xf32>
        %swap3A_661 = arith.constant 0 : i32
        %swap3A_662 = arith.index_cast %swap3A_661 : i32 to index
        %swap3A_663 = arith.index_cast %scan3A_531 : i32 to index
        %swap3A_664 = arith.constant 32 : index
        %swap3A_665 = tpu.vector_load %arg8[%swap3A_662, %swap3A_663, %swap3A_664] {strides = array<i32>} : memref<4x50x64xf32, #tpu.memory_space<vmem>>, vector<1x1x16xf32>,
        %swap3A_666 = vector.shape_cast %swap3A_665 : vector<1x1x16xf32> to vector<16xf32>
        %swap3A_667 = vector.shape_cast %add3A_660 : vector<16xf32> to vector<1x1x16xf32>
        tpu.vector_store %arg8[%swap3A_662, %swap3A_663, %swap3A_664], %swap3A_667 {strides = array<i32>} : memref<4x50x64xf32, #tpu.memory_space<vmem>>, vector<1x1x16xf32>,
        %get3A_668 = arith.constant 1 : i32
        %get3A_669 = arith.index_cast %get3A_668 : i32 to index
        %get3A_670 = arith.index_cast %scan3A_531 : i32 to index
        %get3A_671 = arith.constant 32 : index
        %get3A_672 = tpu.vector_load %arg8[%get3A_669, %get3A_670, %get3A_671] {strides = array<i32>} : memref<4x50x64xf32, #tpu.memory_space<vmem>>, vector<1x1x16xf32>,
        %get3A_673 = vector.shape_cast %get3A_672 : vector<1x1x16xf32> to vector<16xf32>
        %add3A_674 = arith.addf %get3A_673, %get3A_653 : vector<16xf32>
        %swap3A_675 = arith.constant 1 : i32
        %swap3A_676 = arith.index_cast %swap3A_675 : i32 to index
        %swap3A_677 = arith.index_cast %scan3A_531 : i32 to index
        %swap3A_678 = arith.constant 32 : index
        %swap3A_679 = tpu.vector_load %arg8[%swap3A_676, %swap3A_677, %swap3A_678] {strides = array<i32>} : memref<4x50x64xf32, #tpu.memory_space<vmem>>, vector<1x1x16xf32>,
        %swap3A_680 = vector.shape_cast %swap3A_679 : vector<1x1x16xf32> to vector<16xf32>
        %swap3A_681 = vector.shape_cast %add3A_674 : vector<16xf32> to vector<1x1x16xf32>
        tpu.vector_store %arg8[%swap3A_676, %swap3A_677, %swap3A_678], %swap3A_681 {strides = array<i32>} : memref<4x50x64xf32, #tpu.memory_space<vmem>>, vector<1x1x16xf32>,
        %get3A_682 = arith.constant 2 : i32
        %get3A_683 = arith.index_cast %get3A_682 : i32 to index
        %get3A_684 = arith.index_cast %scan3A_531 : i32 to index
        %get3A_685 = arith.constant 32 : index
        %get3A_686 = tpu.vector_load %arg8[%get3A_683, %get3A_684, %get3A_685] {strides = array<i32>} : memref<4x50x64xf32, #tpu.memory_space<vmem>>, vector<1x1x16xf32>,
        %get3A_687 = vector.shape_cast %get3A_686 : vector<1x1x16xf32> to vector<16xf32>
        %add3A_688 = arith.addf %get3A_687, %get3A_653 : vector<16xf32>
        %swap3A_689 = arith.constant 2 : i32
        %swap3A_690 = arith.index_cast %swap3A_689 : i32 to index
        %swap3A_691 = arith.index_cast %scan3A_531 : i32 to index
        %swap3A_692 = arith.constant 32 : index
        %swap3A_693 = tpu.vector_load %arg8[%swap3A_690, %swap3A_691, %swap3A_692] {strides = array<i32>} : memref<4x50x64xf32, #tpu.memory_space<vmem>>, vector<1x1x16xf32>,
        %swap3A_694 = vector.shape_cast %swap3A_693 : vector<1x1x16xf32> to vector<16xf32>
        %swap3A_695 = vector.shape_cast %add3A_688 : vector<16xf32> to vector<1x1x16xf32>
        tpu.vector_store %arg8[%swap3A_690, %swap3A_691, %swap3A_692], %swap3A_695 {strides = array<i32>} : memref<4x50x64xf32, #tpu.memory_space<vmem>>, vector<1x1x16xf32>,
        %get3A_696 = arith.constant 3 : i32
        %get3A_697 = arith.index_cast %get3A_696 : i32 to index
        %get3A_698 = arith.index_cast %scan3A_531 : i32 to index
        %get3A_699 = arith.constant 32 : index
        %get3A_700 = tpu.vector_load %arg8[%get3A_697, %get3A_698, %get3A_699] {strides = array<i32>} : memref<4x50x64xf32, #tpu.memory_space<vmem>>, vector<1x1x16xf32>,
        %get3A_701 = vector.shape_cast %get3A_700 : vector<1x1x16xf32> to vector<16xf32>
        %add3A_702 = arith.addf %get3A_701, %get3A_653 : vector<16xf32>
        %swap3A_703 = arith.constant 3 : i32
        %swap3A_704 = arith.index_cast %swap3A_703 : i32 to index
        %swap3A_705 = arith.index_cast %scan3A_531 : i32 to index
        %swap3A_706 = arith.constant 32 : index
        %swap3A_707 = tpu.vector_load %arg8[%swap3A_704, %swap3A_705, %swap3A_706] {strides = array<i32>} : memref<4x50x64xf32, #tpu.memory_space<vmem>>, vector<1x1x16xf32>,
        %swap3A_708 = vector.shape_cast %swap3A_707 : vector<1x1x16xf32> to vector<16xf32>
        %swap3A_709 = vector.shape_cast %add3A_702 : vector<16xf32> to vector<1x1x16xf32>
        tpu.vector_store %arg8[%swap3A_704, %swap3A_705, %swap3A_706], %swap3A_709 {strides = array<i32>} : memref<4x50x64xf32, #tpu.memory_space<vmem>>, vector<1x1x16xf32>,
        %get3A_710 = arith.index_cast %scan3A_531 : i32 to index
        %get3A_711 = arith.constant 48 : index
        %get3A_712 = tpu.vector_load %arg7[%get3A_710, %get3A_711] {strides = array<i32>} : memref<50x64xf32, #tpu.memory_space<vmem>>, vector<1x16xf32>,
        %get3A_713 = vector.shape_cast %get3A_712 : vector<1x16xf32> to vector<16xf32>
        %get3A_714 = arith.constant 0 : i32
        %get3A_715 = arith.index_cast %get3A_714 : i32 to index
        %get3A_716 = arith.index_cast %scan3A_531 : i32 to index
        %get3A_717 = arith.constant 48 : index
        %get3A_718 = tpu.vector_load %arg8[%get3A_715, %get3A_716, %get3A_717] {strides = array<i32>} : memref<4x50x64xf32, #tpu.memory_space<vmem>>, vector<1x1x16xf32>,
        %get3A_719 = vector.shape_cast %get3A_718 : vector<1x1x16xf32> to vector<16xf32>
        %add3A_720 = arith.addf %get3A_719, %get3A_713 : vector<16xf32>
        %swap3A_721 = arith.constant 0 : i32
        %swap3A_722 = arith.index_cast %swap3A_721 : i32 to index
        %swap3A_723 = arith.index_cast %scan3A_531 : i32 to index
        %swap3A_724 = arith.constant 48 : index
        %swap3A_725 = tpu.vector_load %arg8[%swap3A_722, %swap3A_723, %swap3A_724] {strides = array<i32>} : memref<4x50x64xf32, #tpu.memory_space<vmem>>, vector<1x1x16xf32>,
        %swap3A_726 = vector.shape_cast %swap3A_725 : vector<1x1x16xf32> to vector<16xf32>
        %swap3A_727 = vector.shape_cast %add3A_720 : vector<16xf32> to vector<1x1x16xf32>
        tpu.vector_store %arg8[%swap3A_722, %swap3A_723, %swap3A_724], %swap3A_727 {strides = array<i32>} : memref<4x50x64xf32, #tpu.memory_space<vmem>>, vector<1x1x16xf32>,
        %get3A_728 = arith.constant 1 : i32
        %get3A_729 = arith.index_cast %get3A_728 : i32 to index
        %get3A_730 = arith.index_cast %scan3A_531 : i32 to index
        %get3A_731 = arith.constant 48 : index
        %get3A_732 = tpu.vector_load %arg8[%get3A_729, %get3A_730, %get3A_731] {strides = array<i32>} : memref<4x50x64xf32, #tpu.memory_space<vmem>>, vector<1x1x16xf32>,
        %get3A_733 = vector.shape_cast %get3A_732 : vector<1x1x16xf32> to vector<16xf32>
        %add3A_734 = arith.addf %get3A_733, %get3A_713 : vector<16xf32>
        %swap3A_735 = arith.constant 1 : i32
        %swap3A_736 = arith.index_cast %swap3A_735 : i32 to index
        %swap3A_737 = arith.index_cast %scan3A_531 : i32 to index
        %swap3A_738 = arith.constant 48 : index
        %swap3A_739 = tpu.vector_load %arg8[%swap3A_736, %swap3A_737, %swap3A_738] {strides = array<i32>} : memref<4x50x64xf32, #tpu.memory_space<vmem>>, vector<1x1x16xf32>,
        %swap3A_740 = vector.shape_cast %swap3A_739 : vector<1x1x16xf32> to vector<16xf32>
        %swap3A_741 = vector.shape_cast %add3A_734 : vector<16xf32> to vector<1x1x16xf32>
        tpu.vector_store %arg8[%swap3A_736, %swap3A_737, %swap3A_738], %swap3A_741 {strides = array<i32>} : memref<4x50x64xf32, #tpu.memory_space<vmem>>, vector<1x1x16xf32>,
        %get3A_742 = arith.constant 2 : i32
        %get3A_743 = arith.index_cast %get3A_742 : i32 to index
        %get3A_744 = arith.index_cast %scan3A_531 : i32 to index
        %get3A_745 = arith.constant 48 : index
        %get3A_746 = tpu.vector_load %arg8[%get3A_743, %get3A_744, %get3A_745] {strides = array<i32>} : memref<4x50x64xf32, #tpu.memory_space<vmem>>, vector<1x1x16xf32>,
        %get3A_747 = vector.shape_cast %get3A_746 : vector<1x1x16xf32> to vector<16xf32>
        %add3A_748 = arith.addf %get3A_747, %get3A_713 : vector<16xf32>
        %swap3A_749 = arith.constant 2 : i32
        %swap3A_750 = arith.index_cast %swap3A_749 : i32 to index
        %swap3A_751 = arith.index_cast %scan3A_531 : i32 to index
        %swap3A_752 = arith.constant 48 : index
        %swap3A_753 = tpu.vector_load %arg8[%swap3A_750, %swap3A_751, %swap3A_752] {strides = array<i32>} : memref<4x50x64xf32, #tpu.memory_space<vmem>>, vector<1x1x16xf32>,
        %swap3A_754 = vector.shape_cast %swap3A_753 : vector<1x1x16xf32> to vector<16xf32>
        %swap3A_755 = vector.shape_cast %add3A_748 : vector<16xf32> to vector<1x1x16xf32>
        tpu.vector_store %arg8[%swap3A_750, %swap3A_751, %swap3A_752], %swap3A_755 {strides = array<i32>} : memref<4x50x64xf32, #tpu.memory_space<vmem>>, vector<1x1x16xf32>,
        %get3A_756 = arith.constant 3 : i32
        %get3A_757 = arith.index_cast %get3A_756 : i32 to index
        %get3A_758 = arith.index_cast %scan3A_531 : i32 to index
        %get3A_759 = arith.constant 48 : index
        %get3A_760 = tpu.vector_load %arg8[%get3A_757, %get3A_758, %get3A_759] {strides = array<i32>} : memref<4x50x64xf32, #tpu.memory_space<vmem>>, vector<1x1x16xf32>,
        %get3A_761 = vector.shape_cast %get3A_760 : vector<1x1x16xf32> to vector<16xf32>
        %add3A_762 = arith.addf %get3A_761, %get3A_713 : vector<16xf32>
        %swap3A_763 = arith.constant 3 : i32
        %swap3A_764 = arith.index_cast %swap3A_763 : i32 to index
        %swap3A_765 = arith.index_cast %scan3A_531 : i32 to index
        %swap3A_766 = arith.constant 48 : index
        %swap3A_767 = tpu.vector_load %arg8[%swap3A_764, %swap3A_765, %swap3A_766] {strides = array<i32>} : memref<4x50x64xf32, #tpu.memory_space<vmem>>, vector<1x1x16xf32>,
        %swap3A_768 = vector.shape_cast %swap3A_767 : vector<1x1x16xf32> to vector<16xf32>
        %swap3A_769 = vector.shape_cast %add3A_762 : vector<16xf32> to vector<1x1x16xf32>
        tpu.vector_store %arg8[%swap3A_764, %swap3A_765, %swap3A_766], %swap3A_769 {strides = array<i32>} : memref<4x50x64xf32, #tpu.memory_space<vmem>>, vector<1x1x16xf32>,
      }
      %scan3A_252 = arith.constant 50 : i32
      %mul3A_253 = arith.constant 4 : i32
      %mul3A_254 = arith.muli %mul3A_253, %add3A_186 : i32
      %add3A_255 = arith.addi %mul3A_2, %mul3A_254 : i32
      %dma_start3A_256 = arith.constant 0 : i32
      %dma_start3A_257 = arith.constant 0 : i32
      %dma_start3A_258 = tpu.memref_slice %arg5[%add3A_255, %dma_start3A_256, %dma_start3A_257] : memref<16384x50x64xf32, #tpu.memory_space<hbm>> -> memref<4x50x64xf32, #tpu.memory_space<hbm>>
      %dma_start3A_259 = arith.constant 0 : i32
      %dma_start3A_260 = arith.constant 0 : i32
      %dma_start3A_261 = tpu.memref_slice %arg5[%add3A_255, %dma_start3A_259, %dma_start3A_260] : memref<16384x50x64xf32, #tpu.memory_space<hbm>> -> memref<4x50x64xf32, #tpu.memory_space<hbm>>
      tpu.enqueue_dma source(%arg8 : memref<4x50x64xf32, #tpu.memory_space<vmem>>) target(%dma_start3A_261 : memref<4x50x64xf32, #tpu.memory_space<hbm>>) target_semaphore(%arg16 : memref<!tpu.dma_semaphore, #tpu.memory_space<semaphore_mem>>)
      %add3A_262 = arith.constant 4 : i32
      %add3A_263 = arith.addi %add3A_186, %add3A_262 : i32
      %sub3A = arith.constant 1 : i32
      %sub3A_264 = arith.subi %add3A_263, %sub3A : i32
      %lt3A = arith.constant 128 : i32
      %lt3A_265 = arith.cmpi slt, %sub3A_264, %lt3A : i32
      %convert_element_type3A = arith.extui %lt3A_265 : i1 to i32
      %cond3A = arith.constant 0 : i32
      %cond3A_266 = arith.cmpi ne, %convert_element_type3A, %cond3A : i32
      scf.if %cond3A_266 {
        %ge3A = arith.constant 1 : i32
        %ge3A_531 = arith.cmpi sge, %add3A_186, %ge3A : i32
        %convert_element_type3A_532 = arith.extui %ge3A_531 : i1 to i32
        %cond3A_533 = arith.constant 0 : i32
        %cond3A_534 = arith.cmpi ne, %convert_element_type3A_532, %cond3A_533 : i32
        scf.if %cond3A_534 {
          %sub3A_599 = arith.constant 1 : i32
          %sub3A_600 = arith.subi %add3A_186, %sub3A_599 : i32
          %mul3A_601 = arith.constant 4 : i32
          %mul3A_602 = arith.muli %mul3A_601, %sub3A_600 : i32
          %add3A_603 = arith.addi %mul3A_2, %mul3A_602 : i32
          %dma_wait3A_604 = arith.constant 0 : i32
          %dma_wait3A_605 = arith.constant 0 : i32
          %dma_wait3A_606 = tpu.memref_slice %arg5[%add3A_603, %dma_wait3A_604, %dma_wait3A_605] : memref<16384x50x64xf32, #tpu.memory_space<hbm>> -> memref<4x50x64xf32, #tpu.memory_space<hbm>>
          %dma_wait3A_607 = arith.constant 0 : i32
          %dma_wait3A_608 = arith.constant 0 : i32
          %dma_wait3A_609 = tpu.memref_slice %arg5[%add3A_603, %dma_wait3A_607, %dma_wait3A_608] : memref<16384x50x64xf32, #tpu.memory_space<hbm>> -> memref<4x50x64xf32, #tpu.memory_space<hbm>>
          tpu.wait_dma2 semaphore(%arg19 : memref<!tpu.dma_semaphore, #tpu.memory_space<semaphore_mem>>) src(%arg11 : memref<4x50x64xf32, #tpu.memory_space<vmem>>) dst(%dma_wait3A_609 : memref<4x50x64xf32, #tpu.memory_space<hbm>>)
        } else {
        }
        %add3A_535 = arith.constant 4 : i32
        %add3A_536 = arith.addi %add3A_186, %add3A_535 : i32
        %sub3A_537 = arith.constant 1 : i32
        %sub3A_538 = arith.subi %add3A_536, %sub3A_537 : i32
        %mul3A_539 = arith.constant 4 : i32
        %mul3A_540 = arith.muli %mul3A_539, %sub3A_538 : i32
        %add3A_541 = arith.constant 0 : i32
        %add3A_542 = arith.addi %mul3A_540, %add3A_541 : i32
        %dma_start3A_543 = arith.constant 0 : i32
        %dma_start3A_544 = arith.constant 0 : i32
        %dma_start3A_545 = arith.constant 0 : i32
        %dma_start3A_546 = tpu.memref_slice %arg11[%dma_start3A_543, %dma_start3A_544, %dma_start3A_545] : memref<4x50x64xf32, #tpu.memory_space<vmem>> -> memref<1x50x64xf32, #tpu.memory_space<vmem>>
        %dma_start3A_547 = tpu.memref_squeeze %dma_start3A_546 : memref<1x50x64xf32, #tpu.memory_space<vmem>> -> memref<50x64xf32, #tpu.memory_space<vmem>>
        %dma_start3A_548 = arith.constant 0 : i32
        %dma_start3A_549 = tpu.memref_slice %arg6[%add3A_542, %dma_start3A_548] : memref<512x50xi32, #tpu.memory_space<vmem>> -> memref<1x50xi32, #tpu.memory_space<vmem>>
        %dma_start3A_550 = tpu.memref_squeeze %dma_start3A_549 : memref<1x50xi32, #tpu.memory_space<vmem>> -> memref<50xi32, #tpu.memory_space<vmem>>
        %dma_start3A_551 = arith.constant 0 : i32
        %dma_start3A_552 = arith.constant 0 : i32
        %dma_start3A_553 = tpu.memref_slice %arg4[%dma_start3A_551, %dma_start3A_552] : memref<1000000x64xf32, #tpu.memory_space<hbm>> -> memref<1000000x64xf32, #tpu.memory_space<hbm>>
        tpu.enqueue_indirect_dma source(%dma_start3A_553 : memref<1000000x64xf32, #tpu.memory_space<hbm>>) target(%dma_start3A_547 : memref<50x64xf32, #tpu.memory_space<vmem>>) offsets(%dma_start3A_550 : memref<50xi32, #tpu.memory_space<vmem>>) semaphore(%arg15 : memref<!tpu.dma_semaphore, #tpu.memory_space<semaphore_mem>>)
        %mul3A_554 = arith.constant 4 : i32
        %mul3A_555 = arith.muli %mul3A_554, %sub3A_538 : i32
        %add3A_556 = arith.constant 1 : i32
        %add3A_557 = arith.addi %mul3A_555, %add3A_556 : i32
        %dma_start3A_558 = arith.constant 1 : i32
        %dma_start3A_559 = arith.constant 0 : i32
        %dma_start3A_560 = arith.constant 0 : i32
        %dma_start3A_561 = tpu.memref_slice %arg11[%dma_start3A_558, %dma_start3A_559, %dma_start3A_560] : memref<4x50x64xf32, #tpu.memory_space<vmem>> -> memref<1x50x64xf32, #tpu.memory_space<vmem>>
        %dma_start3A_562 = tpu.memref_squeeze %dma_start3A_561 : memref<1x50x64xf32, #tpu.memory_space<vmem>> -> memref<50x64xf32, #tpu.memory_space<vmem>>
        %dma_start3A_563 = arith.constant 0 : i32
        %dma_start3A_564 = tpu.memref_slice %arg6[%add3A_557, %dma_start3A_563] : memref<512x50xi32, #tpu.memory_space<vmem>> -> memref<1x50xi32, #tpu.memory_space<vmem>>
        %dma_start3A_565 = tpu.memref_squeeze %dma_start3A_564 : memref<1x50xi32, #tpu.memory_space<vmem>> -> memref<50xi32, #tpu.memory_space<vmem>>
        %dma_start3A_566 = arith.constant 0 : i32
        %dma_start3A_567 = arith.constant 0 : i32
        %dma_start3A_568 = tpu.memref_slice %arg4[%dma_start3A_566, %dma_start3A_567] : memref<1000000x64xf32, #tpu.memory_space<hbm>> -> memref<1000000x64xf32, #tpu.memory_space<hbm>>
        tpu.enqueue_indirect_dma source(%dma_start3A_568 : memref<1000000x64xf32, #tpu.memory_space<hbm>>) target(%dma_start3A_562 : memref<50x64xf32, #tpu.memory_space<vmem>>) offsets(%dma_start3A_565 : memref<50xi32, #tpu.memory_space<vmem>>) semaphore(%arg15 : memref<!tpu.dma_semaphore, #tpu.memory_space<semaphore_mem>>)
        %mul3A_569 = arith.constant 4 : i32
        %mul3A_570 = arith.muli %mul3A_569, %sub3A_538 : i32
        %add3A_571 = arith.constant 2 : i32
        %add3A_572 = arith.addi %mul3A_570, %add3A_571 : i32
        %dma_start3A_573 = arith.constant 2 : i32
        %dma_start3A_574 = arith.constant 0 : i32
        %dma_start3A_575 = arith.constant 0 : i32
        %dma_start3A_576 = tpu.memref_slice %arg11[%dma_start3A_573, %dma_start3A_574, %dma_start3A_575] : memref<4x50x64xf32, #tpu.memory_space<vmem>> -> memref<1x50x64xf32, #tpu.memory_space<vmem>>
        %dma_start3A_577 = tpu.memref_squeeze %dma_start3A_576 : memref<1x50x64xf32, #tpu.memory_space<vmem>> -> memref<50x64xf32, #tpu.memory_space<vmem>>
        %dma_start3A_578 = arith.constant 0 : i32
        %dma_start3A_579 = tpu.memref_slice %arg6[%add3A_572, %dma_start3A_578] : memref<512x50xi32, #tpu.memory_space<vmem>> -> memref<1x50xi32, #tpu.memory_space<vmem>>
        %dma_start3A_580 = tpu.memref_squeeze %dma_start3A_579 : memref<1x50xi32, #tpu.memory_space<vmem>> -> memref<50xi32, #tpu.memory_space<vmem>>
        %dma_start3A_581 = arith.constant 0 : i32
        %dma_start3A_582 = arith.constant 0 : i32
        %dma_start3A_583 = tpu.memref_slice %arg4[%dma_start3A_581, %dma_start3A_582] : memref<1000000x64xf32, #tpu.memory_space<hbm>> -> memref<1000000x64xf32, #tpu.memory_space<hbm>>
        tpu.enqueue_indirect_dma source(%dma_start3A_583 : memref<1000000x64xf32, #tpu.memory_space<hbm>>) target(%dma_start3A_577 : memref<50x64xf32, #tpu.memory_space<vmem>>) offsets(%dma_start3A_580 : memref<50xi32, #tpu.memory_space<vmem>>) semaphore(%arg15 : memref<!tpu.dma_semaphore, #tpu.memory_space<semaphore_mem>>)
        %mul3A_584 = arith.constant 4 : i32
        %mul3A_585 = arith.muli %mul3A_584, %sub3A_538 : i32
        %add3A_586 = arith.constant 3 : i32
        %add3A_587 = arith.addi %mul3A_585, %add3A_586 : i32
        %dma_start3A_588 = arith.constant 3 : i32
        %dma_start3A_589 = arith.constant 0 : i32
        %dma_start3A_590 = arith.constant 0 : i32
        %dma_start3A_591 = tpu.memref_slice %arg11[%dma_start3A_588, %dma_start3A_589, %dma_start3A_590] : memref<4x50x64xf32, #tpu.memory_space<vmem>> -> memref<1x50x64xf32, #tpu.memory_space<vmem>>
        %dma_start3A_592 = tpu.memref_squeeze %dma_start3A_591 : memref<1x50x64xf32, #tpu.memory_space<vmem>> -> memref<50x64xf32, #tpu.memory_space<vmem>>
        %dma_start3A_593 = arith.constant 0 : i32
        %dma_start3A_594 = tpu.memref_slice %arg6[%add3A_587, %dma_start3A_593] : memref<512x50xi32, #tpu.memory_space<vmem>> -> memref<1x50xi32, #tpu.memory_space<vmem>>
        %dma_start3A_595 = tpu.memref_squeeze %dma_start3A_594 : memref<1x50xi32, #tpu.memory_space<vmem>> -> memref<50xi32, #tpu.memory_space<vmem>>
        %dma_start3A_596 = arith.constant 0 : i32
        %dma_start3A_597 = arith.constant 0 : i32
        %dma_start3A_598 = tpu.memref_slice %arg4[%dma_start3A_596, %dma_start3A_597] : memref<1000000x64xf32, #tpu.memory_space<hbm>> -> memref<1000000x64xf32, #tpu.memory_space<hbm>>
        tpu.enqueue_indirect_dma source(%dma_start3A_598 : memref<1000000x64xf32, #tpu.memory_space<hbm>>) target(%dma_start3A_592 : memref<50x64xf32, #tpu.memory_space<vmem>>) offsets(%dma_start3A_595 : memref<50xi32, #tpu.memory_space<vmem>>) semaphore(%arg15 : memref<!tpu.dma_semaphore, #tpu.memory_space<semaphore_mem>>)
      } else {
      }
      %mul3A_267 = arith.constant 4 : i32
      %mul3A_268 = arith.muli %mul3A_267, %scan3A_182 : i32
      %add3A_269 = arith.constant 1 : i32
      %add3A_270 = arith.addi %mul3A_268, %add3A_269 : i32
      %mul3A_271 = arith.constant 4 : i32
      %mul3A_272 = arith.muli %mul3A_271, %add3A_270 : i32
      %add3A_273 = arith.constant 0 : i32
      %add3A_274 = arith.addi %mul3A_272, %add3A_273 : i32
      %dma_wait3A_275 = arith.constant 0 : i32
      %dma_wait3A_276 = arith.constant 0 : i32
      %dma_wait3A_277 = arith.constant 0 : i32
      %dma_wait3A_278 = tpu.memref_slice %arg9[%dma_wait3A_275, %dma_wait3A_276, %dma_wait3A_277] : memref<4x50x64xf32, #tpu.memory_space<vmem>> -> memref<1x50x64xf32, #tpu.memory_space<vmem>>
      %dma_wait3A_279 = tpu.memref_squeeze %dma_wait3A_278 : memref<1x50x64xf32, #tpu.memory_space<vmem>> -> memref<50x64xf32, #tpu.memory_space<vmem>>
      %dma_wait3A_280 = arith.constant 0 : i32
      %dma_wait3A_281 = tpu.memref_slice %arg6[%add3A_274, %dma_wait3A_280] : memref<512x50xi32, #tpu.memory_space<vmem>> -> memref<1x50xi32, #tpu.memory_space<vmem>>
      %dma_wait3A_282 = tpu.memref_squeeze %dma_wait3A_281 : memref<1x50xi32, #tpu.memory_space<vmem>> -> memref<50xi32, #tpu.memory_space<vmem>>
      %dma_wait3A_283 = arith.constant 0 : i32
      %dma_wait3A_284 = arith.constant 0 : i32
      %dma_wait3A_285 = tpu.memref_slice %arg4[%dma_wait3A_283, %dma_wait3A_284] : memref<1000000x64xf32, #tpu.memory_space<hbm>> -> memref<1000000x64xf32, #tpu.memory_space<hbm>>
      tpu.wait_indirect_dma semaphore(%arg13 : memref<!tpu.dma_semaphore, #tpu.memory_space<semaphore_mem>>) src(%dma_wait3A_285 : memref<1000000x64xf32, #tpu.memory_space<hbm>>) dst(%dma_wait3A_279 : memref<50x64xf32, #tpu.memory_space<vmem>>)
      %mul3A_286 = arith.constant 4 : i32
      %mul3A_287 = arith.muli %mul3A_286, %add3A_270 : i32
      %add3A_288 = arith.constant 1 : i32
      %add3A_289 = arith.addi %mul3A_287, %add3A_288 : i32
      %dma_wait3A_290 = arith.constant 1 : i32
      %dma_wait3A_291 = arith.constant 0 : i32
      %dma_wait3A_292 = arith.constant 0 : i32
      %dma_wait3A_293 = tpu.memref_slice %arg9[%dma_wait3A_290, %dma_wait3A_291, %dma_wait3A_292] : memref<4x50x64xf32, #tpu.memory_space<vmem>> -> memref<1x50x64xf32, #tpu.memory_space<vmem>>
      %dma_wait3A_294 = tpu.memref_squeeze %dma_wait3A_293 : memref<1x50x64xf32, #tpu.memory_space<vmem>> -> memref<50x64xf32, #tpu.memory_space<vmem>>
      %dma_wait3A_295 = arith.constant 0 : i32
      %dma_wait3A_296 = tpu.memref_slice %arg6[%add3A_289, %dma_wait3A_295] : memref<512x50xi32, #tpu.memory_space<vmem>> -> memref<1x50xi32, #tpu.memory_space<vmem>>
      %dma_wait3A_297 = tpu.memref_squeeze %dma_wait3A_296 : memref<1x50xi32, #tpu.memory_space<vmem>> -> memref<50xi32, #tpu.memory_space<vmem>>
      %dma_wait3A_298 = arith.constant 0 : i32
      %dma_wait3A_299 = arith.constant 0 : i32
      %dma_wait3A_300 = tpu.memref_slice %arg4[%dma_wait3A_298, %dma_wait3A_299] : memref<1000000x64xf32, #tpu.memory_space<hbm>> -> memref<1000000x64xf32, #tpu.memory_space<hbm>>
      tpu.wait_indirect_dma semaphore(%arg13 : memref<!tpu.dma_semaphore, #tpu.memory_space<semaphore_mem>>) src(%dma_wait3A_300 : memref<1000000x64xf32, #tpu.memory_space<hbm>>) dst(%dma_wait3A_294 : memref<50x64xf32, #tpu.memory_space<vmem>>)
      %mul3A_301 = arith.constant 4 : i32
      %mul3A_302 = arith.muli %mul3A_301, %add3A_270 : i32
      %add3A_303 = arith.constant 2 : i32
      %add3A_304 = arith.addi %mul3A_302, %add3A_303 : i32
      %dma_wait3A_305 = arith.constant 2 : i32
      %dma_wait3A_306 = arith.constant 0 : i32
      %dma_wait3A_307 = arith.constant 0 : i32
      %dma_wait3A_308 = tpu.memref_slice %arg9[%dma_wait3A_305, %dma_wait3A_306, %dma_wait3A_307] : memref<4x50x64xf32, #tpu.memory_space<vmem>> -> memref<1x50x64xf32, #tpu.memory_space<vmem>>
      %dma_wait3A_309 = tpu.memref_squeeze %dma_wait3A_308 : memref<1x50x64xf32, #tpu.memory_space<vmem>> -> memref<50x64xf32, #tpu.memory_space<vmem>>
      %dma_wait3A_310 = arith.constant 0 : i32
      %dma_wait3A_311 = tpu.memref_slice %arg6[%add3A_304, %dma_wait3A_310] : memref<512x50xi32, #tpu.memory_space<vmem>> -> memref<1x50xi32, #tpu.memory_space<vmem>>
      %dma_wait3A_312 = tpu.memref_squeeze %dma_wait3A_311 : memref<1x50xi32, #tpu.memory_space<vmem>> -> memref<50xi32, #tpu.memory_space<vmem>>
      %dma_wait3A_313 = arith.constant 0 : i32
      %dma_wait3A_314 = arith.constant 0 : i32
      %dma_wait3A_315 = tpu.memref_slice %arg4[%dma_wait3A_313, %dma_wait3A_314] : memref<1000000x64xf32, #tpu.memory_space<hbm>> -> memref<1000000x64xf32, #tpu.memory_space<hbm>>
      tpu.wait_indirect_dma semaphore(%arg13 : memref<!tpu.dma_semaphore, #tpu.memory_space<semaphore_mem>>) src(%dma_wait3A_315 : memref<1000000x64xf32, #tpu.memory_space<hbm>>) dst(%dma_wait3A_309 : memref<50x64xf32, #tpu.memory_space<vmem>>)
      %mul3A_316 = arith.constant 4 : i32
      %mul3A_317 = arith.muli %mul3A_316, %add3A_270 : i32
      %add3A_318 = arith.constant 3 : i32
      %add3A_319 = arith.addi %mul3A_317, %add3A_318 : i32
      %dma_wait3A_320 = arith.constant 3 : i32
      %dma_wait3A_321 = arith.constant 0 : i32
      %dma_wait3A_322 = arith.constant 0 : i32
      %dma_wait3A_323 = tpu.memref_slice %arg9[%dma_wait3A_320, %dma_wait3A_321, %dma_wait3A_322] : memref<4x50x64xf32, #tpu.memory_space<vmem>> -> memref<1x50x64xf32, #tpu.memory_space<vmem>>
      %dma_wait3A_324 = tpu.memref_squeeze %dma_wait3A_323 : memref<1x50x64xf32, #tpu.memory_space<vmem>> -> memref<50x64xf32, #tpu.memory_space<vmem>>
      %dma_wait3A_325 = arith.constant 0 : i32
      %dma_wait3A_326 = tpu.memref_slice %arg6[%add3A_319, %dma_wait3A_325] : memref<512x50xi32, #tpu.memory_space<vmem>> -> memref<1x50xi32, #tpu.memory_space<vmem>>
      %dma_wait3A_327 = tpu.memref_squeeze %dma_wait3A_326 : memref<1x50xi32, #tpu.memory_space<vmem>> -> memref<50xi32, #tpu.memory_space<vmem>>
      %dma_wait3A_328 = arith.constant 0 : i32
      %dma_wait3A_329 = arith.constant 0 : i32
      %dma_wait3A_330 = tpu.memref_slice %arg4[%dma_wait3A_328, %dma_wait3A_329] : memref<1000000x64xf32, #tpu.memory_space<hbm>> -> memref<1000000x64xf32, #tpu.memory_space<hbm>>
      tpu.wait_indirect_dma semaphore(%arg13 : memref<!tpu.dma_semaphore, #tpu.memory_space<semaphore_mem>>) src(%dma_wait3A_330 : memref<1000000x64xf32, #tpu.memory_space<hbm>>) dst(%dma_wait3A_324 : memref<50x64xf32, #tpu.memory_space<vmem>>)
      %scan3A_331 = arith.constant 0 : i32
      %scan3A_332 = arith.constant 0 : i32
      %scan3A_333 = arith.constant 50 : i32
      %scan3A_334 = arith.addi %scan3A_332, %scan3A_333 : i32
      %scan3A_335 = arith.constant 1 : i32
      scf.for %scan3A_531 = %scan3A_332 to %scan3A_334 step %scan3A_335  : i32 {
        %get3A = arith.index_cast %scan3A_531 : i32 to index
        %get3A_532 = arith.constant 0 : index
        %get3A_533 = tpu.vector_load %arg7[%get3A, %get3A_532] {strides = array<i32>} : memref<50x64xf32, #tpu.memory_space<vmem>>, vector<1x16xf32>,
        %get3A_534 = vector.shape_cast %get3A_533 : vector<1x16xf32> to vector<16xf32>
        %get3A_535 = arith.constant 0 : i32
        %get3A_536 = arith.index_cast %get3A_535 : i32 to index
        %get3A_537 = arith.index_cast %scan3A_531 : i32 to index
        %get3A_538 = arith.constant 0 : index
        %get3A_539 = tpu.vector_load %arg9[%get3A_536, %get3A_537, %get3A_538] {strides = array<i32>} : memref<4x50x64xf32, #tpu.memory_space<vmem>>, vector<1x1x16xf32>,
        %get3A_540 = vector.shape_cast %get3A_539 : vector<1x1x16xf32> to vector<16xf32>
        %add3A_541 = arith.addf %get3A_540, %get3A_534 : vector<16xf32>
        %swap3A = arith.constant 0 : i32
        %swap3A_542 = arith.index_cast %swap3A : i32 to index
        %swap3A_543 = arith.index_cast %scan3A_531 : i32 to index
        %swap3A_544 = arith.constant 0 : index
        %swap3A_545 = tpu.vector_load %arg9[%swap3A_542, %swap3A_543, %swap3A_544] {strides = array<i32>} : memref<4x50x64xf32, #tpu.memory_space<vmem>>, vector<1x1x16xf32>,
        %swap3A_546 = vector.shape_cast %swap3A_545 : vector<1x1x16xf32> to vector<16xf32>
        %swap3A_547 = vector.shape_cast %add3A_541 : vector<16xf32> to vector<1x1x16xf32>
        tpu.vector_store %arg9[%swap3A_542, %swap3A_543, %swap3A_544], %swap3A_547 {strides = array<i32>} : memref<4x50x64xf32, #tpu.memory_space<vmem>>, vector<1x1x16xf32>,
        %get3A_548 = arith.constant 1 : i32
        %get3A_549 = arith.index_cast %get3A_548 : i32 to index
        %get3A_550 = arith.index_cast %scan3A_531 : i32 to index
        %get3A_551 = arith.constant 0 : index
        %get3A_552 = tpu.vector_load %arg9[%get3A_549, %get3A_550, %get3A_551] {strides = array<i32>} : memref<4x50x64xf32, #tpu.memory_space<vmem>>, vector<1x1x16xf32>,
        %get3A_553 = vector.shape_cast %get3A_552 : vector<1x1x16xf32> to vector<16xf32>
        %add3A_554 = arith.addf %get3A_553, %get3A_534 : vector<16xf32>
        %swap3A_555 = arith.constant 1 : i32
        %swap3A_556 = arith.index_cast %swap3A_555 : i32 to index
        %swap3A_557 = arith.index_cast %scan3A_531 : i32 to index
        %swap3A_558 = arith.constant 0 : index
        %swap3A_559 = tpu.vector_load %arg9[%swap3A_556, %swap3A_557, %swap3A_558] {strides = array<i32>} : memref<4x50x64xf32, #tpu.memory_space<vmem>>, vector<1x1x16xf32>,
        %swap3A_560 = vector.shape_cast %swap3A_559 : vector<1x1x16xf32> to vector<16xf32>
        %swap3A_561 = vector.shape_cast %add3A_554 : vector<16xf32> to vector<1x1x16xf32>
        tpu.vector_store %arg9[%swap3A_556, %swap3A_557, %swap3A_558], %swap3A_561 {strides = array<i32>} : memref<4x50x64xf32, #tpu.memory_space<vmem>>, vector<1x1x16xf32>,
        %get3A_562 = arith.constant 2 : i32
        %get3A_563 = arith.index_cast %get3A_562 : i32 to index
        %get3A_564 = arith.index_cast %scan3A_531 : i32 to index
        %get3A_565 = arith.constant 0 : index
        %get3A_566 = tpu.vector_load %arg9[%get3A_563, %get3A_564, %get3A_565] {strides = array<i32>} : memref<4x50x64xf32, #tpu.memory_space<vmem>>, vector<1x1x16xf32>,
        %get3A_567 = vector.shape_cast %get3A_566 : vector<1x1x16xf32> to vector<16xf32>
        %add3A_568 = arith.addf %get3A_567, %get3A_534 : vector<16xf32>
        %swap3A_569 = arith.constant 2 : i32
        %swap3A_570 = arith.index_cast %swap3A_569 : i32 to index
        %swap3A_571 = arith.index_cast %scan3A_531 : i32 to index
        %swap3A_572 = arith.constant 0 : index
        %swap3A_573 = tpu.vector_load %arg9[%swap3A_570, %swap3A_571, %swap3A_572] {strides = array<i32>} : memref<4x50x64xf32, #tpu.memory_space<vmem>>, vector<1x1x16xf32>,
        %swap3A_574 = vector.shape_cast %swap3A_573 : vector<1x1x16xf32> to vector<16xf32>
        %swap3A_575 = vector.shape_cast %add3A_568 : vector<16xf32> to vector<1x1x16xf32>
        tpu.vector_store %arg9[%swap3A_570, %swap3A_571, %swap3A_572], %swap3A_575 {strides = array<i32>} : memref<4x50x64xf32, #tpu.memory_space<vmem>>, vector<1x1x16xf32>,
        %get3A_576 = arith.constant 3 : i32
        %get3A_577 = arith.index_cast %get3A_576 : i32 to index
        %get3A_578 = arith.index_cast %scan3A_531 : i32 to index
        %get3A_579 = arith.constant 0 : index
        %get3A_580 = tpu.vector_load %arg9[%get3A_577, %get3A_578, %get3A_579] {strides = array<i32>} : memref<4x50x64xf32, #tpu.memory_space<vmem>>, vector<1x1x16xf32>,
        %get3A_581 = vector.shape_cast %get3A_580 : vector<1x1x16xf32> to vector<16xf32>
        %add3A_582 = arith.addf %get3A_581, %get3A_534 : vector<16xf32>
        %swap3A_583 = arith.constant 3 : i32
        %swap3A_584 = arith.index_cast %swap3A_583 : i32 to index
        %swap3A_585 = arith.index_cast %scan3A_531 : i32 to index
        %swap3A_586 = arith.constant 0 : index
        %swap3A_587 = tpu.vector_load %arg9[%swap3A_584, %swap3A_585, %swap3A_586] {strides = array<i32>} : memref<4x50x64xf32, #tpu.memory_space<vmem>>, vector<1x1x16xf32>,
        %swap3A_588 = vector.shape_cast %swap3A_587 : vector<1x1x16xf32> to vector<16xf32>
        %swap3A_589 = vector.shape_cast %add3A_582 : vector<16xf32> to vector<1x1x16xf32>
        tpu.vector_store %arg9[%swap3A_584, %swap3A_585, %swap3A_586], %swap3A_589 {strides = array<i32>} : memref<4x50x64xf32, #tpu.memory_space<vmem>>, vector<1x1x16xf32>,
        %get3A_590 = arith.index_cast %scan3A_531 : i32 to index
        %get3A_591 = arith.constant 16 : index
        %get3A_592 = tpu.vector_load %arg7[%get3A_590, %get3A_591] {strides = array<i32>} : memref<50x64xf32, #tpu.memory_space<vmem>>, vector<1x16xf32>,
        %get3A_593 = vector.shape_cast %get3A_592 : vector<1x16xf32> to vector<16xf32>
        %get3A_594 = arith.constant 0 : i32
        %get3A_595 = arith.index_cast %get3A_594 : i32 to index
        %get3A_596 = arith.index_cast %scan3A_531 : i32 to index
        %get3A_597 = arith.constant 16 : index
        %get3A_598 = tpu.vector_load %arg9[%get3A_595, %get3A_596, %get3A_597] {strides = array<i32>} : memref<4x50x64xf32, #tpu.memory_space<vmem>>, vector<1x1x16xf32>,
        %get3A_599 = vector.shape_cast %get3A_598 : vector<1x1x16xf32> to vector<16xf32>
        %add3A_600 = arith.addf %get3A_599, %get3A_593 : vector<16xf32>
        %swap3A_601 = arith.constant 0 : i32
        %swap3A_602 = arith.index_cast %swap3A_601 : i32 to index
        %swap3A_603 = arith.index_cast %scan3A_531 : i32 to index
        %swap3A_604 = arith.constant 16 : index
        %swap3A_605 = tpu.vector_load %arg9[%swap3A_602, %swap3A_603, %swap3A_604] {strides = array<i32>} : memref<4x50x64xf32, #tpu.memory_space<vmem>>, vector<1x1x16xf32>,
        %swap3A_606 = vector.shape_cast %swap3A_605 : vector<1x1x16xf32> to vector<16xf32>
        %swap3A_607 = vector.shape_cast %add3A_600 : vector<16xf32> to vector<1x1x16xf32>
        tpu.vector_store %arg9[%swap3A_602, %swap3A_603, %swap3A_604], %swap3A_607 {strides = array<i32>} : memref<4x50x64xf32, #tpu.memory_space<vmem>>, vector<1x1x16xf32>,
        %get3A_608 = arith.constant 1 : i32
        %get3A_609 = arith.index_cast %get3A_608 : i32 to index
        %get3A_610 = arith.index_cast %scan3A_531 : i32 to index
        %get3A_611 = arith.constant 16 : index
        %get3A_612 = tpu.vector_load %arg9[%get3A_609, %get3A_610, %get3A_611] {strides = array<i32>} : memref<4x50x64xf32, #tpu.memory_space<vmem>>, vector<1x1x16xf32>,
        %get3A_613 = vector.shape_cast %get3A_612 : vector<1x1x16xf32> to vector<16xf32>
        %add3A_614 = arith.addf %get3A_613, %get3A_593 : vector<16xf32>
        %swap3A_615 = arith.constant 1 : i32
        %swap3A_616 = arith.index_cast %swap3A_615 : i32 to index
        %swap3A_617 = arith.index_cast %scan3A_531 : i32 to index
        %swap3A_618 = arith.constant 16 : index
        %swap3A_619 = tpu.vector_load %arg9[%swap3A_616, %swap3A_617, %swap3A_618] {strides = array<i32>} : memref<4x50x64xf32, #tpu.memory_space<vmem>>, vector<1x1x16xf32>,
        %swap3A_620 = vector.shape_cast %swap3A_619 : vector<1x1x16xf32> to vector<16xf32>
        %swap3A_621 = vector.shape_cast %add3A_614 : vector<16xf32> to vector<1x1x16xf32>
        tpu.vector_store %arg9[%swap3A_616, %swap3A_617, %swap3A_618], %swap3A_621 {strides = array<i32>} : memref<4x50x64xf32, #tpu.memory_space<vmem>>, vector<1x1x16xf32>,
        %get3A_622 = arith.constant 2 : i32
        %get3A_623 = arith.index_cast %get3A_622 : i32 to index
        %get3A_624 = arith.index_cast %scan3A_531 : i32 to index
        %get3A_625 = arith.constant 16 : index
        %get3A_626 = tpu.vector_load %arg9[%get3A_623, %get3A_624, %get3A_625] {strides = array<i32>} : memref<4x50x64xf32, #tpu.memory_space<vmem>>, vector<1x1x16xf32>,
        %get3A_627 = vector.shape_cast %get3A_626 : vector<1x1x16xf32> to vector<16xf32>
        %add3A_628 = arith.addf %get3A_627, %get3A_593 : vector<16xf32>
        %swap3A_629 = arith.constant 2 : i32
        %swap3A_630 = arith.index_cast %swap3A_629 : i32 to index
        %swap3A_631 = arith.index_cast %scan3A_531 : i32 to index
        %swap3A_632 = arith.constant 16 : index
        %swap3A_633 = tpu.vector_load %arg9[%swap3A_630, %swap3A_631, %swap3A_632] {strides = array<i32>} : memref<4x50x64xf32, #tpu.memory_space<vmem>>, vector<1x1x16xf32>,
        %swap3A_634 = vector.shape_cast %swap3A_633 : vector<1x1x16xf32> to vector<16xf32>
        %swap3A_635 = vector.shape_cast %add3A_628 : vector<16xf32> to vector<1x1x16xf32>
        tpu.vector_store %arg9[%swap3A_630, %swap3A_631, %swap3A_632], %swap3A_635 {strides = array<i32>} : memref<4x50x64xf32, #tpu.memory_space<vmem>>, vector<1x1x16xf32>,
        %get3A_636 = arith.constant 3 : i32
        %get3A_637 = arith.index_cast %get3A_636 : i32 to index
        %get3A_638 = arith.index_cast %scan3A_531 : i32 to index
        %get3A_639 = arith.constant 16 : index
        %get3A_640 = tpu.vector_load %arg9[%get3A_637, %get3A_638, %get3A_639] {strides = array<i32>} : memref<4x50x64xf32, #tpu.memory_space<vmem>>, vector<1x1x16xf32>,
        %get3A_641 = vector.shape_cast %get3A_640 : vector<1x1x16xf32> to vector<16xf32>
        %add3A_642 = arith.addf %get3A_641, %get3A_593 : vector<16xf32>
        %swap3A_643 = arith.constant 3 : i32
        %swap3A_644 = arith.index_cast %swap3A_643 : i32 to index
        %swap3A_645 = arith.index_cast %scan3A_531 : i32 to index
        %swap3A_646 = arith.constant 16 : index
        %swap3A_647 = tpu.vector_load %arg9[%swap3A_644, %swap3A_645, %swap3A_646] {strides = array<i32>} : memref<4x50x64xf32, #tpu.memory_space<vmem>>, vector<1x1x16xf32>,
        %swap3A_648 = vector.shape_cast %swap3A_647 : vector<1x1x16xf32> to vector<16xf32>
        %swap3A_649 = vector.shape_cast %add3A_642 : vector<16xf32> to vector<1x1x16xf32>
        tpu.vector_store %arg9[%swap3A_644, %swap3A_645, %swap3A_646], %swap3A_649 {strides = array<i32>} : memref<4x50x64xf32, #tpu.memory_space<vmem>>, vector<1x1x16xf32>,
        %get3A_650 = arith.index_cast %scan3A_531 : i32 to index
        %get3A_651 = arith.constant 32 : index
        %get3A_652 = tpu.vector_load %arg7[%get3A_650, %get3A_651] {strides = array<i32>} : memref<50x64xf32, #tpu.memory_space<vmem>>, vector<1x16xf32>,
        %get3A_653 = vector.shape_cast %get3A_652 : vector<1x16xf32> to vector<16xf32>
        %get3A_654 = arith.constant 0 : i32
        %get3A_655 = arith.index_cast %get3A_654 : i32 to index
        %get3A_656 = arith.index_cast %scan3A_531 : i32 to index
        %get3A_657 = arith.constant 32 : index
        %get3A_658 = tpu.vector_load %arg9[%get3A_655, %get3A_656, %get3A_657] {strides = array<i32>} : memref<4x50x64xf32, #tpu.memory_space<vmem>>, vector<1x1x16xf32>,
        %get3A_659 = vector.shape_cast %get3A_658 : vector<1x1x16xf32> to vector<16xf32>
        %add3A_660 = arith.addf %get3A_659, %get3A_653 : vector<16xf32>
        %swap3A_661 = arith.constant 0 : i32
        %swap3A_662 = arith.index_cast %swap3A_661 : i32 to index
        %swap3A_663 = arith.index_cast %scan3A_531 : i32 to index
        %swap3A_664 = arith.constant 32 : index
        %swap3A_665 = tpu.vector_load %arg9[%swap3A_662, %swap3A_663, %swap3A_664] {strides = array<i32>} : memref<4x50x64xf32, #tpu.memory_space<vmem>>, vector<1x1x16xf32>,
        %swap3A_666 = vector.shape_cast %swap3A_665 : vector<1x1x16xf32> to vector<16xf32>
        %swap3A_667 = vector.shape_cast %add3A_660 : vector<16xf32> to vector<1x1x16xf32>
        tpu.vector_store %arg9[%swap3A_662, %swap3A_663, %swap3A_664], %swap3A_667 {strides = array<i32>} : memref<4x50x64xf32, #tpu.memory_space<vmem>>, vector<1x1x16xf32>,
        %get3A_668 = arith.constant 1 : i32
        %get3A_669 = arith.index_cast %get3A_668 : i32 to index
        %get3A_670 = arith.index_cast %scan3A_531 : i32 to index
        %get3A_671 = arith.constant 32 : index
        %get3A_672 = tpu.vector_load %arg9[%get3A_669, %get3A_670, %get3A_671] {strides = array<i32>} : memref<4x50x64xf32, #tpu.memory_space<vmem>>, vector<1x1x16xf32>,
        %get3A_673 = vector.shape_cast %get3A_672 : vector<1x1x16xf32> to vector<16xf32>
        %add3A_674 = arith.addf %get3A_673, %get3A_653 : vector<16xf32>
        %swap3A_675 = arith.constant 1 : i32
        %swap3A_676 = arith.index_cast %swap3A_675 : i32 to index
        %swap3A_677 = arith.index_cast %scan3A_531 : i32 to index
        %swap3A_678 = arith.constant 32 : index
        %swap3A_679 = tpu.vector_load %arg9[%swap3A_676, %swap3A_677, %swap3A_678] {strides = array<i32>} : memref<4x50x64xf32, #tpu.memory_space<vmem>>, vector<1x1x16xf32>,
        %swap3A_680 = vector.shape_cast %swap3A_679 : vector<1x1x16xf32> to vector<16xf32>
        %swap3A_681 = vector.shape_cast %add3A_674 : vector<16xf32> to vector<1x1x16xf32>
        tpu.vector_store %arg9[%swap3A_676, %swap3A_677, %swap3A_678], %swap3A_681 {strides = array<i32>} : memref<4x50x64xf32, #tpu.memory_space<vmem>>, vector<1x1x16xf32>,
        %get3A_682 = arith.constant 2 : i32
        %get3A_683 = arith.index_cast %get3A_682 : i32 to index
        %get3A_684 = arith.index_cast %scan3A_531 : i32 to index
        %get3A_685 = arith.constant 32 : index
        %get3A_686 = tpu.vector_load %arg9[%get3A_683, %get3A_684, %get3A_685] {strides = array<i32>} : memref<4x50x64xf32, #tpu.memory_space<vmem>>, vector<1x1x16xf32>,
        %get3A_687 = vector.shape_cast %get3A_686 : vector<1x1x16xf32> to vector<16xf32>
        %add3A_688 = arith.addf %get3A_687, %get3A_653 : vector<16xf32>
        %swap3A_689 = arith.constant 2 : i32
        %swap3A_690 = arith.index_cast %swap3A_689 : i32 to index
        %swap3A_691 = arith.index_cast %scan3A_531 : i32 to index
        %swap3A_692 = arith.constant 32 : index
        %swap3A_693 = tpu.vector_load %arg9[%swap3A_690, %swap3A_691, %swap3A_692] {strides = array<i32>} : memref<4x50x64xf32, #tpu.memory_space<vmem>>, vector<1x1x16xf32>,
        %swap3A_694 = vector.shape_cast %swap3A_693 : vector<1x1x16xf32> to vector<16xf32>
        %swap3A_695 = vector.shape_cast %add3A_688 : vector<16xf32> to vector<1x1x16xf32>
        tpu.vector_store %arg9[%swap3A_690, %swap3A_691, %swap3A_692], %swap3A_695 {strides = array<i32>} : memref<4x50x64xf32, #tpu.memory_space<vmem>>, vector<1x1x16xf32>,
        %get3A_696 = arith.constant 3 : i32
        %get3A_697 = arith.index_cast %get3A_696 : i32 to index
        %get3A_698 = arith.index_cast %scan3A_531 : i32 to index
        %get3A_699 = arith.constant 32 : index
        %get3A_700 = tpu.vector_load %arg9[%get3A_697, %get3A_698, %get3A_699] {strides = array<i32>} : memref<4x50x64xf32, #tpu.memory_space<vmem>>, vector<1x1x16xf32>,
        %get3A_701 = vector.shape_cast %get3A_700 : vector<1x1x16xf32> to vector<16xf32>
        %add3A_702 = arith.addf %get3A_701, %get3A_653 : vector<16xf32>
        %swap3A_703 = arith.constant 3 : i32
        %swap3A_704 = arith.index_cast %swap3A_703 : i32 to index
        %swap3A_705 = arith.index_cast %scan3A_531 : i32 to index
        %swap3A_706 = arith.constant 32 : index
        %swap3A_707 = tpu.vector_load %arg9[%swap3A_704, %swap3A_705, %swap3A_706] {strides = array<i32>} : memref<4x50x64xf32, #tpu.memory_space<vmem>>, vector<1x1x16xf32>,
        %swap3A_708 = vector.shape_cast %swap3A_707 : vector<1x1x16xf32> to vector<16xf32>
        %swap3A_709 = vector.shape_cast %add3A_702 : vector<16xf32> to vector<1x1x16xf32>
        tpu.vector_store %arg9[%swap3A_704, %swap3A_705, %swap3A_706], %swap3A_709 {strides = array<i32>} : memref<4x50x64xf32, #tpu.memory_space<vmem>>, vector<1x1x16xf32>,
        %get3A_710 = arith.index_cast %scan3A_531 : i32 to index
        %get3A_711 = arith.constant 48 : index
        %get3A_712 = tpu.vector_load %arg7[%get3A_710, %get3A_711] {strides = array<i32>} : memref<50x64xf32, #tpu.memory_space<vmem>>, vector<1x16xf32>,
        %get3A_713 = vector.shape_cast %get3A_712 : vector<1x16xf32> to vector<16xf32>
        %get3A_714 = arith.constant 0 : i32
        %get3A_715 = arith.index_cast %get3A_714 : i32 to index
        %get3A_716 = arith.index_cast %scan3A_531 : i32 to index
        %get3A_717 = arith.constant 48 : index
        %get3A_718 = tpu.vector_load %arg9[%get3A_715, %get3A_716, %get3A_717] {strides = array<i32>} : memref<4x50x64xf32, #tpu.memory_space<vmem>>, vector<1x1x16xf32>,
        %get3A_719 = vector.shape_cast %get3A_718 : vector<1x1x16xf32> to vector<16xf32>
        %add3A_720 = arith.addf %get3A_719, %get3A_713 : vector<16xf32>
        %swap3A_721 = arith.constant 0 : i32
        %swap3A_722 = arith.index_cast %swap3A_721 : i32 to index
        %swap3A_723 = arith.index_cast %scan3A_531 : i32 to index
        %swap3A_724 = arith.constant 48 : index
        %swap3A_725 = tpu.vector_load %arg9[%swap3A_722, %swap3A_723, %swap3A_724] {strides = array<i32>} : memref<4x50x64xf32, #tpu.memory_space<vmem>>, vector<1x1x16xf32>,
        %swap3A_726 = vector.shape_cast %swap3A_725 : vector<1x1x16xf32> to vector<16xf32>
        %swap3A_727 = vector.shape_cast %add3A_720 : vector<16xf32> to vector<1x1x16xf32>
        tpu.vector_store %arg9[%swap3A_722, %swap3A_723, %swap3A_724], %swap3A_727 {strides = array<i32>} : memref<4x50x64xf32, #tpu.memory_space<vmem>>, vector<1x1x16xf32>,
        %get3A_728 = arith.constant 1 : i32
        %get3A_729 = arith.index_cast %get3A_728 : i32 to index
        %get3A_730 = arith.index_cast %scan3A_531 : i32 to index
        %get3A_731 = arith.constant 48 : index
        %get3A_732 = tpu.vector_load %arg9[%get3A_729, %get3A_730, %get3A_731] {strides = array<i32>} : memref<4x50x64xf32, #tpu.memory_space<vmem>>, vector<1x1x16xf32>,
        %get3A_733 = vector.shape_cast %get3A_732 : vector<1x1x16xf32> to vector<16xf32>
        %add3A_734 = arith.addf %get3A_733, %get3A_713 : vector<16xf32>
        %swap3A_735 = arith.constant 1 : i32
        %swap3A_736 = arith.index_cast %swap3A_735 : i32 to index
        %swap3A_737 = arith.index_cast %scan3A_531 : i32 to index
        %swap3A_738 = arith.constant 48 : index
        %swap3A_739 = tpu.vector_load %arg9[%swap3A_736, %swap3A_737, %swap3A_738] {strides = array<i32>} : memref<4x50x64xf32, #tpu.memory_space<vmem>>, vector<1x1x16xf32>,
        %swap3A_740 = vector.shape_cast %swap3A_739 : vector<1x1x16xf32> to vector<16xf32>
        %swap3A_741 = vector.shape_cast %add3A_734 : vector<16xf32> to vector<1x1x16xf32>
        tpu.vector_store %arg9[%swap3A_736, %swap3A_737, %swap3A_738], %swap3A_741 {strides = array<i32>} : memref<4x50x64xf32, #tpu.memory_space<vmem>>, vector<1x1x16xf32>,
        %get3A_742 = arith.constant 2 : i32
        %get3A_743 = arith.index_cast %get3A_742 : i32 to index
        %get3A_744 = arith.index_cast %scan3A_531 : i32 to index
        %get3A_745 = arith.constant 48 : index
        %get3A_746 = tpu.vector_load %arg9[%get3A_743, %get3A_744, %get3A_745] {strides = array<i32>} : memref<4x50x64xf32, #tpu.memory_space<vmem>>, vector<1x1x16xf32>,
        %get3A_747 = vector.shape_cast %get3A_746 : vector<1x1x16xf32> to vector<16xf32>
        %add3A_748 = arith.addf %get3A_747, %get3A_713 : vector<16xf32>
        %swap3A_749 = arith.constant 2 : i32
        %swap3A_750 = arith.index_cast %swap3A_749 : i32 to index
        %swap3A_751 = arith.index_cast %scan3A_531 : i32 to index
        %swap3A_752 = arith.constant 48 : index
        %swap3A_753 = tpu.vector_load %arg9[%swap3A_750, %swap3A_751, %swap3A_752] {strides = array<i32>} : memref<4x50x64xf32, #tpu.memory_space<vmem>>, vector<1x1x16xf32>,
        %swap3A_754 = vector.shape_cast %swap3A_753 : vector<1x1x16xf32> to vector<16xf32>
        %swap3A_755 = vector.shape_cast %add3A_748 : vector<16xf32> to vector<1x1x16xf32>
        tpu.vector_store %arg9[%swap3A_750, %swap3A_751, %swap3A_752], %swap3A_755 {strides = array<i32>} : memref<4x50x64xf32, #tpu.memory_space<vmem>>, vector<1x1x16xf32>,
        %get3A_756 = arith.constant 3 : i32
        %get3A_757 = arith.index_cast %get3A_756 : i32 to index
        %get3A_758 = arith.index_cast %scan3A_531 : i32 to index
        %get3A_759 = arith.constant 48 : index
        %get3A_760 = tpu.vector_load %arg9[%get3A_757, %get3A_758, %get3A_759] {strides = array<i32>} : memref<4x50x64xf32, #tpu.memory_space<vmem>>, vector<1x1x16xf32>,
        %get3A_761 = vector.shape_cast %get3A_760 : vector<1x1x16xf32> to vector<16xf32>
        %add3A_762 = arith.addf %get3A_761, %get3A_713 : vector<16xf32>
        %swap3A_763 = arith.constant 3 : i32
        %swap3A_764 = arith.index_cast %swap3A_763 : i32 to index
        %swap3A_765 = arith.index_cast %scan3A_531 : i32 to index
        %swap3A_766 = arith.constant 48 : index
        %swap3A_767 = tpu.vector_load %arg9[%swap3A_764, %swap3A_765, %swap3A_766] {strides = array<i32>} : memref<4x50x64xf32, #tpu.memory_space<vmem>>, vector<1x1x16xf32>,
        %swap3A_768 = vector.shape_cast %swap3A_767 : vector<1x1x16xf32> to vector<16xf32>
        %swap3A_769 = vector.shape_cast %add3A_762 : vector<16xf32> to vector<1x1x16xf32>
        tpu.vector_store %arg9[%swap3A_764, %swap3A_765, %swap3A_766], %swap3A_769 {strides = array<i32>} : memref<4x50x64xf32, #tpu.memory_space<vmem>>, vector<1x1x16xf32>,
      }
      %scan3A_336 = arith.constant 50 : i32
      %mul3A_337 = arith.constant 4 : i32
      %mul3A_338 = arith.muli %mul3A_337, %add3A_270 : i32
      %add3A_339 = arith.addi %mul3A_2, %mul3A_338 : i32
      %dma_start3A_340 = arith.constant 0 : i32
      %dma_start3A_341 = arith.constant 0 : i32
      %dma_start3A_342 = tpu.memref_slice %arg5[%add3A_339, %dma_start3A_340, %dma_start3A_341] : memref<16384x50x64xf32, #tpu.memory_space<hbm>> -> memref<4x50x64xf32, #tpu.memory_space<hbm>>
      %dma_start3A_343 = arith.constant 0 : i32
      %dma_start3A_344 = arith.constant 0 : i32
      %dma_start3A_345 = tpu.memref_slice %arg5[%add3A_339, %dma_start3A_343, %dma_start3A_344] : memref<16384x50x64xf32, #tpu.memory_space<hbm>> -> memref<4x50x64xf32, #tpu.memory_space<hbm>>
      tpu.enqueue_dma source(%arg9 : memref<4x50x64xf32, #tpu.memory_space<vmem>>) target(%dma_start3A_345 : memref<4x50x64xf32, #tpu.memory_space<hbm>>) target_semaphore(%arg17 : memref<!tpu.dma_semaphore, #tpu.memory_space<semaphore_mem>>)
      %add3A_346 = arith.constant 4 : i32
      %add3A_347 = arith.addi %add3A_270, %add3A_346 : i32
      %sub3A_348 = arith.constant 1 : i32
      %sub3A_349 = arith.subi %add3A_347, %sub3A_348 : i32
      %lt3A_350 = arith.constant 128 : i32
      %lt3A_351 = arith.cmpi slt, %sub3A_349, %lt3A_350 : i32
      %convert_element_type3A_352 = arith.extui %lt3A_351 : i1 to i32
      %cond3A_353 = arith.constant 0 : i32
      %cond3A_354 = arith.cmpi ne, %convert_element_type3A_352, %cond3A_353 : i32
      scf.if %cond3A_354 {
        %ge3A = arith.constant 1 : i32
        %ge3A_531 = arith.cmpi sge, %add3A_270, %ge3A : i32
        %convert_element_type3A_532 = arith.extui %ge3A_531 : i1 to i32
        %cond3A_533 = arith.constant 0 : i32
        %cond3A_534 = arith.cmpi ne, %convert_element_type3A_532, %cond3A_533 : i32
        scf.if %cond3A_534 {
          %sub3A_599 = arith.constant 1 : i32
          %sub3A_600 = arith.subi %add3A_270, %sub3A_599 : i32
          %mul3A_601 = arith.constant 4 : i32
          %mul3A_602 = arith.muli %mul3A_601, %sub3A_600 : i32
          %add3A_603 = arith.addi %mul3A_2, %mul3A_602 : i32
          %dma_wait3A_604 = arith.constant 0 : i32
          %dma_wait3A_605 = arith.constant 0 : i32
          %dma_wait3A_606 = tpu.memref_slice %arg5[%add3A_603, %dma_wait3A_604, %dma_wait3A_605] : memref<16384x50x64xf32, #tpu.memory_space<hbm>> -> memref<4x50x64xf32, #tpu.memory_space<hbm>>
          %dma_wait3A_607 = arith.constant 0 : i32
          %dma_wait3A_608 = arith.constant 0 : i32
          %dma_wait3A_609 = tpu.memref_slice %arg5[%add3A_603, %dma_wait3A_607, %dma_wait3A_608] : memref<16384x50x64xf32, #tpu.memory_space<hbm>> -> memref<4x50x64xf32, #tpu.memory_space<hbm>>
          tpu.wait_dma2 semaphore(%arg16 : memref<!tpu.dma_semaphore, #tpu.memory_space<semaphore_mem>>) src(%arg8 : memref<4x50x64xf32, #tpu.memory_space<vmem>>) dst(%dma_wait3A_609 : memref<4x50x64xf32, #tpu.memory_space<hbm>>)
        } else {
        }
        %add3A_535 = arith.constant 4 : i32
        %add3A_536 = arith.addi %add3A_270, %add3A_535 : i32
        %sub3A_537 = arith.constant 1 : i32
        %sub3A_538 = arith.subi %add3A_536, %sub3A_537 : i32
        %mul3A_539 = arith.constant 4 : i32
        %mul3A_540 = arith.muli %mul3A_539, %sub3A_538 : i32
        %add3A_541 = arith.constant 0 : i32
        %add3A_542 = arith.addi %mul3A_540, %add3A_541 : i32
        %dma_start3A_543 = arith.constant 0 : i32
        %dma_start3A_544 = arith.constant 0 : i32
        %dma_start3A_545 = arith.constant 0 : i32
        %dma_start3A_546 = tpu.memref_slice %arg8[%dma_start3A_543, %dma_start3A_544, %dma_start3A_545] : memref<4x50x64xf32, #tpu.memory_space<vmem>> -> memref<1x50x64xf32, #tpu.memory_space<vmem>>
        %dma_start3A_547 = tpu.memref_squeeze %dma_start3A_546 : memref<1x50x64xf32, #tpu.memory_space<vmem>> -> memref<50x64xf32, #tpu.memory_space<vmem>>
        %dma_start3A_548 = arith.constant 0 : i32
        %dma_start3A_549 = tpu.memref_slice %arg6[%add3A_542, %dma_start3A_548] : memref<512x50xi32, #tpu.memory_space<vmem>> -> memref<1x50xi32, #tpu.memory_space<vmem>>
        %dma_start3A_550 = tpu.memref_squeeze %dma_start3A_549 : memref<1x50xi32, #tpu.memory_space<vmem>> -> memref<50xi32, #tpu.memory_space<vmem>>
        %dma_start3A_551 = arith.constant 0 : i32
        %dma_start3A_552 = arith.constant 0 : i32
        %dma_start3A_553 = tpu.memref_slice %arg4[%dma_start3A_551, %dma_start3A_552] : memref<1000000x64xf32, #tpu.memory_space<hbm>> -> memref<1000000x64xf32, #tpu.memory_space<hbm>>
        tpu.enqueue_indirect_dma source(%dma_start3A_553 : memref<1000000x64xf32, #tpu.memory_space<hbm>>) target(%dma_start3A_547 : memref<50x64xf32, #tpu.memory_space<vmem>>) offsets(%dma_start3A_550 : memref<50xi32, #tpu.memory_space<vmem>>) semaphore(%arg12 : memref<!tpu.dma_semaphore, #tpu.memory_space<semaphore_mem>>)
        %mul3A_554 = arith.constant 4 : i32
        %mul3A_555 = arith.muli %mul3A_554, %sub3A_538 : i32
        %add3A_556 = arith.constant 1 : i32
        %add3A_557 = arith.addi %mul3A_555, %add3A_556 : i32
        %dma_start3A_558 = arith.constant 1 : i32
        %dma_start3A_559 = arith.constant 0 : i32
        %dma_start3A_560 = arith.constant 0 : i32
        %dma_start3A_561 = tpu.memref_slice %arg8[%dma_start3A_558, %dma_start3A_559, %dma_start3A_560] : memref<4x50x64xf32, #tpu.memory_space<vmem>> -> memref<1x50x64xf32, #tpu.memory_space<vmem>>
        %dma_start3A_562 = tpu.memref_squeeze %dma_start3A_561 : memref<1x50x64xf32, #tpu.memory_space<vmem>> -> memref<50x64xf32, #tpu.memory_space<vmem>>
        %dma_start3A_563 = arith.constant 0 : i32
        %dma_start3A_564 = tpu.memref_slice %arg6[%add3A_557, %dma_start3A_563] : memref<512x50xi32, #tpu.memory_space<vmem>> -> memref<1x50xi32, #tpu.memory_space<vmem>>
        %dma_start3A_565 = tpu.memref_squeeze %dma_start3A_564 : memref<1x50xi32, #tpu.memory_space<vmem>> -> memref<50xi32, #tpu.memory_space<vmem>>
        %dma_start3A_566 = arith.constant 0 : i32
        %dma_start3A_567 = arith.constant 0 : i32
        %dma_start3A_568 = tpu.memref_slice %arg4[%dma_start3A_566, %dma_start3A_567] : memref<1000000x64xf32, #tpu.memory_space<hbm>> -> memref<1000000x64xf32, #tpu.memory_space<hbm>>
        tpu.enqueue_indirect_dma source(%dma_start3A_568 : memref<1000000x64xf32, #tpu.memory_space<hbm>>) target(%dma_start3A_562 : memref<50x64xf32, #tpu.memory_space<vmem>>) offsets(%dma_start3A_565 : memref<50xi32, #tpu.memory_space<vmem>>) semaphore(%arg12 : memref<!tpu.dma_semaphore, #tpu.memory_space<semaphore_mem>>)
        %mul3A_569 = arith.constant 4 : i32
        %mul3A_570 = arith.muli %mul3A_569, %sub3A_538 : i32
        %add3A_571 = arith.constant 2 : i32
        %add3A_572 = arith.addi %mul3A_570, %add3A_571 : i32
        %dma_start3A_573 = arith.constant 2 : i32
        %dma_start3A_574 = arith.constant 0 : i32
        %dma_start3A_575 = arith.constant 0 : i32
        %dma_start3A_576 = tpu.memref_slice %arg8[%dma_start3A_573, %dma_start3A_574, %dma_start3A_575] : memref<4x50x64xf32, #tpu.memory_space<vmem>> -> memref<1x50x64xf32, #tpu.memory_space<vmem>>
        %dma_start3A_577 = tpu.memref_squeeze %dma_start3A_576 : memref<1x50x64xf32, #tpu.memory_space<vmem>> -> memref<50x64xf32, #tpu.memory_space<vmem>>
        %dma_start3A_578 = arith.constant 0 : i32
        %dma_start3A_579 = tpu.memref_slice %arg6[%add3A_572, %dma_start3A_578] : memref<512x50xi32, #tpu.memory_space<vmem>> -> memref<1x50xi32, #tpu.memory_space<vmem>>
        %dma_start3A_580 = tpu.memref_squeeze %dma_start3A_579 : memref<1x50xi32, #tpu.memory_space<vmem>> -> memref<50xi32, #tpu.memory_space<vmem>>
        %dma_start3A_581 = arith.constant 0 : i32
        %dma_start3A_582 = arith.constant 0 : i32
        %dma_start3A_583 = tpu.memref_slice %arg4[%dma_start3A_581, %dma_start3A_582] : memref<1000000x64xf32, #tpu.memory_space<hbm>> -> memref<1000000x64xf32, #tpu.memory_space<hbm>>
        tpu.enqueue_indirect_dma source(%dma_start3A_583 : memref<1000000x64xf32, #tpu.memory_space<hbm>>) target(%dma_start3A_577 : memref<50x64xf32, #tpu.memory_space<vmem>>) offsets(%dma_start3A_580 : memref<50xi32, #tpu.memory_space<vmem>>) semaphore(%arg12 : memref<!tpu.dma_semaphore, #tpu.memory_space<semaphore_mem>>)
        %mul3A_584 = arith.constant 4 : i32
        %mul3A_585 = arith.muli %mul3A_584, %sub3A_538 : i32
        %add3A_586 = arith.constant 3 : i32
        %add3A_587 = arith.addi %mul3A_585, %add3A_586 : i32
        %dma_start3A_588 = arith.constant 3 : i32
        %dma_start3A_589 = arith.constant 0 : i32
        %dma_start3A_590 = arith.constant 0 : i32
        %dma_start3A_591 = tpu.memref_slice %arg8[%dma_start3A_588, %dma_start3A_589, %dma_start3A_590] : memref<4x50x64xf32, #tpu.memory_space<vmem>> -> memref<1x50x64xf32, #tpu.memory_space<vmem>>
        %dma_start3A_592 = tpu.memref_squeeze %dma_start3A_591 : memref<1x50x64xf32, #tpu.memory_space<vmem>> -> memref<50x64xf32, #tpu.memory_space<vmem>>
        %dma_start3A_593 = arith.constant 0 : i32
        %dma_start3A_594 = tpu.memref_slice %arg6[%add3A_587, %dma_start3A_593] : memref<512x50xi32, #tpu.memory_space<vmem>> -> memref<1x50xi32, #tpu.memory_space<vmem>>
        %dma_start3A_595 = tpu.memref_squeeze %dma_start3A_594 : memref<1x50xi32, #tpu.memory_space<vmem>> -> memref<50xi32, #tpu.memory_space<vmem>>
        %dma_start3A_596 = arith.constant 0 : i32
        %dma_start3A_597 = arith.constant 0 : i32
        %dma_start3A_598 = tpu.memref_slice %arg4[%dma_start3A_596, %dma_start3A_597] : memref<1000000x64xf32, #tpu.memory_space<hbm>> -> memref<1000000x64xf32, #tpu.memory_space<hbm>>
        tpu.enqueue_indirect_dma source(%dma_start3A_598 : memref<1000000x64xf32, #tpu.memory_space<hbm>>) target(%dma_start3A_592 : memref<50x64xf32, #tpu.memory_space<vmem>>) offsets(%dma_start3A_595 : memref<50xi32, #tpu.memory_space<vmem>>) semaphore(%arg12 : memref<!tpu.dma_semaphore, #tpu.memory_space<semaphore_mem>>)
      } else {
      }
      %mul3A_355 = arith.constant 4 : i32
      %mul3A_356 = arith.muli %mul3A_355, %scan3A_182 : i32
      %add3A_357 = arith.constant 2 : i32
      %add3A_358 = arith.addi %mul3A_356, %add3A_357 : i32
      %mul3A_359 = arith.constant 4 : i32
      %mul3A_360 = arith.muli %mul3A_359, %add3A_358 : i32
      %add3A_361 = arith.constant 0 : i32
      %add3A_362 = arith.addi %mul3A_360, %add3A_361 : i32
      %dma_wait3A_363 = arith.constant 0 : i32
      %dma_wait3A_364 = arith.constant 0 : i32
      %dma_wait3A_365 = arith.constant 0 : i32
      %dma_wait3A_366 = tpu.memref_slice %arg10[%dma_wait3A_363, %dma_wait3A_364, %dma_wait3A_365] : memref<4x50x64xf32, #tpu.memory_space<vmem>> -> memref<1x50x64xf32, #tpu.memory_space<vmem>>
      %dma_wait3A_367 = tpu.memref_squeeze %dma_wait3A_366 : memref<1x50x64xf32, #tpu.memory_space<vmem>> -> memref<50x64xf32, #tpu.memory_space<vmem>>
      %dma_wait3A_368 = arith.constant 0 : i32
      %dma_wait3A_369 = tpu.memref_slice %arg6[%add3A_362, %dma_wait3A_368] : memref<512x50xi32, #tpu.memory_space<vmem>> -> memref<1x50xi32, #tpu.memory_space<vmem>>
      %dma_wait3A_370 = tpu.memref_squeeze %dma_wait3A_369 : memref<1x50xi32, #tpu.memory_space<vmem>> -> memref<50xi32, #tpu.memory_space<vmem>>
      %dma_wait3A_371 = arith.constant 0 : i32
      %dma_wait3A_372 = arith.constant 0 : i32
      %dma_wait3A_373 = tpu.memref_slice %arg4[%dma_wait3A_371, %dma_wait3A_372] : memref<1000000x64xf32, #tpu.memory_space<hbm>> -> memref<1000000x64xf32, #tpu.memory_space<hbm>>
      tpu.wait_indirect_dma semaphore(%arg14 : memref<!tpu.dma_semaphore, #tpu.memory_space<semaphore_mem>>) src(%dma_wait3A_373 : memref<1000000x64xf32, #tpu.memory_space<hbm>>) dst(%dma_wait3A_367 : memref<50x64xf32, #tpu.memory_space<vmem>>)
      %mul3A_374 = arith.constant 4 : i32
      %mul3A_375 = arith.muli %mul3A_374, %add3A_358 : i32
      %add3A_376 = arith.constant 1 : i32
      %add3A_377 = arith.addi %mul3A_375, %add3A_376 : i32
      %dma_wait3A_378 = arith.constant 1 : i32
      %dma_wait3A_379 = arith.constant 0 : i32
      %dma_wait3A_380 = arith.constant 0 : i32
      %dma_wait3A_381 = tpu.memref_slice %arg10[%dma_wait3A_378, %dma_wait3A_379, %dma_wait3A_380] : memref<4x50x64xf32, #tpu.memory_space<vmem>> -> memref<1x50x64xf32, #tpu.memory_space<vmem>>
      %dma_wait3A_382 = tpu.memref_squeeze %dma_wait3A_381 : memref<1x50x64xf32, #tpu.memory_space<vmem>> -> memref<50x64xf32, #tpu.memory_space<vmem>>
      %dma_wait3A_383 = arith.constant 0 : i32
      %dma_wait3A_384 = tpu.memref_slice %arg6[%add3A_377, %dma_wait3A_383] : memref<512x50xi32, #tpu.memory_space<vmem>> -> memref<1x50xi32, #tpu.memory_space<vmem>>
      %dma_wait3A_385 = tpu.memref_squeeze %dma_wait3A_384 : memref<1x50xi32, #tpu.memory_space<vmem>> -> memref<50xi32, #tpu.memory_space<vmem>>
      %dma_wait3A_386 = arith.constant 0 : i32
      %dma_wait3A_387 = arith.constant 0 : i32
      %dma_wait3A_388 = tpu.memref_slice %arg4[%dma_wait3A_386, %dma_wait3A_387] : memref<1000000x64xf32, #tpu.memory_space<hbm>> -> memref<1000000x64xf32, #tpu.memory_space<hbm>>
      tpu.wait_indirect_dma semaphore(%arg14 : memref<!tpu.dma_semaphore, #tpu.memory_space<semaphore_mem>>) src(%dma_wait3A_388 : memref<1000000x64xf32, #tpu.memory_space<hbm>>) dst(%dma_wait3A_382 : memref<50x64xf32, #tpu.memory_space<vmem>>)
      %mul3A_389 = arith.constant 4 : i32
      %mul3A_390 = arith.muli %mul3A_389, %add3A_358 : i32
      %add3A_391 = arith.constant 2 : i32
      %add3A_392 = arith.addi %mul3A_390, %add3A_391 : i32
      %dma_wait3A_393 = arith.constant 2 : i32
      %dma_wait3A_394 = arith.constant 0 : i32
      %dma_wait3A_395 = arith.constant 0 : i32
      %dma_wait3A_396 = tpu.memref_slice %arg10[%dma_wait3A_393, %dma_wait3A_394, %dma_wait3A_395] : memref<4x50x64xf32, #tpu.memory_space<vmem>> -> memref<1x50x64xf32, #tpu.memory_space<vmem>>
      %dma_wait3A_397 = tpu.memref_squeeze %dma_wait3A_396 : memref<1x50x64xf32, #tpu.memory_space<vmem>> -> memref<50x64xf32, #tpu.memory_space<vmem>>
      %dma_wait3A_398 = arith.constant 0 : i32
      %dma_wait3A_399 = tpu.memref_slice %arg6[%add3A_392, %dma_wait3A_398] : memref<512x50xi32, #tpu.memory_space<vmem>> -> memref<1x50xi32, #tpu.memory_space<vmem>>
      %dma_wait3A_400 = tpu.memref_squeeze %dma_wait3A_399 : memref<1x50xi32, #tpu.memory_space<vmem>> -> memref<50xi32, #tpu.memory_space<vmem>>
      %dma_wait3A_401 = arith.constant 0 : i32
      %dma_wait3A_402 = arith.constant 0 : i32
      %dma_wait3A_403 = tpu.memref_slice %arg4[%dma_wait3A_401, %dma_wait3A_402] : memref<1000000x64xf32, #tpu.memory_space<hbm>> -> memref<1000000x64xf32, #tpu.memory_space<hbm>>
      tpu.wait_indirect_dma semaphore(%arg14 : memref<!tpu.dma_semaphore, #tpu.memory_space<semaphore_mem>>) src(%dma_wait3A_403 : memref<1000000x64xf32, #tpu.memory_space<hbm>>) dst(%dma_wait3A_397 : memref<50x64xf32, #tpu.memory_space<vmem>>)
      %mul3A_404 = arith.constant 4 : i32
      %mul3A_405 = arith.muli %mul3A_404, %add3A_358 : i32
      %add3A_406 = arith.constant 3 : i32
      %add3A_407 = arith.addi %mul3A_405, %add3A_406 : i32
      %dma_wait3A_408 = arith.constant 3 : i32
      %dma_wait3A_409 = arith.constant 0 : i32
      %dma_wait3A_410 = arith.constant 0 : i32
      %dma_wait3A_411 = tpu.memref_slice %arg10[%dma_wait3A_408, %dma_wait3A_409, %dma_wait3A_410] : memref<4x50x64xf32, #tpu.memory_space<vmem>> -> memref<1x50x64xf32, #tpu.memory_space<vmem>>
      %dma_wait3A_412 = tpu.memref_squeeze %dma_wait3A_411 : memref<1x50x64xf32, #tpu.memory_space<vmem>> -> memref<50x64xf32, #tpu.memory_space<vmem>>
      %dma_wait3A_413 = arith.constant 0 : i32
      %dma_wait3A_414 = tpu.memref_slice %arg6[%add3A_407, %dma_wait3A_413] : memref<512x50xi32, #tpu.memory_space<vmem>> -> memref<1x50xi32, #tpu.memory_space<vmem>>
      %dma_wait3A_415 = tpu.memref_squeeze %dma_wait3A_414 : memref<1x50xi32, #tpu.memory_space<vmem>> -> memref<50xi32, #tpu.memory_space<vmem>>
      %dma_wait3A_416 = arith.constant 0 : i32
      %dma_wait3A_417 = arith.constant 0 : i32
      %dma_wait3A_418 = tpu.memref_slice %arg4[%dma_wait3A_416, %dma_wait3A_417] : memref<1000000x64xf32, #tpu.memory_space<hbm>> -> memref<1000000x64xf32, #tpu.memory_space<hbm>>
      tpu.wait_indirect_dma semaphore(%arg14 : memref<!tpu.dma_semaphore, #tpu.memory_space<semaphore_mem>>) src(%dma_wait3A_418 : memref<1000000x64xf32, #tpu.memory_space<hbm>>) dst(%dma_wait3A_412 : memref<50x64xf32, #tpu.memory_space<vmem>>)
      %scan3A_419 = arith.constant 0 : i32
      %scan3A_420 = arith.constant 0 : i32
      %scan3A_421 = arith.constant 50 : i32
      %scan3A_422 = arith.addi %scan3A_420, %scan3A_421 : i32
      %scan3A_423 = arith.constant 1 : i32
      scf.for %scan3A_531 = %scan3A_420 to %scan3A_422 step %scan3A_423  : i32 {
        %get3A = arith.index_cast %scan3A_531 : i32 to index
        %get3A_532 = arith.constant 0 : index
        %get3A_533 = tpu.vector_load %arg7[%get3A, %get3A_532] {strides = array<i32>} : memref<50x64xf32, #tpu.memory_space<vmem>>, vector<1x16xf32>,
        %get3A_534 = vector.shape_cast %get3A_533 : vector<1x16xf32> to vector<16xf32>
        %get3A_535 = arith.constant 0 : i32
        %get3A_536 = arith.index_cast %get3A_535 : i32 to index
        %get3A_537 = arith.index_cast %scan3A_531 : i32 to index
        %get3A_538 = arith.constant 0 : index
        %get3A_539 = tpu.vector_load %arg10[%get3A_536, %get3A_537, %get3A_538] {strides = array<i32>} : memref<4x50x64xf32, #tpu.memory_space<vmem>>, vector<1x1x16xf32>,
        %get3A_540 = vector.shape_cast %get3A_539 : vector<1x1x16xf32> to vector<16xf32>
        %add3A_541 = arith.addf %get3A_540, %get3A_534 : vector<16xf32>
        %swap3A = arith.constant 0 : i32
        %swap3A_542 = arith.index_cast %swap3A : i32 to index
        %swap3A_543 = arith.index_cast %scan3A_531 : i32 to index
        %swap3A_544 = arith.constant 0 : index
        %swap3A_545 = tpu.vector_load %arg10[%swap3A_542, %swap3A_543, %swap3A_544] {strides = array<i32>} : memref<4x50x64xf32, #tpu.memory_space<vmem>>, vector<1x1x16xf32>,
        %swap3A_546 = vector.shape_cast %swap3A_545 : vector<1x1x16xf32> to vector<16xf32>
        %swap3A_547 = vector.shape_cast %add3A_541 : vector<16xf32> to vector<1x1x16xf32>
        tpu.vector_store %arg10[%swap3A_542, %swap3A_543, %swap3A_544], %swap3A_547 {strides = array<i32>} : memref<4x50x64xf32, #tpu.memory_space<vmem>>, vector<1x1x16xf32>,
        %get3A_548 = arith.constant 1 : i32
        %get3A_549 = arith.index_cast %get3A_548 : i32 to index
        %get3A_550 = arith.index_cast %scan3A_531 : i32 to index
        %get3A_551 = arith.constant 0 : index
        %get3A_552 = tpu.vector_load %arg10[%get3A_549, %get3A_550, %get3A_551] {strides = array<i32>} : memref<4x50x64xf32, #tpu.memory_space<vmem>>, vector<1x1x16xf32>,
        %get3A_553 = vector.shape_cast %get3A_552 : vector<1x1x16xf32> to vector<16xf32>
        %add3A_554 = arith.addf %get3A_553, %get3A_534 : vector<16xf32>
        %swap3A_555 = arith.constant 1 : i32
        %swap3A_556 = arith.index_cast %swap3A_555 : i32 to index
        %swap3A_557 = arith.index_cast %scan3A_531 : i32 to index
        %swap3A_558 = arith.constant 0 : index
        %swap3A_559 = tpu.vector_load %arg10[%swap3A_556, %swap3A_557, %swap3A_558] {strides = array<i32>} : memref<4x50x64xf32, #tpu.memory_space<vmem>>, vector<1x1x16xf32>,
        %swap3A_560 = vector.shape_cast %swap3A_559 : vector<1x1x16xf32> to vector<16xf32>
        %swap3A_561 = vector.shape_cast %add3A_554 : vector<16xf32> to vector<1x1x16xf32>
        tpu.vector_store %arg10[%swap3A_556, %swap3A_557, %swap3A_558], %swap3A_561 {strides = array<i32>} : memref<4x50x64xf32, #tpu.memory_space<vmem>>, vector<1x1x16xf32>,
        %get3A_562 = arith.constant 2 : i32
        %get3A_563 = arith.index_cast %get3A_562 : i32 to index
        %get3A_564 = arith.index_cast %scan3A_531 : i32 to index
        %get3A_565 = arith.constant 0 : index
        %get3A_566 = tpu.vector_load %arg10[%get3A_563, %get3A_564, %get3A_565] {strides = array<i32>} : memref<4x50x64xf32, #tpu.memory_space<vmem>>, vector<1x1x16xf32>,
        %get3A_567 = vector.shape_cast %get3A_566 : vector<1x1x16xf32> to vector<16xf32>
        %add3A_568 = arith.addf %get3A_567, %get3A_534 : vector<16xf32>
        %swap3A_569 = arith.constant 2 : i32
        %swap3A_570 = arith.index_cast %swap3A_569 : i32 to index
        %swap3A_571 = arith.index_cast %scan3A_531 : i32 to index
        %swap3A_572 = arith.constant 0 : index
        %swap3A_573 = tpu.vector_load %arg10[%swap3A_570, %swap3A_571, %swap3A_572] {strides = array<i32>} : memref<4x50x64xf32, #tpu.memory_space<vmem>>, vector<1x1x16xf32>,
        %swap3A_574 = vector.shape_cast %swap3A_573 : vector<1x1x16xf32> to vector<16xf32>
        %swap3A_575 = vector.shape_cast %add3A_568 : vector<16xf32> to vector<1x1x16xf32>
        tpu.vector_store %arg10[%swap3A_570, %swap3A_571, %swap3A_572], %swap3A_575 {strides = array<i32>} : memref<4x50x64xf32, #tpu.memory_space<vmem>>, vector<1x1x16xf32>,
        %get3A_576 = arith.constant 3 : i32
        %get3A_577 = arith.index_cast %get3A_576 : i32 to index
        %get3A_578 = arith.index_cast %scan3A_531 : i32 to index
        %get3A_579 = arith.constant 0 : index
        %get3A_580 = tpu.vector_load %arg10[%get3A_577, %get3A_578, %get3A_579] {strides = array<i32>} : memref<4x50x64xf32, #tpu.memory_space<vmem>>, vector<1x1x16xf32>,
        %get3A_581 = vector.shape_cast %get3A_580 : vector<1x1x16xf32> to vector<16xf32>
        %add3A_582 = arith.addf %get3A_581, %get3A_534 : vector<16xf32>
        %swap3A_583 = arith.constant 3 : i32
        %swap3A_584 = arith.index_cast %swap3A_583 : i32 to index
        %swap3A_585 = arith.index_cast %scan3A_531 : i32 to index
        %swap3A_586 = arith.constant 0 : index
        %swap3A_587 = tpu.vector_load %arg10[%swap3A_584, %swap3A_585, %swap3A_586] {strides = array<i32>} : memref<4x50x64xf32, #tpu.memory_space<vmem>>, vector<1x1x16xf32>,
        %swap3A_588 = vector.shape_cast %swap3A_587 : vector<1x1x16xf32> to vector<16xf32>
        %swap3A_589 = vector.shape_cast %add3A_582 : vector<16xf32> to vector<1x1x16xf32>
        tpu.vector_store %arg10[%swap3A_584, %swap3A_585, %swap3A_586], %swap3A_589 {strides = array<i32>} : memref<4x50x64xf32, #tpu.memory_space<vmem>>, vector<1x1x16xf32>,
        %get3A_590 = arith.index_cast %scan3A_531 : i32 to index
        %get3A_591 = arith.constant 16 : index
        %get3A_592 = tpu.vector_load %arg7[%get3A_590, %get3A_591] {strides = array<i32>} : memref<50x64xf32, #tpu.memory_space<vmem>>, vector<1x16xf32>,
        %get3A_593 = vector.shape_cast %get3A_592 : vector<1x16xf32> to vector<16xf32>
        %get3A_594 = arith.constant 0 : i32
        %get3A_595 = arith.index_cast %get3A_594 : i32 to index
        %get3A_596 = arith.index_cast %scan3A_531 : i32 to index
        %get3A_597 = arith.constant 16 : index
        %get3A_598 = tpu.vector_load %arg10[%get3A_595, %get3A_596, %get3A_597] {strides = array<i32>} : memref<4x50x64xf32, #tpu.memory_space<vmem>>, vector<1x1x16xf32>,
        %get3A_599 = vector.shape_cast %get3A_598 : vector<1x1x16xf32> to vector<16xf32>
        %add3A_600 = arith.addf %get3A_599, %get3A_593 : vector<16xf32>
        %swap3A_601 = arith.constant 0 : i32
        %swap3A_602 = arith.index_cast %swap3A_601 : i32 to index
        %swap3A_603 = arith.index_cast %scan3A_531 : i32 to index
        %swap3A_604 = arith.constant 16 : index
        %swap3A_605 = tpu.vector_load %arg10[%swap3A_602, %swap3A_603, %swap3A_604] {strides = array<i32>} : memref<4x50x64xf32, #tpu.memory_space<vmem>>, vector<1x1x16xf32>,
        %swap3A_606 = vector.shape_cast %swap3A_605 : vector<1x1x16xf32> to vector<16xf32>
        %swap3A_607 = vector.shape_cast %add3A_600 : vector<16xf32> to vector<1x1x16xf32>
        tpu.vector_store %arg10[%swap3A_602, %swap3A_603, %swap3A_604], %swap3A_607 {strides = array<i32>} : memref<4x50x64xf32, #tpu.memory_space<vmem>>, vector<1x1x16xf32>,
        %get3A_608 = arith.constant 1 : i32
        %get3A_609 = arith.index_cast %get3A_608 : i32 to index
        %get3A_610 = arith.index_cast %scan3A_531 : i32 to index
        %get3A_611 = arith.constant 16 : index
        %get3A_612 = tpu.vector_load %arg10[%get3A_609, %get3A_610, %get3A_611] {strides = array<i32>} : memref<4x50x64xf32, #tpu.memory_space<vmem>>, vector<1x1x16xf32>,
        %get3A_613 = vector.shape_cast %get3A_612 : vector<1x1x16xf32> to vector<16xf32>
        %add3A_614 = arith.addf %get3A_613, %get3A_593 : vector<16xf32>
        %swap3A_615 = arith.constant 1 : i32
        %swap3A_616 = arith.index_cast %swap3A_615 : i32 to index
        %swap3A_617 = arith.index_cast %scan3A_531 : i32 to index
        %swap3A_618 = arith.constant 16 : index
        %swap3A_619 = tpu.vector_load %arg10[%swap3A_616, %swap3A_617, %swap3A_618] {strides = array<i32>} : memref<4x50x64xf32, #tpu.memory_space<vmem>>, vector<1x1x16xf32>,
        %swap3A_620 = vector.shape_cast %swap3A_619 : vector<1x1x16xf32> to vector<16xf32>
        %swap3A_621 = vector.shape_cast %add3A_614 : vector<16xf32> to vector<1x1x16xf32>
        tpu.vector_store %arg10[%swap3A_616, %swap3A_617, %swap3A_618], %swap3A_621 {strides = array<i32>} : memref<4x50x64xf32, #tpu.memory_space<vmem>>, vector<1x1x16xf32>,
        %get3A_622 = arith.constant 2 : i32
        %get3A_623 = arith.index_cast %get3A_622 : i32 to index
        %get3A_624 = arith.index_cast %scan3A_531 : i32 to index
        %get3A_625 = arith.constant 16 : index
        %get3A_626 = tpu.vector_load %arg10[%get3A_623, %get3A_624, %get3A_625] {strides = array<i32>} : memref<4x50x64xf32, #tpu.memory_space<vmem>>, vector<1x1x16xf32>,
        %get3A_627 = vector.shape_cast %get3A_626 : vector<1x1x16xf32> to vector<16xf32>
        %add3A_628 = arith.addf %get3A_627, %get3A_593 : vector<16xf32>
        %swap3A_629 = arith.constant 2 : i32
        %swap3A_630 = arith.index_cast %swap3A_629 : i32 to index
        %swap3A_631 = arith.index_cast %scan3A_531 : i32 to index
        %swap3A_632 = arith.constant 16 : index
        %swap3A_633 = tpu.vector_load %arg10[%swap3A_630, %swap3A_631, %swap3A_632] {strides = array<i32>} : memref<4x50x64xf32, #tpu.memory_space<vmem>>, vector<1x1x16xf32>,
        %swap3A_634 = vector.shape_cast %swap3A_633 : vector<1x1x16xf32> to vector<16xf32>
        %swap3A_635 = vector.shape_cast %add3A_628 : vector<16xf32> to vector<1x1x16xf32>
        tpu.vector_store %arg10[%swap3A_630, %swap3A_631, %swap3A_632], %swap3A_635 {strides = array<i32>} : memref<4x50x64xf32, #tpu.memory_space<vmem>>, vector<1x1x16xf32>,
        %get3A_636 = arith.constant 3 : i32
        %get3A_637 = arith.index_cast %get3A_636 : i32 to index
        %get3A_638 = arith.index_cast %scan3A_531 : i32 to index
        %get3A_639 = arith.constant 16 : index
        %get3A_640 = tpu.vector_load %arg10[%get3A_637, %get3A_638, %get3A_639] {strides = array<i32>} : memref<4x50x64xf32, #tpu.memory_space<vmem>>, vector<1x1x16xf32>,
        %get3A_641 = vector.shape_cast %get3A_640 : vector<1x1x16xf32> to vector<16xf32>
        %add3A_642 = arith.addf %get3A_641, %get3A_593 : vector<16xf32>
        %swap3A_643 = arith.constant 3 : i32
        %swap3A_644 = arith.index_cast %swap3A_643 : i32 to index
        %swap3A_645 = arith.index_cast %scan3A_531 : i32 to index
        %swap3A_646 = arith.constant 16 : index
        %swap3A_647 = tpu.vector_load %arg10[%swap3A_644, %swap3A_645, %swap3A_646] {strides = array<i32>} : memref<4x50x64xf32, #tpu.memory_space<vmem>>, vector<1x1x16xf32>,
        %swap3A_648 = vector.shape_cast %swap3A_647 : vector<1x1x16xf32> to vector<16xf32>
        %swap3A_649 = vector.shape_cast %add3A_642 : vector<16xf32> to vector<1x1x16xf32>
        tpu.vector_store %arg10[%swap3A_644, %swap3A_645, %swap3A_646], %swap3A_649 {strides = array<i32>} : memref<4x50x64xf32, #tpu.memory_space<vmem>>, vector<1x1x16xf32>,
        %get3A_650 = arith.index_cast %scan3A_531 : i32 to index
        %get3A_651 = arith.constant 32 : index
        %get3A_652 = tpu.vector_load %arg7[%get3A_650, %get3A_651] {strides = array<i32>} : memref<50x64xf32, #tpu.memory_space<vmem>>, vector<1x16xf32>,
        %get3A_653 = vector.shape_cast %get3A_652 : vector<1x16xf32> to vector<16xf32>
        %get3A_654 = arith.constant 0 : i32
        %get3A_655 = arith.index_cast %get3A_654 : i32 to index
        %get3A_656 = arith.index_cast %scan3A_531 : i32 to index
        %get3A_657 = arith.constant 32 : index
        %get3A_658 = tpu.vector_load %arg10[%get3A_655, %get3A_656, %get3A_657] {strides = array<i32>} : memref<4x50x64xf32, #tpu.memory_space<vmem>>, vector<1x1x16xf32>,
        %get3A_659 = vector.shape_cast %get3A_658 : vector<1x1x16xf32> to vector<16xf32>
        %add3A_660 = arith.addf %get3A_659, %get3A_653 : vector<16xf32>
        %swap3A_661 = arith.constant 0 : i32
        %swap3A_662 = arith.index_cast %swap3A_661 : i32 to index
        %swap3A_663 = arith.index_cast %scan3A_531 : i32 to index
        %swap3A_664 = arith.constant 32 : index
        %swap3A_665 = tpu.vector_load %arg10[%swap3A_662, %swap3A_663, %swap3A_664] {strides = array<i32>} : memref<4x50x64xf32, #tpu.memory_space<vmem>>, vector<1x1x16xf32>,
        %swap3A_666 = vector.shape_cast %swap3A_665 : vector<1x1x16xf32> to vector<16xf32>
        %swap3A_667 = vector.shape_cast %add3A_660 : vector<16xf32> to vector<1x1x16xf32>
        tpu.vector_store %arg10[%swap3A_662, %swap3A_663, %swap3A_664], %swap3A_667 {strides = array<i32>} : memref<4x50x64xf32, #tpu.memory_space<vmem>>, vector<1x1x16xf32>,
        %get3A_668 = arith.constant 1 : i32
        %get3A_669 = arith.index_cast %get3A_668 : i32 to index
        %get3A_670 = arith.index_cast %scan3A_531 : i32 to index
        %get3A_671 = arith.constant 32 : index
        %get3A_672 = tpu.vector_load %arg10[%get3A_669, %get3A_670, %get3A_671] {strides = array<i32>} : memref<4x50x64xf32, #tpu.memory_space<vmem>>, vector<1x1x16xf32>,
        %get3A_673 = vector.shape_cast %get3A_672 : vector<1x1x16xf32> to vector<16xf32>
        %add3A_674 = arith.addf %get3A_673, %get3A_653 : vector<16xf32>
        %swap3A_675 = arith.constant 1 : i32
        %swap3A_676 = arith.index_cast %swap3A_675 : i32 to index
        %swap3A_677 = arith.index_cast %scan3A_531 : i32 to index
        %swap3A_678 = arith.constant 32 : index
        %swap3A_679 = tpu.vector_load %arg10[%swap3A_676, %swap3A_677, %swap3A_678] {strides = array<i32>} : memref<4x50x64xf32, #tpu.memory_space<vmem>>, vector<1x1x16xf32>,
        %swap3A_680 = vector.shape_cast %swap3A_679 : vector<1x1x16xf32> to vector<16xf32>
        %swap3A_681 = vector.shape_cast %add3A_674 : vector<16xf32> to vector<1x1x16xf32>
        tpu.vector_store %arg10[%swap3A_676, %swap3A_677, %swap3A_678], %swap3A_681 {strides = array<i32>} : memref<4x50x64xf32, #tpu.memory_space<vmem>>, vector<1x1x16xf32>,
        %get3A_682 = arith.constant 2 : i32
        %get3A_683 = arith.index_cast %get3A_682 : i32 to index
        %get3A_684 = arith.index_cast %scan3A_531 : i32 to index
        %get3A_685 = arith.constant 32 : index
        %get3A_686 = tpu.vector_load %arg10[%get3A_683, %get3A_684, %get3A_685] {strides = array<i32>} : memref<4x50x64xf32, #tpu.memory_space<vmem>>, vector<1x1x16xf32>,
        %get3A_687 = vector.shape_cast %get3A_686 : vector<1x1x16xf32> to vector<16xf32>
        %add3A_688 = arith.addf %get3A_687, %get3A_653 : vector<16xf32>
        %swap3A_689 = arith.constant 2 : i32
        %swap3A_690 = arith.index_cast %swap3A_689 : i32 to index
        %swap3A_691 = arith.index_cast %scan3A_531 : i32 to index
        %swap3A_692 = arith.constant 32 : index
        %swap3A_693 = tpu.vector_load %arg10[%swap3A_690, %swap3A_691, %swap3A_692] {strides = array<i32>} : memref<4x50x64xf32, #tpu.memory_space<vmem>>, vector<1x1x16xf32>,
        %swap3A_694 = vector.shape_cast %swap3A_693 : vector<1x1x16xf32> to vector<16xf32>
        %swap3A_695 = vector.shape_cast %add3A_688 : vector<16xf32> to vector<1x1x16xf32>
        tpu.vector_store %arg10[%swap3A_690, %swap3A_691, %swap3A_692], %swap3A_695 {strides = array<i32>} : memref<4x50x64xf32, #tpu.memory_space<vmem>>, vector<1x1x16xf32>,
        %get3A_696 = arith.constant 3 : i32
        %get3A_697 = arith.index_cast %get3A_696 : i32 to index
        %get3A_698 = arith.index_cast %scan3A_531 : i32 to index
        %get3A_699 = arith.constant 32 : index
        %get3A_700 = tpu.vector_load %arg10[%get3A_697, %get3A_698, %get3A_699] {strides = array<i32>} : memref<4x50x64xf32, #tpu.memory_space<vmem>>, vector<1x1x16xf32>,
        %get3A_701 = vector.shape_cast %get3A_700 : vector<1x1x16xf32> to vector<16xf32>
        %add3A_702 = arith.addf %get3A_701, %get3A_653 : vector<16xf32>
        %swap3A_703 = arith.constant 3 : i32
        %swap3A_704 = arith.index_cast %swap3A_703 : i32 to index
        %swap3A_705 = arith.index_cast %scan3A_531 : i32 to index
        %swap3A_706 = arith.constant 32 : index
        %swap3A_707 = tpu.vector_load %arg10[%swap3A_704, %swap3A_705, %swap3A_706] {strides = array<i32>} : memref<4x50x64xf32, #tpu.memory_space<vmem>>, vector<1x1x16xf32>,
        %swap3A_708 = vector.shape_cast %swap3A_707 : vector<1x1x16xf32> to vector<16xf32>
        %swap3A_709 = vector.shape_cast %add3A_702 : vector<16xf32> to vector<1x1x16xf32>
        tpu.vector_store %arg10[%swap3A_704, %swap3A_705, %swap3A_706], %swap3A_709 {strides = array<i32>} : memref<4x50x64xf32, #tpu.memory_space<vmem>>, vector<1x1x16xf32>,
        %get3A_710 = arith.index_cast %scan3A_531 : i32 to index
        %get3A_711 = arith.constant 48 : index
        %get3A_712 = tpu.vector_load %arg7[%get3A_710, %get3A_711] {strides = array<i32>} : memref<50x64xf32, #tpu.memory_space<vmem>>, vector<1x16xf32>,
        %get3A_713 = vector.shape_cast %get3A_712 : vector<1x16xf32> to vector<16xf32>
        %get3A_714 = arith.constant 0 : i32
        %get3A_715 = arith.index_cast %get3A_714 : i32 to index
        %get3A_716 = arith.index_cast %scan3A_531 : i32 to index
        %get3A_717 = arith.constant 48 : index
        %get3A_718 = tpu.vector_load %arg10[%get3A_715, %get3A_716, %get3A_717] {strides = array<i32>} : memref<4x50x64xf32, #tpu.memory_space<vmem>>, vector<1x1x16xf32>,
        %get3A_719 = vector.shape_cast %get3A_718 : vector<1x1x16xf32> to vector<16xf32>
        %add3A_720 = arith.addf %get3A_719, %get3A_713 : vector<16xf32>
        %swap3A_721 = arith.constant 0 : i32
        %swap3A_722 = arith.index_cast %swap3A_721 : i32 to index
        %swap3A_723 = arith.index_cast %scan3A_531 : i32 to index
        %swap3A_724 = arith.constant 48 : index
        %swap3A_725 = tpu.vector_load %arg10[%swap3A_722, %swap3A_723, %swap3A_724] {strides = array<i32>} : memref<4x50x64xf32, #tpu.memory_space<vmem>>, vector<1x1x16xf32>,
        %swap3A_726 = vector.shape_cast %swap3A_725 : vector<1x1x16xf32> to vector<16xf32>
        %swap3A_727 = vector.shape_cast %add3A_720 : vector<16xf32> to vector<1x1x16xf32>
        tpu.vector_store %arg10[%swap3A_722, %swap3A_723, %swap3A_724], %swap3A_727 {strides = array<i32>} : memref<4x50x64xf32, #tpu.memory_space<vmem>>, vector<1x1x16xf32>,
        %get3A_728 = arith.constant 1 : i32
        %get3A_729 = arith.index_cast %get3A_728 : i32 to index
        %get3A_730 = arith.index_cast %scan3A_531 : i32 to index
        %get3A_731 = arith.constant 48 : index
        %get3A_732 = tpu.vector_load %arg10[%get3A_729, %get3A_730, %get3A_731] {strides = array<i32>} : memref<4x50x64xf32, #tpu.memory_space<vmem>>, vector<1x1x16xf32>,
        %get3A_733 = vector.shape_cast %get3A_732 : vector<1x1x16xf32> to vector<16xf32>
        %add3A_734 = arith.addf %get3A_733, %get3A_713 : vector<16xf32>
        %swap3A_735 = arith.constant 1 : i32
        %swap3A_736 = arith.index_cast %swap3A_735 : i32 to index
        %swap3A_737 = arith.index_cast %scan3A_531 : i32 to index
        %swap3A_738 = arith.constant 48 : index
        %swap3A_739 = tpu.vector_load %arg10[%swap3A_736, %swap3A_737, %swap3A_738] {strides = array<i32>} : memref<4x50x64xf32, #tpu.memory_space<vmem>>, vector<1x1x16xf32>,
        %swap3A_740 = vector.shape_cast %swap3A_739 : vector<1x1x16xf32> to vector<16xf32>
        %swap3A_741 = vector.shape_cast %add3A_734 : vector<16xf32> to vector<1x1x16xf32>
        tpu.vector_store %arg10[%swap3A_736, %swap3A_737, %swap3A_738], %swap3A_741 {strides = array<i32>} : memref<4x50x64xf32, #tpu.memory_space<vmem>>, vector<1x1x16xf32>,
        %get3A_742 = arith.constant 2 : i32
        %get3A_743 = arith.index_cast %get3A_742 : i32 to index
        %get3A_744 = arith.index_cast %scan3A_531 : i32 to index
        %get3A_745 = arith.constant 48 : index
        %get3A_746 = tpu.vector_load %arg10[%get3A_743, %get3A_744, %get3A_745] {strides = array<i32>} : memref<4x50x64xf32, #tpu.memory_space<vmem>>, vector<1x1x16xf32>,
        %get3A_747 = vector.shape_cast %get3A_746 : vector<1x1x16xf32> to vector<16xf32>
        %add3A_748 = arith.addf %get3A_747, %get3A_713 : vector<16xf32>
        %swap3A_749 = arith.constant 2 : i32
        %swap3A_750 = arith.index_cast %swap3A_749 : i32 to index
        %swap3A_751 = arith.index_cast %scan3A_531 : i32 to index
        %swap3A_752 = arith.constant 48 : index
        %swap3A_753 = tpu.vector_load %arg10[%swap3A_750, %swap3A_751, %swap3A_752] {strides = array<i32>} : memref<4x50x64xf32, #tpu.memory_space<vmem>>, vector<1x1x16xf32>,
        %swap3A_754 = vector.shape_cast %swap3A_753 : vector<1x1x16xf32> to vector<16xf32>
        %swap3A_755 = vector.shape_cast %add3A_748 : vector<16xf32> to vector<1x1x16xf32>
        tpu.vector_store %arg10[%swap3A_750, %swap3A_751, %swap3A_752], %swap3A_755 {strides = array<i32>} : memref<4x50x64xf32, #tpu.memory_space<vmem>>, vector<1x1x16xf32>,
        %get3A_756 = arith.constant 3 : i32
        %get3A_757 = arith.index_cast %get3A_756 : i32 to index
        %get3A_758 = arith.index_cast %scan3A_531 : i32 to index
        %get3A_759 = arith.constant 48 : index
        %get3A_760 = tpu.vector_load %arg10[%get3A_757, %get3A_758, %get3A_759] {strides = array<i32>} : memref<4x50x64xf32, #tpu.memory_space<vmem>>, vector<1x1x16xf32>,
        %get3A_761 = vector.shape_cast %get3A_760 : vector<1x1x16xf32> to vector<16xf32>
        %add3A_762 = arith.addf %get3A_761, %get3A_713 : vector<16xf32>
        %swap3A_763 = arith.constant 3 : i32
        %swap3A_764 = arith.index_cast %swap3A_763 : i32 to index
        %swap3A_765 = arith.index_cast %scan3A_531 : i32 to index
        %swap3A_766 = arith.constant 48 : index
        %swap3A_767 = tpu.vector_load %arg10[%swap3A_764, %swap3A_765, %swap3A_766] {strides = array<i32>} : memref<4x50x64xf32, #tpu.memory_space<vmem>>, vector<1x1x16xf32>,
        %swap3A_768 = vector.shape_cast %swap3A_767 : vector<1x1x16xf32> to vector<16xf32>
        %swap3A_769 = vector.shape_cast %add3A_762 : vector<16xf32> to vector<1x1x16xf32>
        tpu.vector_store %arg10[%swap3A_764, %swap3A_765, %swap3A_766], %swap3A_769 {strides = array<i32>} : memref<4x50x64xf32, #tpu.memory_space<vmem>>, vector<1x1x16xf32>,
      }
      %scan3A_424 = arith.constant 50 : i32
      %mul3A_425 = arith.constant 4 : i32
      %mul3A_426 = arith.muli %mul3A_425, %add3A_358 : i32
      %add3A_427 = arith.addi %mul3A_2, %mul3A_426 : i32
      %dma_start3A_428 = arith.constant 0 : i32
      %dma_start3A_429 = arith.constant 0 : i32
      %dma_start3A_430 = tpu.memref_slice %arg5[%add3A_427, %dma_start3A_428, %dma_start3A_429] : memref<16384x50x64xf32, #tpu.memory_space<hbm>> -> memref<4x50x64xf32, #tpu.memory_space<hbm>>
      %dma_start3A_431 = arith.constant 0 : i32
      %dma_start3A_432 = arith.constant 0 : i32
      %dma_start3A_433 = tpu.memref_slice %arg5[%add3A_427, %dma_start3A_431, %dma_start3A_432] : memref<16384x50x64xf32, #tpu.memory_space<hbm>> -> memref<4x50x64xf32, #tpu.memory_space<hbm>>
      tpu.enqueue_dma source(%arg10 : memref<4x50x64xf32, #tpu.memory_space<vmem>>) target(%dma_start3A_433 : memref<4x50x64xf32, #tpu.memory_space<hbm>>) target_semaphore(%arg18 : memref<!tpu.dma_semaphore, #tpu.memory_space<semaphore_mem>>)
      %add3A_434 = arith.constant 4 : i32
      %add3A_435 = arith.addi %add3A_358, %add3A_434 : i32
      %sub3A_436 = arith.constant 1 : i32
      %sub3A_437 = arith.subi %add3A_435, %sub3A_436 : i32
      %lt3A_438 = arith.constant 128 : i32
      %lt3A_439 = arith.cmpi slt, %sub3A_437, %lt3A_438 : i32
      %convert_element_type3A_440 = arith.extui %lt3A_439 : i1 to i32
      %cond3A_441 = arith.constant 0 : i32
      %cond3A_442 = arith.cmpi ne, %convert_element_type3A_440, %cond3A_441 : i32
      scf.if %cond3A_442 {
        %ge3A = arith.constant 1 : i32
        %ge3A_531 = arith.cmpi sge, %add3A_358, %ge3A : i32
        %convert_element_type3A_532 = arith.extui %ge3A_531 : i1 to i32
        %cond3A_533 = arith.constant 0 : i32
        %cond3A_534 = arith.cmpi ne, %convert_element_type3A_532, %cond3A_533 : i32
        scf.if %cond3A_534 {
          %sub3A_599 = arith.constant 1 : i32
          %sub3A_600 = arith.subi %add3A_358, %sub3A_599 : i32
          %mul3A_601 = arith.constant 4 : i32
          %mul3A_602 = arith.muli %mul3A_601, %sub3A_600 : i32
          %add3A_603 = arith.addi %mul3A_2, %mul3A_602 : i32
          %dma_wait3A_604 = arith.constant 0 : i32
          %dma_wait3A_605 = arith.constant 0 : i32
          %dma_wait3A_606 = tpu.memref_slice %arg5[%add3A_603, %dma_wait3A_604, %dma_wait3A_605] : memref<16384x50x64xf32, #tpu.memory_space<hbm>> -> memref<4x50x64xf32, #tpu.memory_space<hbm>>
          %dma_wait3A_607 = arith.constant 0 : i32
          %dma_wait3A_608 = arith.constant 0 : i32
          %dma_wait3A_609 = tpu.memref_slice %arg5[%add3A_603, %dma_wait3A_607, %dma_wait3A_608] : memref<16384x50x64xf32, #tpu.memory_space<hbm>> -> memref<4x50x64xf32, #tpu.memory_space<hbm>>
          tpu.wait_dma2 semaphore(%arg17 : memref<!tpu.dma_semaphore, #tpu.memory_space<semaphore_mem>>) src(%arg9 : memref<4x50x64xf32, #tpu.memory_space<vmem>>) dst(%dma_wait3A_609 : memref<4x50x64xf32, #tpu.memory_space<hbm>>)
        } else {
        }
        %add3A_535 = arith.constant 4 : i32
        %add3A_536 = arith.addi %add3A_358, %add3A_535 : i32
        %sub3A_537 = arith.constant 1 : i32
        %sub3A_538 = arith.subi %add3A_536, %sub3A_537 : i32
        %mul3A_539 = arith.constant 4 : i32
        %mul3A_540 = arith.muli %mul3A_539, %sub3A_538 : i32
        %add3A_541 = arith.constant 0 : i32
        %add3A_542 = arith.addi %mul3A_540, %add3A_541 : i32
        %dma_start3A_543 = arith.constant 0 : i32
        %dma_start3A_544 = arith.constant 0 : i32
        %dma_start3A_545 = arith.constant 0 : i32
        %dma_start3A_546 = tpu.memref_slice %arg9[%dma_start3A_543, %dma_start3A_544, %dma_start3A_545] : memref<4x50x64xf32, #tpu.memory_space<vmem>> -> memref<1x50x64xf32, #tpu.memory_space<vmem>>
        %dma_start3A_547 = tpu.memref_squeeze %dma_start3A_546 : memref<1x50x64xf32, #tpu.memory_space<vmem>> -> memref<50x64xf32, #tpu.memory_space<vmem>>
        %dma_start3A_548 = arith.constant 0 : i32
        %dma_start3A_549 = tpu.memref_slice %arg6[%add3A_542, %dma_start3A_548] : memref<512x50xi32, #tpu.memory_space<vmem>> -> memref<1x50xi32, #tpu.memory_space<vmem>>
        %dma_start3A_550 = tpu.memref_squeeze %dma_start3A_549 : memref<1x50xi32, #tpu.memory_space<vmem>> -> memref<50xi32, #tpu.memory_space<vmem>>
        %dma_start3A_551 = arith.constant 0 : i32
        %dma_start3A_552 = arith.constant 0 : i32
        %dma_start3A_553 = tpu.memref_slice %arg4[%dma_start3A_551, %dma_start3A_552] : memref<1000000x64xf32, #tpu.memory_space<hbm>> -> memref<1000000x64xf32, #tpu.memory_space<hbm>>
        tpu.enqueue_indirect_dma source(%dma_start3A_553 : memref<1000000x64xf32, #tpu.memory_space<hbm>>) target(%dma_start3A_547 : memref<50x64xf32, #tpu.memory_space<vmem>>) offsets(%dma_start3A_550 : memref<50xi32, #tpu.memory_space<vmem>>) semaphore(%arg13 : memref<!tpu.dma_semaphore, #tpu.memory_space<semaphore_mem>>)
        %mul3A_554 = arith.constant 4 : i32
        %mul3A_555 = arith.muli %mul3A_554, %sub3A_538 : i32
        %add3A_556 = arith.constant 1 : i32
        %add3A_557 = arith.addi %mul3A_555, %add3A_556 : i32
        %dma_start3A_558 = arith.constant 1 : i32
        %dma_start3A_559 = arith.constant 0 : i32
        %dma_start3A_560 = arith.constant 0 : i32
        %dma_start3A_561 = tpu.memref_slice %arg9[%dma_start3A_558, %dma_start3A_559, %dma_start3A_560] : memref<4x50x64xf32, #tpu.memory_space<vmem>> -> memref<1x50x64xf32, #tpu.memory_space<vmem>>
        %dma_start3A_562 = tpu.memref_squeeze %dma_start3A_561 : memref<1x50x64xf32, #tpu.memory_space<vmem>> -> memref<50x64xf32, #tpu.memory_space<vmem>>
        %dma_start3A_563 = arith.constant 0 : i32
        %dma_start3A_564 = tpu.memref_slice %arg6[%add3A_557, %dma_start3A_563] : memref<512x50xi32, #tpu.memory_space<vmem>> -> memref<1x50xi32, #tpu.memory_space<vmem>>
        %dma_start3A_565 = tpu.memref_squeeze %dma_start3A_564 : memref<1x50xi32, #tpu.memory_space<vmem>> -> memref<50xi32, #tpu.memory_space<vmem>>
        %dma_start3A_566 = arith.constant 0 : i32
        %dma_start3A_567 = arith.constant 0 : i32
        %dma_start3A_568 = tpu.memref_slice %arg4[%dma_start3A_566, %dma_start3A_567] : memref<1000000x64xf32, #tpu.memory_space<hbm>> -> memref<1000000x64xf32, #tpu.memory_space<hbm>>
        tpu.enqueue_indirect_dma source(%dma_start3A_568 : memref<1000000x64xf32, #tpu.memory_space<hbm>>) target(%dma_start3A_562 : memref<50x64xf32, #tpu.memory_space<vmem>>) offsets(%dma_start3A_565 : memref<50xi32, #tpu.memory_space<vmem>>) semaphore(%arg13 : memref<!tpu.dma_semaphore, #tpu.memory_space<semaphore_mem>>)
        %mul3A_569 = arith.constant 4 : i32
        %mul3A_570 = arith.muli %mul3A_569, %sub3A_538 : i32
        %add3A_571 = arith.constant 2 : i32
        %add3A_572 = arith.addi %mul3A_570, %add3A_571 : i32
        %dma_start3A_573 = arith.constant 2 : i32
        %dma_start3A_574 = arith.constant 0 : i32
        %dma_start3A_575 = arith.constant 0 : i32
        %dma_start3A_576 = tpu.memref_slice %arg9[%dma_start3A_573, %dma_start3A_574, %dma_start3A_575] : memref<4x50x64xf32, #tpu.memory_space<vmem>> -> memref<1x50x64xf32, #tpu.memory_space<vmem>>
        %dma_start3A_577 = tpu.memref_squeeze %dma_start3A_576 : memref<1x50x64xf32, #tpu.memory_space<vmem>> -> memref<50x64xf32, #tpu.memory_space<vmem>>
        %dma_start3A_578 = arith.constant 0 : i32
        %dma_start3A_579 = tpu.memref_slice %arg6[%add3A_572, %dma_start3A_578] : memref<512x50xi32, #tpu.memory_space<vmem>> -> memref<1x50xi32, #tpu.memory_space<vmem>>
        %dma_start3A_580 = tpu.memref_squeeze %dma_start3A_579 : memref<1x50xi32, #tpu.memory_space<vmem>> -> memref<50xi32, #tpu.memory_space<vmem>>
        %dma_start3A_581 = arith.constant 0 : i32
        %dma_start3A_582 = arith.constant 0 : i32
        %dma_start3A_583 = tpu.memref_slice %arg4[%dma_start3A_581, %dma_start3A_582] : memref<1000000x64xf32, #tpu.memory_space<hbm>> -> memref<1000000x64xf32, #tpu.memory_space<hbm>>
        tpu.enqueue_indirect_dma source(%dma_start3A_583 : memref<1000000x64xf32, #tpu.memory_space<hbm>>) target(%dma_start3A_577 : memref<50x64xf32, #tpu.memory_space<vmem>>) offsets(%dma_start3A_580 : memref<50xi32, #tpu.memory_space<vmem>>) semaphore(%arg13 : memref<!tpu.dma_semaphore, #tpu.memory_space<semaphore_mem>>)
        %mul3A_584 = arith.constant 4 : i32
        %mul3A_585 = arith.muli %mul3A_584, %sub3A_538 : i32
        %add3A_586 = arith.constant 3 : i32
        %add3A_587 = arith.addi %mul3A_585, %add3A_586 : i32
        %dma_start3A_588 = arith.constant 3 : i32
        %dma_start3A_589 = arith.constant 0 : i32
        %dma_start3A_590 = arith.constant 0 : i32
        %dma_start3A_591 = tpu.memref_slice %arg9[%dma_start3A_588, %dma_start3A_589, %dma_start3A_590] : memref<4x50x64xf32, #tpu.memory_space<vmem>> -> memref<1x50x64xf32, #tpu.memory_space<vmem>>
        %dma_start3A_592 = tpu.memref_squeeze %dma_start3A_591 : memref<1x50x64xf32, #tpu.memory_space<vmem>> -> memref<50x64xf32, #tpu.memory_space<vmem>>
        %dma_start3A_593 = arith.constant 0 : i32
        %dma_start3A_594 = tpu.memref_slice %arg6[%add3A_587, %dma_start3A_593] : memref<512x50xi32, #tpu.memory_space<vmem>> -> memref<1x50xi32, #tpu.memory_space<vmem>>
        %dma_start3A_595 = tpu.memref_squeeze %dma_start3A_594 : memref<1x50xi32, #tpu.memory_space<vmem>> -> memref<50xi32, #tpu.memory_space<vmem>>
        %dma_start3A_596 = arith.constant 0 : i32
        %dma_start3A_597 = arith.constant 0 : i32
        %dma_start3A_598 = tpu.memref_slice %arg4[%dma_start3A_596, %dma_start3A_597] : memref<1000000x64xf32, #tpu.memory_space<hbm>> -> memref<1000000x64xf32, #tpu.memory_space<hbm>>
        tpu.enqueue_indirect_dma source(%dma_start3A_598 : memref<1000000x64xf32, #tpu.memory_space<hbm>>) target(%dma_start3A_592 : memref<50x64xf32, #tpu.memory_space<vmem>>) offsets(%dma_start3A_595 : memref<50xi32, #tpu.memory_space<vmem>>) semaphore(%arg13 : memref<!tpu.dma_semaphore, #tpu.memory_space<semaphore_mem>>)
      } else {
      }
      %mul3A_443 = arith.constant 4 : i32
      %mul3A_444 = arith.muli %mul3A_443, %scan3A_182 : i32
      %add3A_445 = arith.constant 3 : i32
      %add3A_446 = arith.addi %mul3A_444, %add3A_445 : i32
      %mul3A_447 = arith.constant 4 : i32
      %mul3A_448 = arith.muli %mul3A_447, %add3A_446 : i32
      %add3A_449 = arith.constant 0 : i32
      %add3A_450 = arith.addi %mul3A_448, %add3A_449 : i32
      %dma_wait3A_451 = arith.constant 0 : i32
      %dma_wait3A_452 = arith.constant 0 : i32
      %dma_wait3A_453 = arith.constant 0 : i32
      %dma_wait3A_454 = tpu.memref_slice %arg11[%dma_wait3A_451, %dma_wait3A_452, %dma_wait3A_453] : memref<4x50x64xf32, #tpu.memory_space<vmem>> -> memref<1x50x64xf32, #tpu.memory_space<vmem>>
      %dma_wait3A_455 = tpu.memref_squeeze %dma_wait3A_454 : memref<1x50x64xf32, #tpu.memory_space<vmem>> -> memref<50x64xf32, #tpu.memory_space<vmem>>
      %dma_wait3A_456 = arith.constant 0 : i32
      %dma_wait3A_457 = tpu.memref_slice %arg6[%add3A_450, %dma_wait3A_456] : memref<512x50xi32, #tpu.memory_space<vmem>> -> memref<1x50xi32, #tpu.memory_space<vmem>>
      %dma_wait3A_458 = tpu.memref_squeeze %dma_wait3A_457 : memref<1x50xi32, #tpu.memory_space<vmem>> -> memref<50xi32, #tpu.memory_space<vmem>>
      %dma_wait3A_459 = arith.constant 0 : i32
      %dma_wait3A_460 = arith.constant 0 : i32
      %dma_wait3A_461 = tpu.memref_slice %arg4[%dma_wait3A_459, %dma_wait3A_460] : memref<1000000x64xf32, #tpu.memory_space<hbm>> -> memref<1000000x64xf32, #tpu.memory_space<hbm>>
      tpu.wait_indirect_dma semaphore(%arg15 : memref<!tpu.dma_semaphore, #tpu.memory_space<semaphore_mem>>) src(%dma_wait3A_461 : memref<1000000x64xf32, #tpu.memory_space<hbm>>) dst(%dma_wait3A_455 : memref<50x64xf32, #tpu.memory_space<vmem>>)
      %mul3A_462 = arith.constant 4 : i32
      %mul3A_463 = arith.muli %mul3A_462, %add3A_446 : i32
      %add3A_464 = arith.constant 1 : i32
      %add3A_465 = arith.addi %mul3A_463, %add3A_464 : i32
      %dma_wait3A_466 = arith.constant 1 : i32
      %dma_wait3A_467 = arith.constant 0 : i32
      %dma_wait3A_468 = arith.constant 0 : i32
      %dma_wait3A_469 = tpu.memref_slice %arg11[%dma_wait3A_466, %dma_wait3A_467, %dma_wait3A_468] : memref<4x50x64xf32, #tpu.memory_space<vmem>> -> memref<1x50x64xf32, #tpu.memory_space<vmem>>
      %dma_wait3A_470 = tpu.memref_squeeze %dma_wait3A_469 : memref<1x50x64xf32, #tpu.memory_space<vmem>> -> memref<50x64xf32, #tpu.memory_space<vmem>>
      %dma_wait3A_471 = arith.constant 0 : i32
      %dma_wait3A_472 = tpu.memref_slice %arg6[%add3A_465, %dma_wait3A_471] : memref<512x50xi32, #tpu.memory_space<vmem>> -> memref<1x50xi32, #tpu.memory_space<vmem>>
      %dma_wait3A_473 = tpu.memref_squeeze %dma_wait3A_472 : memref<1x50xi32, #tpu.memory_space<vmem>> -> memref<50xi32, #tpu.memory_space<vmem>>
      %dma_wait3A_474 = arith.constant 0 : i32
      %dma_wait3A_475 = arith.constant 0 : i32
      %dma_wait3A_476 = tpu.memref_slice %arg4[%dma_wait3A_474, %dma_wait3A_475] : memref<1000000x64xf32, #tpu.memory_space<hbm>> -> memref<1000000x64xf32, #tpu.memory_space<hbm>>
      tpu.wait_indirect_dma semaphore(%arg15 : memref<!tpu.dma_semaphore, #tpu.memory_space<semaphore_mem>>) src(%dma_wait3A_476 : memref<1000000x64xf32, #tpu.memory_space<hbm>>) dst(%dma_wait3A_470 : memref<50x64xf32, #tpu.memory_space<vmem>>)
      %mul3A_477 = arith.constant 4 : i32
      %mul3A_478 = arith.muli %mul3A_477, %add3A_446 : i32
      %add3A_479 = arith.constant 2 : i32
      %add3A_480 = arith.addi %mul3A_478, %add3A_479 : i32
      %dma_wait3A_481 = arith.constant 2 : i32
      %dma_wait3A_482 = arith.constant 0 : i32
      %dma_wait3A_483 = arith.constant 0 : i32
      %dma_wait3A_484 = tpu.memref_slice %arg11[%dma_wait3A_481, %dma_wait3A_482, %dma_wait3A_483] : memref<4x50x64xf32, #tpu.memory_space<vmem>> -> memref<1x50x64xf32, #tpu.memory_space<vmem>>
      %dma_wait3A_485 = tpu.memref_squeeze %dma_wait3A_484 : memref<1x50x64xf32, #tpu.memory_space<vmem>> -> memref<50x64xf32, #tpu.memory_space<vmem>>
      %dma_wait3A_486 = arith.constant 0 : i32
      %dma_wait3A_487 = tpu.memref_slice %arg6[%add3A_480, %dma_wait3A_486] : memref<512x50xi32, #tpu.memory_space<vmem>> -> memref<1x50xi32, #tpu.memory_space<vmem>>
      %dma_wait3A_488 = tpu.memref_squeeze %dma_wait3A_487 : memref<1x50xi32, #tpu.memory_space<vmem>> -> memref<50xi32, #tpu.memory_space<vmem>>
      %dma_wait3A_489 = arith.constant 0 : i32
      %dma_wait3A_490 = arith.constant 0 : i32
      %dma_wait3A_491 = tpu.memref_slice %arg4[%dma_wait3A_489, %dma_wait3A_490] : memref<1000000x64xf32, #tpu.memory_space<hbm>> -> memref<1000000x64xf32, #tpu.memory_space<hbm>>
      tpu.wait_indirect_dma semaphore(%arg15 : memref<!tpu.dma_semaphore, #tpu.memory_space<semaphore_mem>>) src(%dma_wait3A_491 : memref<1000000x64xf32, #tpu.memory_space<hbm>>) dst(%dma_wait3A_485 : memref<50x64xf32, #tpu.memory_space<vmem>>)
      %mul3A_492 = arith.constant 4 : i32
      %mul3A_493 = arith.muli %mul3A_492, %add3A_446 : i32
      %add3A_494 = arith.constant 3 : i32
      %add3A_495 = arith.addi %mul3A_493, %add3A_494 : i32
      %dma_wait3A_496 = arith.constant 3 : i32
      %dma_wait3A_497 = arith.constant 0 : i32
      %dma_wait3A_498 = arith.constant 0 : i32
      %dma_wait3A_499 = tpu.memref_slice %arg11[%dma_wait3A_496, %dma_wait3A_497, %dma_wait3A_498] : memref<4x50x64xf32, #tpu.memory_space<vmem>> -> memref<1x50x64xf32, #tpu.memory_space<vmem>>
      %dma_wait3A_500 = tpu.memref_squeeze %dma_wait3A_499 : memref<1x50x64xf32, #tpu.memory_space<vmem>> -> memref<50x64xf32, #tpu.memory_space<vmem>>
      %dma_wait3A_501 = arith.constant 0 : i32
      %dma_wait3A_502 = tpu.memref_slice %arg6[%add3A_495, %dma_wait3A_501] : memref<512x50xi32, #tpu.memory_space<vmem>> -> memref<1x50xi32, #tpu.memory_space<vmem>>
      %dma_wait3A_503 = tpu.memref_squeeze %dma_wait3A_502 : memref<1x50xi32, #tpu.memory_space<vmem>> -> memref<50xi32, #tpu.memory_space<vmem>>
      %dma_wait3A_504 = arith.constant 0 : i32
      %dma_wait3A_505 = arith.constant 0 : i32
      %dma_wait3A_506 = tpu.memref_slice %arg4[%dma_wait3A_504, %dma_wait3A_505] : memref<1000000x64xf32, #tpu.memory_space<hbm>> -> memref<1000000x64xf32, #tpu.memory_space<hbm>>
      tpu.wait_indirect_dma semaphore(%arg15 : memref<!tpu.dma_semaphore, #tpu.memory_space<semaphore_mem>>) src(%dma_wait3A_506 : memref<1000000x64xf32, #tpu.memory_space<hbm>>) dst(%dma_wait3A_500 : memref<50x64xf32, #tpu.memory_space<vmem>>)
      %scan3A_507 = arith.constant 0 : i32
      %scan3A_508 = arith.constant 0 : i32
      %scan3A_509 = arith.constant 50 : i32
      %scan3A_510 = arith.addi %scan3A_508, %scan3A_509 : i32
      %scan3A_511 = arith.constant 1 : i32
      scf.for %scan3A_531 = %scan3A_508 to %scan3A_510 step %scan3A_511  : i32 {
        %get3A = arith.index_cast %scan3A_531 : i32 to index
        %get3A_532 = arith.constant 0 : index
        %get3A_533 = tpu.vector_load %arg7[%get3A, %get3A_532] {strides = array<i32>} : memref<50x64xf32, #tpu.memory_space<vmem>>, vector<1x16xf32>,
        %get3A_534 = vector.shape_cast %get3A_533 : vector<1x16xf32> to vector<16xf32>
        %get3A_535 = arith.constant 0 : i32
        %get3A_536 = arith.index_cast %get3A_535 : i32 to index
        %get3A_537 = arith.index_cast %scan3A_531 : i32 to index
        %get3A_538 = arith.constant 0 : index
        %get3A_539 = tpu.vector_load %arg11[%get3A_536, %get3A_537, %get3A_538] {strides = array<i32>} : memref<4x50x64xf32, #tpu.memory_space<vmem>>, vector<1x1x16xf32>,
        %get3A_540 = vector.shape_cast %get3A_539 : vector<1x1x16xf32> to vector<16xf32>
        %add3A_541 = arith.addf %get3A_540, %get3A_534 : vector<16xf32>
        %swap3A = arith.constant 0 : i32
        %swap3A_542 = arith.index_cast %swap3A : i32 to index
        %swap3A_543 = arith.index_cast %scan3A_531 : i32 to index
        %swap3A_544 = arith.constant 0 : index
        %swap3A_545 = tpu.vector_load %arg11[%swap3A_542, %swap3A_543, %swap3A_544] {strides = array<i32>} : memref<4x50x64xf32, #tpu.memory_space<vmem>>, vector<1x1x16xf32>,
        %swap3A_546 = vector.shape_cast %swap3A_545 : vector<1x1x16xf32> to vector<16xf32>
        %swap3A_547 = vector.shape_cast %add3A_541 : vector<16xf32> to vector<1x1x16xf32>
        tpu.vector_store %arg11[%swap3A_542, %swap3A_543, %swap3A_544], %swap3A_547 {strides = array<i32>} : memref<4x50x64xf32, #tpu.memory_space<vmem>>, vector<1x1x16xf32>,
        %get3A_548 = arith.constant 1 : i32
        %get3A_549 = arith.index_cast %get3A_548 : i32 to index
        %get3A_550 = arith.index_cast %scan3A_531 : i32 to index
        %get3A_551 = arith.constant 0 : index
        %get3A_552 = tpu.vector_load %arg11[%get3A_549, %get3A_550, %get3A_551] {strides = array<i32>} : memref<4x50x64xf32, #tpu.memory_space<vmem>>, vector<1x1x16xf32>,
        %get3A_553 = vector.shape_cast %get3A_552 : vector<1x1x16xf32> to vector<16xf32>
        %add3A_554 = arith.addf %get3A_553, %get3A_534 : vector<16xf32>
        %swap3A_555 = arith.constant 1 : i32
        %swap3A_556 = arith.index_cast %swap3A_555 : i32 to index
        %swap3A_557 = arith.index_cast %scan3A_531 : i32 to index
        %swap3A_558 = arith.constant 0 : index
        %swap3A_559 = tpu.vector_load %arg11[%swap3A_556, %swap3A_557, %swap3A_558] {strides = array<i32>} : memref<4x50x64xf32, #tpu.memory_space<vmem>>, vector<1x1x16xf32>,
        %swap3A_560 = vector.shape_cast %swap3A_559 : vector<1x1x16xf32> to vector<16xf32>
        %swap3A_561 = vector.shape_cast %add3A_554 : vector<16xf32> to vector<1x1x16xf32>
        tpu.vector_store %arg11[%swap3A_556, %swap3A_557, %swap3A_558], %swap3A_561 {strides = array<i32>} : memref<4x50x64xf32, #tpu.memory_space<vmem>>, vector<1x1x16xf32>,
        %get3A_562 = arith.constant 2 : i32
        %get3A_563 = arith.index_cast %get3A_562 : i32 to index
        %get3A_564 = arith.index_cast %scan3A_531 : i32 to index
        %get3A_565 = arith.constant 0 : index
        %get3A_566 = tpu.vector_load %arg11[%get3A_563, %get3A_564, %get3A_565] {strides = array<i32>} : memref<4x50x64xf32, #tpu.memory_space<vmem>>, vector<1x1x16xf32>,
        %get3A_567 = vector.shape_cast %get3A_566 : vector<1x1x16xf32> to vector<16xf32>
        %add3A_568 = arith.addf %get3A_567, %get3A_534 : vector<16xf32>
        %swap3A_569 = arith.constant 2 : i32
        %swap3A_570 = arith.index_cast %swap3A_569 : i32 to index
        %swap3A_571 = arith.index_cast %scan3A_531 : i32 to index
        %swap3A_572 = arith.constant 0 : index
        %swap3A_573 = tpu.vector_load %arg11[%swap3A_570, %swap3A_571, %swap3A_572] {strides = array<i32>} : memref<4x50x64xf32, #tpu.memory_space<vmem>>, vector<1x1x16xf32>,
        %swap3A_574 = vector.shape_cast %swap3A_573 : vector<1x1x16xf32> to vector<16xf32>
        %swap3A_575 = vector.shape_cast %add3A_568 : vector<16xf32> to vector<1x1x16xf32>
        tpu.vector_store %arg11[%swap3A_570, %swap3A_571, %swap3A_572], %swap3A_575 {strides = array<i32>} : memref<4x50x64xf32, #tpu.memory_space<vmem>>, vector<1x1x16xf32>,
        %get3A_576 = arith.constant 3 : i32
        %get3A_577 = arith.index_cast %get3A_576 : i32 to index
        %get3A_578 = arith.index_cast %scan3A_531 : i32 to index
        %get3A_579 = arith.constant 0 : index
        %get3A_580 = tpu.vector_load %arg11[%get3A_577, %get3A_578, %get3A_579] {strides = array<i32>} : memref<4x50x64xf32, #tpu.memory_space<vmem>>, vector<1x1x16xf32>,
        %get3A_581 = vector.shape_cast %get3A_580 : vector<1x1x16xf32> to vector<16xf32>
        %add3A_582 = arith.addf %get3A_581, %get3A_534 : vector<16xf32>
        %swap3A_583 = arith.constant 3 : i32
        %swap3A_584 = arith.index_cast %swap3A_583 : i32 to index
        %swap3A_585 = arith.index_cast %scan3A_531 : i32 to index
        %swap3A_586 = arith.constant 0 : index
        %swap3A_587 = tpu.vector_load %arg11[%swap3A_584, %swap3A_585, %swap3A_586] {strides = array<i32>} : memref<4x50x64xf32, #tpu.memory_space<vmem>>, vector<1x1x16xf32>,
        %swap3A_588 = vector.shape_cast %swap3A_587 : vector<1x1x16xf32> to vector<16xf32>
        %swap3A_589 = vector.shape_cast %add3A_582 : vector<16xf32> to vector<1x1x16xf32>
        tpu.vector_store %arg11[%swap3A_584, %swap3A_585, %swap3A_586], %swap3A_589 {strides = array<i32>} : memref<4x50x64xf32, #tpu.memory_space<vmem>>, vector<1x1x16xf32>,
        %get3A_590 = arith.index_cast %scan3A_531 : i32 to index
        %get3A_591 = arith.constant 16 : index
        %get3A_592 = tpu.vector_load %arg7[%get3A_590, %get3A_591] {strides = array<i32>} : memref<50x64xf32, #tpu.memory_space<vmem>>, vector<1x16xf32>,
        %get3A_593 = vector.shape_cast %get3A_592 : vector<1x16xf32> to vector<16xf32>
        %get3A_594 = arith.constant 0 : i32
        %get3A_595 = arith.index_cast %get3A_594 : i32 to index
        %get3A_596 = arith.index_cast %scan3A_531 : i32 to index
        %get3A_597 = arith.constant 16 : index
        %get3A_598 = tpu.vector_load %arg11[%get3A_595, %get3A_596, %get3A_597] {strides = array<i32>} : memref<4x50x64xf32, #tpu.memory_space<vmem>>, vector<1x1x16xf32>,
        %get3A_599 = vector.shape_cast %get3A_598 : vector<1x1x16xf32> to vector<16xf32>
        %add3A_600 = arith.addf %get3A_599, %get3A_593 : vector<16xf32>
        %swap3A_601 = arith.constant 0 : i32
        %swap3A_602 = arith.index_cast %swap3A_601 : i32 to index
        %swap3A_603 = arith.index_cast %scan3A_531 : i32 to index
        %swap3A_604 = arith.constant 16 : index
        %swap3A_605 = tpu.vector_load %arg11[%swap3A_602, %swap3A_603, %swap3A_604] {strides = array<i32>} : memref<4x50x64xf32, #tpu.memory_space<vmem>>, vector<1x1x16xf32>,
        %swap3A_606 = vector.shape_cast %swap3A_605 : vector<1x1x16xf32> to vector<16xf32>
        %swap3A_607 = vector.shape_cast %add3A_600 : vector<16xf32> to vector<1x1x16xf32>
        tpu.vector_store %arg11[%swap3A_602, %swap3A_603, %swap3A_604], %swap3A_607 {strides = array<i32>} : memref<4x50x64xf32, #tpu.memory_space<vmem>>, vector<1x1x16xf32>,
        %get3A_608 = arith.constant 1 : i32
        %get3A_609 = arith.index_cast %get3A_608 : i32 to index
        %get3A_610 = arith.index_cast %scan3A_531 : i32 to index
        %get3A_611 = arith.constant 16 : index
        %get3A_612 = tpu.vector_load %arg11[%get3A_609, %get3A_610, %get3A_611] {strides = array<i32>} : memref<4x50x64xf32, #tpu.memory_space<vmem>>, vector<1x1x16xf32>,
        %get3A_613 = vector.shape_cast %get3A_612 : vector<1x1x16xf32> to vector<16xf32>
        %add3A_614 = arith.addf %get3A_613, %get3A_593 : vector<16xf32>
        %swap3A_615 = arith.constant 1 : i32
        %swap3A_616 = arith.index_cast %swap3A_615 : i32 to index
        %swap3A_617 = arith.index_cast %scan3A_531 : i32 to index
        %swap3A_618 = arith.constant 16 : index
        %swap3A_619 = tpu.vector_load %arg11[%swap3A_616, %swap3A_617, %swap3A_618] {strides = array<i32>} : memref<4x50x64xf32, #tpu.memory_space<vmem>>, vector<1x1x16xf32>,
        %swap3A_620 = vector.shape_cast %swap3A_619 : vector<1x1x16xf32> to vector<16xf32>
        %swap3A_621 = vector.shape_cast %add3A_614 : vector<16xf32> to vector<1x1x16xf32>
        tpu.vector_store %arg11[%swap3A_616, %swap3A_617, %swap3A_618], %swap3A_621 {strides = array<i32>} : memref<4x50x64xf32, #tpu.memory_space<vmem>>, vector<1x1x16xf32>,
        %get3A_622 = arith.constant 2 : i32
        %get3A_623 = arith.index_cast %get3A_622 : i32 to index
        %get3A_624 = arith.index_cast %scan3A_531 : i32 to index
        %get3A_625 = arith.constant 16 : index
        %get3A_626 = tpu.vector_load %arg11[%get3A_623, %get3A_624, %get3A_625] {strides = array<i32>} : memref<4x50x64xf32, #tpu.memory_space<vmem>>, vector<1x1x16xf32>,
        %get3A_627 = vector.shape_cast %get3A_626 : vector<1x1x16xf32> to vector<16xf32>
        %add3A_628 = arith.addf %get3A_627, %get3A_593 : vector<16xf32>
        %swap3A_629 = arith.constant 2 : i32
        %swap3A_630 = arith.index_cast %swap3A_629 : i32 to index
        %swap3A_631 = arith.index_cast %scan3A_531 : i32 to index
        %swap3A_632 = arith.constant 16 : index
        %swap3A_633 = tpu.vector_load %arg11[%swap3A_630, %swap3A_631, %swap3A_632] {strides = array<i32>} : memref<4x50x64xf32, #tpu.memory_space<vmem>>, vector<1x1x16xf32>,
        %swap3A_634 = vector.shape_cast %swap3A_633 : vector<1x1x16xf32> to vector<16xf32>
        %swap3A_635 = vector.shape_cast %add3A_628 : vector<16xf32> to vector<1x1x16xf32>
        tpu.vector_store %arg11[%swap3A_630, %swap3A_631, %swap3A_632], %swap3A_635 {strides = array<i32>} : memref<4x50x64xf32, #tpu.memory_space<vmem>>, vector<1x1x16xf32>,
        %get3A_636 = arith.constant 3 : i32
        %get3A_637 = arith.index_cast %get3A_636 : i32 to index
        %get3A_638 = arith.index_cast %scan3A_531 : i32 to index
        %get3A_639 = arith.constant 16 : index
        %get3A_640 = tpu.vector_load %arg11[%get3A_637, %get3A_638, %get3A_639] {strides = array<i32>} : memref<4x50x64xf32, #tpu.memory_space<vmem>>, vector<1x1x16xf32>,
        %get3A_641 = vector.shape_cast %get3A_640 : vector<1x1x16xf32> to vector<16xf32>
        %add3A_642 = arith.addf %get3A_641, %get3A_593 : vector<16xf32>
        %swap3A_643 = arith.constant 3 : i32
        %swap3A_644 = arith.index_cast %swap3A_643 : i32 to index
        %swap3A_645 = arith.index_cast %scan3A_531 : i32 to index
        %swap3A_646 = arith.constant 16 : index
        %swap3A_647 = tpu.vector_load %arg11[%swap3A_644, %swap3A_645, %swap3A_646] {strides = array<i32>} : memref<4x50x64xf32, #tpu.memory_space<vmem>>, vector<1x1x16xf32>,
        %swap3A_648 = vector.shape_cast %swap3A_647 : vector<1x1x16xf32> to vector<16xf32>
        %swap3A_649 = vector.shape_cast %add3A_642 : vector<16xf32> to vector<1x1x16xf32>
        tpu.vector_store %arg11[%swap3A_644, %swap3A_645, %swap3A_646], %swap3A_649 {strides = array<i32>} : memref<4x50x64xf32, #tpu.memory_space<vmem>>, vector<1x1x16xf32>,
        %get3A_650 = arith.index_cast %scan3A_531 : i32 to index
        %get3A_651 = arith.constant 32 : index
        %get3A_652 = tpu.vector_load %arg7[%get3A_650, %get3A_651] {strides = array<i32>} : memref<50x64xf32, #tpu.memory_space<vmem>>, vector<1x16xf32>,
        %get3A_653 = vector.shape_cast %get3A_652 : vector<1x16xf32> to vector<16xf32>
        %get3A_654 = arith.constant 0 : i32
        %get3A_655 = arith.index_cast %get3A_654 : i32 to index
        %get3A_656 = arith.index_cast %scan3A_531 : i32 to index
        %get3A_657 = arith.constant 32 : index
        %get3A_658 = tpu.vector_load %arg11[%get3A_655, %get3A_656, %get3A_657] {strides = array<i32>} : memref<4x50x64xf32, #tpu.memory_space<vmem>>, vector<1x1x16xf32>,
        %get3A_659 = vector.shape_cast %get3A_658 : vector<1x1x16xf32> to vector<16xf32>
        %add3A_660 = arith.addf %get3A_659, %get3A_653 : vector<16xf32>
        %swap3A_661 = arith.constant 0 : i32
        %swap3A_662 = arith.index_cast %swap3A_661 : i32 to index
        %swap3A_663 = arith.index_cast %scan3A_531 : i32 to index
        %swap3A_664 = arith.constant 32 : index
        %swap3A_665 = tpu.vector_load %arg11[%swap3A_662, %swap3A_663, %swap3A_664] {strides = array<i32>} : memref<4x50x64xf32, #tpu.memory_space<vmem>>, vector<1x1x16xf32>,
        %swap3A_666 = vector.shape_cast %swap3A_665 : vector<1x1x16xf32> to vector<16xf32>
        %swap3A_667 = vector.shape_cast %add3A_660 : vector<16xf32> to vector<1x1x16xf32>
        tpu.vector_store %arg11[%swap3A_662, %swap3A_663, %swap3A_664], %swap3A_667 {strides = array<i32>} : memref<4x50x64xf32, #tpu.memory_space<vmem>>, vector<1x1x16xf32>,
        %get3A_668 = arith.constant 1 : i32
        %get3A_669 = arith.index_cast %get3A_668 : i32 to index
        %get3A_670 = arith.index_cast %scan3A_531 : i32 to index
        %get3A_671 = arith.constant 32 : index
        %get3A_672 = tpu.vector_load %arg11[%get3A_669, %get3A_670, %get3A_671] {strides = array<i32>} : memref<4x50x64xf32, #tpu.memory_space<vmem>>, vector<1x1x16xf32>,
        %get3A_673 = vector.shape_cast %get3A_672 : vector<1x1x16xf32> to vector<16xf32>
        %add3A_674 = arith.addf %get3A_673, %get3A_653 : vector<16xf32>
        %swap3A_675 = arith.constant 1 : i32
        %swap3A_676 = arith.index_cast %swap3A_675 : i32 to index
        %swap3A_677 = arith.index_cast %scan3A_531 : i32 to index
        %swap3A_678 = arith.constant 32 : index
        %swap3A_679 = tpu.vector_load %arg11[%swap3A_676, %swap3A_677, %swap3A_678] {strides = array<i32>} : memref<4x50x64xf32, #tpu.memory_space<vmem>>, vector<1x1x16xf32>,
        %swap3A_680 = vector.shape_cast %swap3A_679 : vector<1x1x16xf32> to vector<16xf32>
        %swap3A_681 = vector.shape_cast %add3A_674 : vector<16xf32> to vector<1x1x16xf32>
        tpu.vector_store %arg11[%swap3A_676, %swap3A_677, %swap3A_678], %swap3A_681 {strides = array<i32>} : memref<4x50x64xf32, #tpu.memory_space<vmem>>, vector<1x1x16xf32>,
        %get3A_682 = arith.constant 2 : i32
        %get3A_683 = arith.index_cast %get3A_682 : i32 to index
        %get3A_684 = arith.index_cast %scan3A_531 : i32 to index
        %get3A_685 = arith.constant 32 : index
        %get3A_686 = tpu.vector_load %arg11[%get3A_683, %get3A_684, %get3A_685] {strides = array<i32>} : memref<4x50x64xf32, #tpu.memory_space<vmem>>, vector<1x1x16xf32>,
        %get3A_687 = vector.shape_cast %get3A_686 : vector<1x1x16xf32> to vector<16xf32>
        %add3A_688 = arith.addf %get3A_687, %get3A_653 : vector<16xf32>
        %swap3A_689 = arith.constant 2 : i32
        %swap3A_690 = arith.index_cast %swap3A_689 : i32 to index
        %swap3A_691 = arith.index_cast %scan3A_531 : i32 to index
        %swap3A_692 = arith.constant 32 : index
        %swap3A_693 = tpu.vector_load %arg11[%swap3A_690, %swap3A_691, %swap3A_692] {strides = array<i32>} : memref<4x50x64xf32, #tpu.memory_space<vmem>>, vector<1x1x16xf32>,
        %swap3A_694 = vector.shape_cast %swap3A_693 : vector<1x1x16xf32> to vector<16xf32>
        %swap3A_695 = vector.shape_cast %add3A_688 : vector<16xf32> to vector<1x1x16xf32>
        tpu.vector_store %arg11[%swap3A_690, %swap3A_691, %swap3A_692], %swap3A_695 {strides = array<i32>} : memref<4x50x64xf32, #tpu.memory_space<vmem>>, vector<1x1x16xf32>,
        %get3A_696 = arith.constant 3 : i32
        %get3A_697 = arith.index_cast %get3A_696 : i32 to index
        %get3A_698 = arith.index_cast %scan3A_531 : i32 to index
        %get3A_699 = arith.constant 32 : index
        %get3A_700 = tpu.vector_load %arg11[%get3A_697, %get3A_698, %get3A_699] {strides = array<i32>} : memref<4x50x64xf32, #tpu.memory_space<vmem>>, vector<1x1x16xf32>,
        %get3A_701 = vector.shape_cast %get3A_700 : vector<1x1x16xf32> to vector<16xf32>
        %add3A_702 = arith.addf %get3A_701, %get3A_653 : vector<16xf32>
        %swap3A_703 = arith.constant 3 : i32
        %swap3A_704 = arith.index_cast %swap3A_703 : i32 to index
        %swap3A_705 = arith.index_cast %scan3A_531 : i32 to index
        %swap3A_706 = arith.constant 32 : index
        %swap3A_707 = tpu.vector_load %arg11[%swap3A_704, %swap3A_705, %swap3A_706] {strides = array<i32>} : memref<4x50x64xf32, #tpu.memory_space<vmem>>, vector<1x1x16xf32>,
        %swap3A_708 = vector.shape_cast %swap3A_707 : vector<1x1x16xf32> to vector<16xf32>
        %swap3A_709 = vector.shape_cast %add3A_702 : vector<16xf32> to vector<1x1x16xf32>
        tpu.vector_store %arg11[%swap3A_704, %swap3A_705, %swap3A_706], %swap3A_709 {strides = array<i32>} : memref<4x50x64xf32, #tpu.memory_space<vmem>>, vector<1x1x16xf32>,
        %get3A_710 = arith.index_cast %scan3A_531 : i32 to index
        %get3A_711 = arith.constant 48 : index
        %get3A_712 = tpu.vector_load %arg7[%get3A_710, %get3A_711] {strides = array<i32>} : memref<50x64xf32, #tpu.memory_space<vmem>>, vector<1x16xf32>,
        %get3A_713 = vector.shape_cast %get3A_712 : vector<1x16xf32> to vector<16xf32>
        %get3A_714 = arith.constant 0 : i32
        %get3A_715 = arith.index_cast %get3A_714 : i32 to index
        %get3A_716 = arith.index_cast %scan3A_531 : i32 to index
        %get3A_717 = arith.constant 48 : index
        %get3A_718 = tpu.vector_load %arg11[%get3A_715, %get3A_716, %get3A_717] {strides = array<i32>} : memref<4x50x64xf32, #tpu.memory_space<vmem>>, vector<1x1x16xf32>,
        %get3A_719 = vector.shape_cast %get3A_718 : vector<1x1x16xf32> to vector<16xf32>
        %add3A_720 = arith.addf %get3A_719, %get3A_713 : vector<16xf32>
        %swap3A_721 = arith.constant 0 : i32
        %swap3A_722 = arith.index_cast %swap3A_721 : i32 to index
        %swap3A_723 = arith.index_cast %scan3A_531 : i32 to index
        %swap3A_724 = arith.constant 48 : index
        %swap3A_725 = tpu.vector_load %arg11[%swap3A_722, %swap3A_723, %swap3A_724] {strides = array<i32>} : memref<4x50x64xf32, #tpu.memory_space<vmem>>, vector<1x1x16xf32>,
        %swap3A_726 = vector.shape_cast %swap3A_725 : vector<1x1x16xf32> to vector<16xf32>
        %swap3A_727 = vector.shape_cast %add3A_720 : vector<16xf32> to vector<1x1x16xf32>
        tpu.vector_store %arg11[%swap3A_722, %swap3A_723, %swap3A_724], %swap3A_727 {strides = array<i32>} : memref<4x50x64xf32, #tpu.memory_space<vmem>>, vector<1x1x16xf32>,
        %get3A_728 = arith.constant 1 : i32
        %get3A_729 = arith.index_cast %get3A_728 : i32 to index
        %get3A_730 = arith.index_cast %scan3A_531 : i32 to index
        %get3A_731 = arith.constant 48 : index
        %get3A_732 = tpu.vector_load %arg11[%get3A_729, %get3A_730, %get3A_731] {strides = array<i32>} : memref<4x50x64xf32, #tpu.memory_space<vmem>>, vector<1x1x16xf32>,
        %get3A_733 = vector.shape_cast %get3A_732 : vector<1x1x16xf32> to vector<16xf32>
        %add3A_734 = arith.addf %get3A_733, %get3A_713 : vector<16xf32>
        %swap3A_735 = arith.constant 1 : i32
        %swap3A_736 = arith.index_cast %swap3A_735 : i32 to index
        %swap3A_737 = arith.index_cast %scan3A_531 : i32 to index
        %swap3A_738 = arith.constant 48 : index
        %swap3A_739 = tpu.vector_load %arg11[%swap3A_736, %swap3A_737, %swap3A_738] {strides = array<i32>} : memref<4x50x64xf32, #tpu.memory_space<vmem>>, vector<1x1x16xf32>,
        %swap3A_740 = vector.shape_cast %swap3A_739 : vector<1x1x16xf32> to vector<16xf32>
        %swap3A_741 = vector.shape_cast %add3A_734 : vector<16xf32> to vector<1x1x16xf32>
        tpu.vector_store %arg11[%swap3A_736, %swap3A_737, %swap3A_738], %swap3A_741 {strides = array<i32>} : memref<4x50x64xf32, #tpu.memory_space<vmem>>, vector<1x1x16xf32>,
        %get3A_742 = arith.constant 2 : i32
        %get3A_743 = arith.index_cast %get3A_742 : i32 to index
        %get3A_744 = arith.index_cast %scan3A_531 : i32 to index
        %get3A_745 = arith.constant 48 : index
        %get3A_746 = tpu.vector_load %arg11[%get3A_743, %get3A_744, %get3A_745] {strides = array<i32>} : memref<4x50x64xf32, #tpu.memory_space<vmem>>, vector<1x1x16xf32>,
        %get3A_747 = vector.shape_cast %get3A_746 : vector<1x1x16xf32> to vector<16xf32>
        %add3A_748 = arith.addf %get3A_747, %get3A_713 : vector<16xf32>
        %swap3A_749 = arith.constant 2 : i32
        %swap3A_750 = arith.index_cast %swap3A_749 : i32 to index
        %swap3A_751 = arith.index_cast %scan3A_531 : i32 to index
        %swap3A_752 = arith.constant 48 : index
        %swap3A_753 = tpu.vector_load %arg11[%swap3A_750, %swap3A_751, %swap3A_752] {strides = array<i32>} : memref<4x50x64xf32, #tpu.memory_space<vmem>>, vector<1x1x16xf32>,
        %swap3A_754 = vector.shape_cast %swap3A_753 : vector<1x1x16xf32> to vector<16xf32>
        %swap3A_755 = vector.shape_cast %add3A_748 : vector<16xf32> to vector<1x1x16xf32>
        tpu.vector_store %arg11[%swap3A_750, %swap3A_751, %swap3A_752], %swap3A_755 {strides = array<i32>} : memref<4x50x64xf32, #tpu.memory_space<vmem>>, vector<1x1x16xf32>,
        %get3A_756 = arith.constant 3 : i32
        %get3A_757 = arith.index_cast %get3A_756 : i32 to index
        %get3A_758 = arith.index_cast %scan3A_531 : i32 to index
        %get3A_759 = arith.constant 48 : index
        %get3A_760 = tpu.vector_load %arg11[%get3A_757, %get3A_758, %get3A_759] {strides = array<i32>} : memref<4x50x64xf32, #tpu.memory_space<vmem>>, vector<1x1x16xf32>,
        %get3A_761 = vector.shape_cast %get3A_760 : vector<1x1x16xf32> to vector<16xf32>
        %add3A_762 = arith.addf %get3A_761, %get3A_713 : vector<16xf32>
        %swap3A_763 = arith.constant 3 : i32
        %swap3A_764 = arith.index_cast %swap3A_763 : i32 to index
        %swap3A_765 = arith.index_cast %scan3A_531 : i32 to index
        %swap3A_766 = arith.constant 48 : index
        %swap3A_767 = tpu.vector_load %arg11[%swap3A_764, %swap3A_765, %swap3A_766] {strides = array<i32>} : memref<4x50x64xf32, #tpu.memory_space<vmem>>, vector<1x1x16xf32>,
        %swap3A_768 = vector.shape_cast %swap3A_767 : vector<1x1x16xf32> to vector<16xf32>
        %swap3A_769 = vector.shape_cast %add3A_762 : vector<16xf32> to vector<1x1x16xf32>
        tpu.vector_store %arg11[%swap3A_764, %swap3A_765, %swap3A_766], %swap3A_769 {strides = array<i32>} : memref<4x50x64xf32, #tpu.memory_space<vmem>>, vector<1x1x16xf32>,
      }
      %scan3A_512 = arith.constant 50 : i32
      %mul3A_513 = arith.constant 4 : i32
      %mul3A_514 = arith.muli %mul3A_513, %add3A_446 : i32
      %add3A_515 = arith.addi %mul3A_2, %mul3A_514 : i32
      %dma_start3A_516 = arith.constant 0 : i32
      %dma_start3A_517 = arith.constant 0 : i32
      %dma_start3A_518 = tpu.memref_slice %arg5[%add3A_515, %dma_start3A_516, %dma_start3A_517] : memref<16384x50x64xf32, #tpu.memory_space<hbm>> -> memref<4x50x64xf32, #tpu.memory_space<hbm>>
      %dma_start3A_519 = arith.constant 0 : i32
      %dma_start3A_520 = arith.constant 0 : i32
      %dma_start3A_521 = tpu.memref_slice %arg5[%add3A_515, %dma_start3A_519, %dma_start3A_520] : memref<16384x50x64xf32, #tpu.memory_space<hbm>> -> memref<4x50x64xf32, #tpu.memory_space<hbm>>
      tpu.enqueue_dma source(%arg11 : memref<4x50x64xf32, #tpu.memory_space<vmem>>) target(%dma_start3A_521 : memref<4x50x64xf32, #tpu.memory_space<hbm>>) target_semaphore(%arg19 : memref<!tpu.dma_semaphore, #tpu.memory_space<semaphore_mem>>)
      %add3A_522 = arith.constant 4 : i32
      %add3A_523 = arith.addi %add3A_446, %add3A_522 : i32
      %sub3A_524 = arith.constant 1 : i32
      %sub3A_525 = arith.subi %add3A_523, %sub3A_524 : i32
      %lt3A_526 = arith.constant 128 : i32
      %lt3A_527 = arith.cmpi slt, %sub3A_525, %lt3A_526 : i32
      %convert_element_type3A_528 = arith.extui %lt3A_527 : i1 to i32
      %cond3A_529 = arith.constant 0 : i32
      %cond3A_530 = arith.cmpi ne, %convert_element_type3A_528, %cond3A_529 : i32
      scf.if %cond3A_530 {
        %ge3A = arith.constant 1 : i32
        %ge3A_531 = arith.cmpi sge, %add3A_446, %ge3A : i32
        %convert_element_type3A_532 = arith.extui %ge3A_531 : i1 to i32
        %cond3A_533 = arith.constant 0 : i32
        %cond3A_534 = arith.cmpi ne, %convert_element_type3A_532, %cond3A_533 : i32
        scf.if %cond3A_534 {
          %sub3A_599 = arith.constant 1 : i32
          %sub3A_600 = arith.subi %add3A_446, %sub3A_599 : i32
          %mul3A_601 = arith.constant 4 : i32
          %mul3A_602 = arith.muli %mul3A_601, %sub3A_600 : i32
          %add3A_603 = arith.addi %mul3A_2, %mul3A_602 : i32
          %dma_wait3A_604 = arith.constant 0 : i32
          %dma_wait3A_605 = arith.constant 0 : i32
          %dma_wait3A_606 = tpu.memref_slice %arg5[%add3A_603, %dma_wait3A_604, %dma_wait3A_605] : memref<16384x50x64xf32, #tpu.memory_space<hbm>> -> memref<4x50x64xf32, #tpu.memory_space<hbm>>
          %dma_wait3A_607 = arith.constant 0 : i32
          %dma_wait3A_608 = arith.constant 0 : i32
          %dma_wait3A_609 = tpu.memref_slice %arg5[%add3A_603, %dma_wait3A_607, %dma_wait3A_608] : memref<16384x50x64xf32, #tpu.memory_space<hbm>> -> memref<4x50x64xf32, #tpu.memory_space<hbm>>
          tpu.wait_dma2 semaphore(%arg18 : memref<!tpu.dma_semaphore, #tpu.memory_space<semaphore_mem>>) src(%arg10 : memref<4x50x64xf32, #tpu.memory_space<vmem>>) dst(%dma_wait3A_609 : memref<4x50x64xf32, #tpu.memory_space<hbm>>)
        } else {
        }
        %add3A_535 = arith.constant 4 : i32
        %add3A_536 = arith.addi %add3A_446, %add3A_535 : i32
        %sub3A_537 = arith.constant 1 : i32
        %sub3A_538 = arith.subi %add3A_536, %sub3A_537 : i32
        %mul3A_539 = arith.constant 4 : i32
        %mul3A_540 = arith.muli %mul3A_539, %sub3A_538 : i32
        %add3A_541 = arith.constant 0 : i32
        %add3A_542 = arith.addi %mul3A_540, %add3A_541 : i32
        %dma_start3A_543 = arith.constant 0 : i32
        %dma_start3A_544 = arith.constant 0 : i32
        %dma_start3A_545 = arith.constant 0 : i32
        %dma_start3A_546 = tpu.memref_slice %arg10[%dma_start3A_543, %dma_start3A_544, %dma_start3A_545] : memref<4x50x64xf32, #tpu.memory_space<vmem>> -> memref<1x50x64xf32, #tpu.memory_space<vmem>>
        %dma_start3A_547 = tpu.memref_squeeze %dma_start3A_546 : memref<1x50x64xf32, #tpu.memory_space<vmem>> -> memref<50x64xf32, #tpu.memory_space<vmem>>
        %dma_start3A_548 = arith.constant 0 : i32
        %dma_start3A_549 = tpu.memref_slice %arg6[%add3A_542, %dma_start3A_548] : memref<512x50xi32, #tpu.memory_space<vmem>> -> memref<1x50xi32, #tpu.memory_space<vmem>>
        %dma_start3A_550 = tpu.memref_squeeze %dma_start3A_549 : memref<1x50xi32, #tpu.memory_space<vmem>> -> memref<50xi32, #tpu.memory_space<vmem>>
        %dma_start3A_551 = arith.constant 0 : i32
        %dma_start3A_552 = arith.constant 0 : i32
        %dma_start3A_553 = tpu.memref_slice %arg4[%dma_start3A_551, %dma_start3A_552] : memref<1000000x64xf32, #tpu.memory_space<hbm>> -> memref<1000000x64xf32, #tpu.memory_space<hbm>>
        tpu.enqueue_indirect_dma source(%dma_start3A_553 : memref<1000000x64xf32, #tpu.memory_space<hbm>>) target(%dma_start3A_547 : memref<50x64xf32, #tpu.memory_space<vmem>>) offsets(%dma_start3A_550 : memref<50xi32, #tpu.memory_space<vmem>>) semaphore(%arg14 : memref<!tpu.dma_semaphore, #tpu.memory_space<semaphore_mem>>)
        %mul3A_554 = arith.constant 4 : i32
        %mul3A_555 = arith.muli %mul3A_554, %sub3A_538 : i32
        %add3A_556 = arith.constant 1 : i32
        %add3A_557 = arith.addi %mul3A_555, %add3A_556 : i32
        %dma_start3A_558 = arith.constant 1 : i32
        %dma_start3A_559 = arith.constant 0 : i32
        %dma_start3A_560 = arith.constant 0 : i32
        %dma_start3A_561 = tpu.memref_slice %arg10[%dma_start3A_558, %dma_start3A_559, %dma_start3A_560] : memref<4x50x64xf32, #tpu.memory_space<vmem>> -> memref<1x50x64xf32, #tpu.memory_space<vmem>>
        %dma_start3A_562 = tpu.memref_squeeze %dma_start3A_561 : memref<1x50x64xf32, #tpu.memory_space<vmem>> -> memref<50x64xf32, #tpu.memory_space<vmem>>
        %dma_start3A_563 = arith.constant 0 : i32
        %dma_start3A_564 = tpu.memref_slice %arg6[%add3A_557, %dma_start3A_563] : memref<512x50xi32, #tpu.memory_space<vmem>> -> memref<1x50xi32, #tpu.memory_space<vmem>>
        %dma_start3A_565 = tpu.memref_squeeze %dma_start3A_564 : memref<1x50xi32, #tpu.memory_space<vmem>> -> memref<50xi32, #tpu.memory_space<vmem>>
        %dma_start3A_566 = arith.constant 0 : i32
        %dma_start3A_567 = arith.constant 0 : i32
        %dma_start3A_568 = tpu.memref_slice %arg4[%dma_start3A_566, %dma_start3A_567] : memref<1000000x64xf32, #tpu.memory_space<hbm>> -> memref<1000000x64xf32, #tpu.memory_space<hbm>>
        tpu.enqueue_indirect_dma source(%dma_start3A_568 : memref<1000000x64xf32, #tpu.memory_space<hbm>>) target(%dma_start3A_562 : memref<50x64xf32, #tpu.memory_space<vmem>>) offsets(%dma_start3A_565 : memref<50xi32, #tpu.memory_space<vmem>>) semaphore(%arg14 : memref<!tpu.dma_semaphore, #tpu.memory_space<semaphore_mem>>)
        %mul3A_569 = arith.constant 4 : i32
        %mul3A_570 = arith.muli %mul3A_569, %sub3A_538 : i32
        %add3A_571 = arith.constant 2 : i32
        %add3A_572 = arith.addi %mul3A_570, %add3A_571 : i32
        %dma_start3A_573 = arith.constant 2 : i32
        %dma_start3A_574 = arith.constant 0 : i32
        %dma_start3A_575 = arith.constant 0 : i32
        %dma_start3A_576 = tpu.memref_slice %arg10[%dma_start3A_573, %dma_start3A_574, %dma_start3A_575] : memref<4x50x64xf32, #tpu.memory_space<vmem>> -> memref<1x50x64xf32, #tpu.memory_space<vmem>>
        %dma_start3A_577 = tpu.memref_squeeze %dma_start3A_576 : memref<1x50x64xf32, #tpu.memory_space<vmem>> -> memref<50x64xf32, #tpu.memory_space<vmem>>
        %dma_start3A_578 = arith.constant 0 : i32
        %dma_start3A_579 = tpu.memref_slice %arg6[%add3A_572, %dma_start3A_578] : memref<512x50xi32, #tpu.memory_space<vmem>> -> memref<1x50xi32, #tpu.memory_space<vmem>>
        %dma_start3A_580 = tpu.memref_squeeze %dma_start3A_579 : memref<1x50xi32, #tpu.memory_space<vmem>> -> memref<50xi32, #tpu.memory_space<vmem>>
        %dma_start3A_581 = arith.constant 0 : i32
        %dma_start3A_582 = arith.constant 0 : i32
        %dma_start3A_583 = tpu.memref_slice %arg4[%dma_start3A_581, %dma_start3A_582] : memref<1000000x64xf32, #tpu.memory_space<hbm>> -> memref<1000000x64xf32, #tpu.memory_space<hbm>>
        tpu.enqueue_indirect_dma source(%dma_start3A_583 : memref<1000000x64xf32, #tpu.memory_space<hbm>>) target(%dma_start3A_577 : memref<50x64xf32, #tpu.memory_space<vmem>>) offsets(%dma_start3A_580 : memref<50xi32, #tpu.memory_space<vmem>>) semaphore(%arg14 : memref<!tpu.dma_semaphore, #tpu.memory_space<semaphore_mem>>)
        %mul3A_584 = arith.constant 4 : i32
        %mul3A_585 = arith.muli %mul3A_584, %sub3A_538 : i32
        %add3A_586 = arith.constant 3 : i32
        %add3A_587 = arith.addi %mul3A_585, %add3A_586 : i32
        %dma_start3A_588 = arith.constant 3 : i32
        %dma_start3A_589 = arith.constant 0 : i32
        %dma_start3A_590 = arith.constant 0 : i32
        %dma_start3A_591 = tpu.memref_slice %arg10[%dma_start3A_588, %dma_start3A_589, %dma_start3A_590] : memref<4x50x64xf32, #tpu.memory_space<vmem>> -> memref<1x50x64xf32, #tpu.memory_space<vmem>>
        %dma_start3A_592 = tpu.memref_squeeze %dma_start3A_591 : memref<1x50x64xf32, #tpu.memory_space<vmem>> -> memref<50x64xf32, #tpu.memory_space<vmem>>
        %dma_start3A_593 = arith.constant 0 : i32
        %dma_start3A_594 = tpu.memref_slice %arg6[%add3A_587, %dma_start3A_593] : memref<512x50xi32, #tpu.memory_space<vmem>> -> memref<1x50xi32, #tpu.memory_space<vmem>>
        %dma_start3A_595 = tpu.memref_squeeze %dma_start3A_594 : memref<1x50xi32, #tpu.memory_space<vmem>> -> memref<50xi32, #tpu.memory_space<vmem>>
        %dma_start3A_596 = arith.constant 0 : i32
        %dma_start3A_597 = arith.constant 0 : i32
        %dma_start3A_598 = tpu.memref_slice %arg4[%dma_start3A_596, %dma_start3A_597] : memref<1000000x64xf32, #tpu.memory_space<hbm>> -> memref<1000000x64xf32, #tpu.memory_space<hbm>>
        tpu.enqueue_indirect_dma source(%dma_start3A_598 : memref<1000000x64xf32, #tpu.memory_space<hbm>>) target(%dma_start3A_592 : memref<50x64xf32, #tpu.memory_space<vmem>>) offsets(%dma_start3A_595 : memref<50xi32, #tpu.memory_space<vmem>>) semaphore(%arg14 : memref<!tpu.dma_semaphore, #tpu.memory_space<semaphore_mem>>)
      } else {
      }
    }
    %scan3A_150 = arith.constant 32 : i32
    %add3A_151 = arith.constant 496 : i32
    %add3A_152 = arith.addi %mul3A_2, %add3A_151 : i32
    %dma_wait3A = arith.constant 0 : i32
    %dma_wait3A_153 = arith.constant 0 : i32
    %dma_wait3A_154 = tpu.memref_slice %arg5[%add3A_152, %dma_wait3A, %dma_wait3A_153] : memref<16384x50x64xf32, #tpu.memory_space<hbm>> -> memref<4x50x64xf32, #tpu.memory_space<hbm>>
    %dma_wait3A_155 = arith.constant 0 : i32
    %dma_wait3A_156 = arith.constant 0 : i32
    %dma_wait3A_157 = tpu.memref_slice %arg5[%add3A_152, %dma_wait3A_155, %dma_wait3A_156] : memref<16384x50x64xf32, #tpu.memory_space<hbm>> -> memref<4x50x64xf32, #tpu.memory_space<hbm>>
    tpu.wait_dma2 semaphore(%arg16 : memref<!tpu.dma_semaphore, #tpu.memory_space<semaphore_mem>>) src(%arg8 : memref<4x50x64xf32, #tpu.memory_space<vmem>>) dst(%dma_wait3A_157 : memref<4x50x64xf32, #tpu.memory_space<hbm>>)
    %add3A_158 = arith.constant 500 : i32
    %add3A_159 = arith.addi %mul3A_2, %add3A_158 : i32
    %dma_wait3A_160 = arith.constant 0 : i32
    %dma_wait3A_161 = arith.constant 0 : i32
    %dma_wait3A_162 = tpu.memref_slice %arg5[%add3A_159, %dma_wait3A_160, %dma_wait3A_161] : memref<16384x50x64xf32, #tpu.memory_space<hbm>> -> memref<4x50x64xf32, #tpu.memory_space<hbm>>
    %dma_wait3A_163 = arith.constant 0 : i32
    %dma_wait3A_164 = arith.constant 0 : i32
    %dma_wait3A_165 = tpu.memref_slice %arg5[%add3A_159, %dma_wait3A_163, %dma_wait3A_164] : memref<16384x50x64xf32, #tpu.memory_space<hbm>> -> memref<4x50x64xf32, #tpu.memory_space<hbm>>
    tpu.wait_dma2 semaphore(%arg17 : memref<!tpu.dma_semaphore, #tpu.memory_space<semaphore_mem>>) src(%arg9 : memref<4x50x64xf32, #tpu.memory_space<vmem>>) dst(%dma_wait3A_165 : memref<4x50x64xf32, #tpu.memory_space<hbm>>)
    %add3A_166 = arith.constant 504 : i32
    %add3A_167 = arith.addi %mul3A_2, %add3A_166 : i32
    %dma_wait3A_168 = arith.constant 0 : i32
    %dma_wait3A_169 = arith.constant 0 : i32
    %dma_wait3A_170 = tpu.memref_slice %arg5[%add3A_167, %dma_wait3A_168, %dma_wait3A_169] : memref<16384x50x64xf32, #tpu.memory_space<hbm>> -> memref<4x50x64xf32, #tpu.memory_space<hbm>>
    %dma_wait3A_171 = arith.constant 0 : i32
    %dma_wait3A_172 = arith.constant 0 : i32
    %dma_wait3A_173 = tpu.memref_slice %arg5[%add3A_167, %dma_wait3A_171, %dma_wait3A_172] : memref<16384x50x64xf32, #tpu.memory_space<hbm>> -> memref<4x50x64xf32, #tpu.memory_space<hbm>>
    tpu.wait_dma2 semaphore(%arg18 : memref<!tpu.dma_semaphore, #tpu.memory_space<semaphore_mem>>) src(%arg10 : memref<4x50x64xf32, #tpu.memory_space<vmem>>) dst(%dma_wait3A_173 : memref<4x50x64xf32, #tpu.memory_space<hbm>>)
    %add3A_174 = arith.constant 508 : i32
    %add3A_175 = arith.addi %mul3A_2, %add3A_174 : i32
    %dma_wait3A_176 = arith.constant 0 : i32
    %dma_wait3A_177 = arith.constant 0 : i32
    %dma_wait3A_178 = tpu.memref_slice %arg5[%add3A_175, %dma_wait3A_176, %dma_wait3A_177] : memref<16384x50x64xf32, #tpu.memory_space<hbm>> -> memref<4x50x64xf32, #tpu.memory_space<hbm>>
    %dma_wait3A_179 = arith.constant 0 : i32
    %dma_wait3A_180 = arith.constant 0 : i32
    %dma_wait3A_181 = tpu.memref_slice %arg5[%add3A_175, %dma_wait3A_179, %dma_wait3A_180] : memref<16384x50x64xf32, #tpu.memory_space<hbm>> -> memref<4x50x64xf32, #tpu.memory_space<hbm>>
    tpu.wait_dma2 semaphore(%arg19 : memref<!tpu.dma_semaphore, #tpu.memory_space<semaphore_mem>>) src(%arg11 : memref<4x50x64xf32, #tpu.memory_space<vmem>>) dst(%dma_wait3A_181 : memref<4x50x64xf32, #tpu.memory_space<hbm>>)
    return
  }
}

</mosaic_0001>

<sc_bundles>
// kernel: kernel.3.cloned.1.call-start
scs
__scs_entry_jumppad:
0x0: {  	(pc) =	sbr.rel $0x88, $3  }
0x1: {  	(tag) =	ssettag $0x0;
	lr =	simm.s32 $0x1  }
0x2: {  	[smem:$0x3F9F] =	sst lr;
	_ =	strace $0xD0000000  }
0x3: {  	_ = 	snop  }
0x4: {  	_ = 	snop  }
0x5: {  	_ = 	snop  }
0x6: {  	_ = 	snop  }
0x7: {  	_ = 	snop  }
__scs_overlays_trampoline_lowered:
0x8: {  	[smem:$0x3FAE] =	sst s0  }
0x9: {  	[smem:$0x3FAF] =	sst s1  }
0xa: {  	[smem:$0x3FB0] =	sst s2  }
0xb: {  	[smem:$0x3FB1] =	sst s3  }
0xc: {  	[smem:$0x3FB2] =	sst s4  }
0xd: {  	[smem:$0x3FB3] =	sst s5  }
0xe: {  	[smem:$0x3FB4] =	sst s6  }
0xf: {  	[smem:$0x3FB5] =	sst s7  }
0x10: {  	[smem:$0x3FB6] =	sst s8  }
0x11: {  	[smem:$0x3FB7] =	sst s9;
	s0 =	simm.s32 @!p0 $0x0  }
0x12: {  	s1 =	sld [smem:$0x3F9D];
	s0 =	simm.s32 @p0 $0x1  }
0x13: {  	[smem:$0x3FB8] =	sst s0;
	s0 =	simm.s32 @!p1 $0x0  }
0x14: {  	s2 =	sld [smem:$0x3F9C];
	s0 =	simm.s32 @p1 $0x1  }
0x15: {  	[smem:$0x3FB9] =	sst s0;
	s0 =	simm.s32 @!p2 $0x0  }
0x16: {  	s3 =	sld [smem:$0x3FDB];
	s0 =	simm.s32 @p2 $0x1  }
0x17: {  	s4 =	simm.s32 $0x1BF5;
	[smem:$0x3FBB] =	sst s0  }
0x18: {  	s0 =	sld [smem:$0x3F9E];
	_ =	swait.ge [sflag:s4], $0x0  }
0x19: {  	s7 =	sld [smem:$0x3F9F]  }
0x1a: {  	s8 =	sadd.s32 $0xFFFFE003, lr  }
0x1b: {  	s9 =	sadd.s32 $0xFFFFFEF7, lr;
	s5 =	simm.s32 $0xFFFFFFFF;
	p2 =	slt.u32 s8, $0xFFFFF086  }
0x1c: {  	p1 =	slt.u32 s9, $0xF7A;
	s5 =	simm.s32 @!p2 $0x0  }
0x1d: {  	s5 =	simm.s32 @p1 $0x1;
	p0 =	seq.s32 s7, s2  }
0x1e: {  	s7 =	smul.u32 @!p0 $0xF7A, s2;
	p2 =	seq.s32 @!p0 s5, $0x0  }
0x1f: {  	s9 =	smul.u32 $0xF7A, s1;
	s8 =	simm.s32 @!p0 $0x1BF5;
	p2 =	por !p2, p0  }
0x20: {  	[sflag:s8] =	ssyncset.s32 @!p0 $0xFFFFF086;
	s6 =	sadd.s32 @!p0 s3, s7;
	s7 =	simm.s32 @!p0 $0x108  }
0x21: {  	s3 =	sadd.s32 s3, s9;
	s6 =	sadd.s32 @!p0 $0x88, s6;
	s7 =	simm.s32 @p2 $0x1082  }
0x22: {  	[simem:s7], [sflag:s8] =	dma.local @!p0 [hbm:s6], $0xF7A  }
0x23: {  	s9 =	sor.u32 $0xD0000000, s2;
	s6 =	simm.s32 $0x108;
	_ =	swait.ge @!p0 [sflag:s8], $0x0  }
0x24: {  	s3 =	sadd.s32 $0x88, s3;
	s6 =	simm.s32 @!p1 $0x1082;
	[sflag:s4] =	ssyncset.s32 $0xFFFFF086  }
0x25: {  	[simem:s6], [sflag:s4] =	dma.local [hbm:s3], $0xF7A  }
0x26: {  	[smem:$0x3F9F] =	sst s1;
	(tag) =	ssettag s2;
	_ =	strace s9  }
0x27: {  	s1 =	sld [smem:$0x3FAF]  }
0x28: {  	s2 =	sld [smem:$0x3FB0]  }
0x29: {  	s4 =	sld [smem:$0x3FB2]  }
0x2a: {  	p0 =	seq.s32 s5, $0x0;
	s5 =	sld [smem:$0x3FB3]  }
0x2b: {  	s6 =	sld [smem:$0x3FB4]  }
0x2c: {  	s7 =	sld [smem:$0x3FB5]  }
0x2d: {  	s3 =	simm.s32 $0x108;
	s8 =	sld [smem:$0x3FB6]  }
0x2e: {  	s3 =	simm.s32 @!p0 $0x1082;
	s9 =	sld [smem:$0x3FB7]  }
0x2f: {  	lr =	sadd.s32 s0, s3;
	s0 =	sld [smem:$0x3FAE]  }
0x30: {  	s3 =	sld [smem:$0x3FB1]  }
0x31: {  	[smem:$0x3FBA] =	sst s10  }
0x32: {  	s10 =	sld [smem:$0x3FB8];
	_ =	sdelay $0x3  }
0x33: {  	p0 =	seq.s32 s10, $0x1;
	s10 =	sld [smem:$0x3FBA];
	_ =	sdelay $0x3  }
0x34: {  	[smem:$0x3FBA] =	sst s10  }
0x35: {  	s10 =	sld [smem:$0x3FB9];
	_ =	sdelay $0x3  }
0x36: {  	p1 =	seq.s32 s10, $0x1;
	s10 =	sld [smem:$0x3FBA];
	_ =	sdelay $0x3  }
0x37: {  	[smem:$0x3FBA] =	sst s10  }
0x38: {  	s10 =	sld [smem:$0x3FBB]  }
0x39: {  	_ = 	snop;
	(pc) =	sbr.ind lr, $3  }
0x3a: {  	_ = 	snop  }
0x3b: {  	_ = 	snop  }
0x3c: {  	p2 =	seq.s32 s10, $0x1;
	s10 =	sld [smem:$0x3FBA]  }
0x3d: {  	_ =	shalt  }
0x3e: {  	_ =	shalt  }
0x3f: {  	_ =	shalt  }
0x40: {  	_ =	shalt  }
0x41: {  	_ =	shalt  }
0x42: {  	_ =	shalt  }
0x43: {  	_ =	shalt  }
0x44: {  	_ =	shalt  }
0x45: {  	_ =	shalt  }
0x46: {  	_ =	shalt  }
0x47: {  	_ =	shalt  }
0x48: {  	_ =	shalt  }
0x49: {  	_ =	shalt  }
0x4a: {  	_ =	shalt  }
0x4b: {  	_ =	shalt  }
0x4c: {  	_ =	shalt  }
0x4d: {  	_ =	shalt  }
0x4e: {  	_ =	shalt  }
0x4f: {  	_ =	shalt  }
0x50: {  	_ =	shalt  }
0x51: {  	_ =	shalt  }
0x52: {  	_ =	shalt  }
0x53: {  	_ =	shalt  }
0x54: {  	_ =	shalt  }
0x55: {  	_ =	shalt  }
0x56: {  	_ =	shalt  }
0x57: {  	_ =	shalt  }
0x58: {  	_ =	shalt  }
0x59: {  	_ =	shalt  }
0x5a: {  	_ =	shalt  }
0x5b: {  	_ =	shalt  }
0x5c: {  	_ =	shalt  }
0x5d: {  	_ =	shalt  }
0x5e: {  	_ =	shalt  }
0x5f: {  	_ =	shalt  }
0x60: {  	_ =	shalt  }
0x61: {  	_ =	shalt  }
0x62: {  	_ =	shalt  }
0x63: {  	_ =	shalt  }
0x64: {  	_ =	shalt  }
0x65: {  	_ =	shalt  }
0x66: {  	_ =	shalt  }
0x67: {  	_ =	shalt  }
0x68: {  	_ =	shalt  }
0x69: {  	_ =	shalt  }
0x6a: {  	_ =	shalt  }
0x6b: {  	_ =	shalt  }
0x6c: {  	_ =	shalt  }
0x6d: {  	_ =	shalt  }
0x6e: {  	_ =	shalt  }
0x6f: {  	_ =	shalt  }
0x70: {  	_ =	shalt  }
0x71: {  	_ =	shalt  }
0x72: {  	_ =	shalt  }
0x73: {  	_ =	shalt  }
0x74: {  	_ =	shalt  }
0x75: {  	_ =	shalt  }
0x76: {  	_ =	shalt  }
0x77: {  	_ =	shalt  }
0x78: {  	_ =	shalt  }
0x79: {  	_ =	shalt  }
0x7a: {  	_ =	shalt  }
0x7b: {  	_ =	shalt  }
0x7c: {  	_ =	shalt  }
0x7d: {  	_ =	shalt  }
0x7e: {  	_ =	shalt  }
0x7f: {  	_ =	shalt  }
0x80: {  	_ =	shalt  }
0x81: {  	_ =	shalt  }
0x82: {  	_ =	shalt  }
0x83: {  	_ =	shalt  }
0x84: {  	_ =	shalt  }
0x85: {  	_ =	shalt  }
0x86: {  	_ =	shalt  }
0x87: {  	_ =	shalt  }
.Lfunc_end0:
.L_simem_size_0:
called_computation.1_lowered:
.L_overlay_start_0:
0x88: {  	s2 =	sld [smem:$0x3FD9]  }
0x89: {  	s3 =	sld [smem:$0x3FFE];
	_ =	sdelay $0x1  }
0x8a: {  	s1 =	srdreg.scid  }
0x8b: {  	s0 =	sand.u32 $0x1, s1  }
0x8c: {  	s17 =	sshll.u32 s0, $0xA;
	s2 =	sadd.s32 s3, s2  }
0x8d: {  	s2 =	sadd.s32 s2, s17  }
0x8e: {  	[smem:$0x3FC6] =	sst s2  }
0x8f: {  	_ = 	snop  }
0x90: {  	s2 =	sld [smem:$0x3FD0];
	(tm) =	ssettm $0x1  }
0x91: {  	s18 =	sld [smem:$0x3FFB];
	_ =	sdelay $0x3  }
0x92: {  	_ =	strace s18  }
0x93: {  	s3 =	sld [smem:$0x3FFC];
	_ =	sdelay $0x3  }
0x94: {  	_ =	strace s3  }
0x95: {  	s3 =	sld [smem:$0x3FFD];
	_ =	sdelay $0x3  }
0x96: {  	_ =	strace s3  }
0x97: {  	_ =	strace $0x8FFFFFFF  }
0x98: {  	s19 =	sld [smem:$0x3FDB];
	_ =	sdelay $0x1  }
0x99: {  	s4 =	simm.s32 $_scs_section_size  }
0x9a: {  	s5 =	simm.s32 $_size__tile_overlayer_lowered;
	s6 =	simm.s32 $_tile_overlayer_lowered  }
0x9b: {  	s22 =	simm.s32 $0x1BFF;
	s21 =	sshll.u32 s6, $0x1;
	s3 =	sadd.s32 s4, s19  }
0x9c: {  	s7 =	simm.s32 $0x0;
	s20 =	sshll.u32 s5, $0x1;
	s5 =	sadd.s32 s21, s3  }
0x9d: {  	[timem:s7], [sflag:s22] =	dma.local [hbm:s5], s20  }
0x9e: {  	_ =	swait.ge [sflag:s22], s20  }
0x9f: {  	s4 =	ssub.s32 $0x0, s20;
	[sflag:s22] =	ssyncset.done $0x0  }
0xa0: {  	[sflag:s22] =	ssyncadd.s32 s4;
	_ =	sdelay $0x1  }
0xa1: {  	s23 =	simm.s32 $0x1B8B  }
0xa2: {  	_ =	swait.ge [sflag:s23], $0x1  }
0xa3: {  	[sflag:s23] =	ssyncset.done $0x0  }
0xa4: {  	s25 =	simm.s32 $0x1B8E;
	s24 =	sld [smem:$0x3FFE];
	[sflag:s23] =	ssyncadd.s32 $0xFFFFFFFF  }
0xa5: {  	s26 =	simm.s32 $execute0_lowered;
	[smem:$0x3FD2] =	sst s25  }
0xa6: {  	s5 =	sshll.u32 s26, $0x1;
	_ =	strace $0x80000046;
	[dreg:$0x1] =	wrdreg $0xFFFFFFFF  }
0xa7: {  	s28 =	simm.s32 $_size_execute0_lowered;
	s3 =	sadd.s32 s3, s5;
	[dreg:$0x0] =	wrdreg $0x0  }
0xa8: {  	s5 =	sshll.u32 s28, $0x1;
	[dreg:$0x2] =	wrdreg s3  }
0xa9: {  	[dreg:$0x3] =	wrdreg s5  }
0xaa: {  	[dreg:$0x4] =	wrdreg $0xC0  }
0xab: {  	_ =	task [dreg:s7], $0x5FFFF  }
0xac: {  	[dreg:$0x1] =	wrdreg $0xFFFFFFFF  }
0xad: {  	[dreg:$0x0] =	wrdreg $0x60  }
0xae: {  	[dreg:$0x2] =	wrdreg s24  }
0xaf: {  	[dreg:$0x3] =	wrdreg s2  }
0xb0: {  	[dreg:$0x4] =	wrdreg $0x9  }
0xb1: {  	_ =	task.clear_ibuf [dreg:s7], $0x5FFFF;
	_ =	strace $0x90000046  }
0xb2: {  	s29 =	simm.s32 $0x9;
	_ =	strace $0x80000048  }
0xb3: {  	_ =	swait.ge [sflag:s29], $0x1  }
0xb4: {  	[sflag:s29] =	ssyncadd.s32 $0xFFFFFFFF  }
0xb5: {  	_ =	strace $0x90000048  }
0xb6: {  	_ =	sfence  }
0xb7: {  	s30 =	sld [smem:$0x0];
	_ =	sdelay $0x2  }
0xb8: {  	s31 =	sshll.u32 s1, $0xD;
	s1 =	sshrl.u32 s1, $0x2  }
0xb9: {  	s3 =	sand.u32 $0x4000, s31;
	s1 =	sadd.s32 s1, s30  }
0xba: {  	s0 =	sor.u32 s3, s0;
	s1 =	sshll.u32 s1, $0x11  }
0xbb: {  	s0 =	sor.u32 s1, s0  }
0xbc: {  	s0 =	sadd.s32 $0x8F2B, s0  }
0xbd: {  	[sflag:s0] =	ssyncadd.remote.s32 $0x1  }
0xbe: {  	_ =	sfence.sel $0xFFFF  }
0xbf: {  	[dreg:$0x0] =	wrdreg $0xFFFFFFFF;
	(pc) =	sbr.abs _section_cstart, $3  }
0xc0: {  	[dreg:$0x1] =	wrdreg $0xFFFFFFFF  }
0xc1: {  	_ =	task.clear_ibuf [dreg:s7], $0x2FFFF;
	_ =	strace $0x9FFFFFFF  }
0xc2: {  	(tm) =	ssettm $0x7FFFFFFF  }
0xc3: {  	_ =	shalt  }
tec
execute0_lowered:
.L_overlay_start_1:
0x0: {  	(tag) =	ssettag $0x1  }
0x1: {  	s0 =	srdreg.scid;
	s1 =	rddreg [dreg:$0x0]  }
0x2: {  	s3 =	stileid.u32;
	s2 =	rddreg [dreg:$0x1];
	s9 =	simm.s32 $0x9  }
0x3: {  	s11 =	simm.s32 $0x32;
	s12 =	simm.s32 $0x7C80;
	s20 =	simm.s32 $0xAE80  }
0x4: {  	s29 =	simm.s32 $0xE080;
	s31 =	simm.s32 $0xED00;
	s13 =	simm.s32 $0x10600  }
0x5: {  	s14 =	simm.s32 $0x1;
	s15 =	simm.s32 $0x11280;
	s16 =	simm.s32 $0x11F00  }
0x6: {  	s17 =	simm.s32 $0x12B80;
	s18 =	simm.s32 $0x13800;
	s19 =	simm.s32 $0x2  }
0x7: {  	s21 =	simm.s32 $0x3;
	s22 =	simm.s32 $0x4;
	s0 =	sand.u32 $0x1, s0  }
0x8: {  	s24 =	simm.s32 $0x6;
	s4 =	sshll.u32 s3, $0xA;
	s5 =	sshll.u32 s0, $0x9  }
0x9: {  	s25 =	simm.s32 $0x7;
	s26 =	simm.s32 $0x8;
	s4 =	sor.u32 s5, s4  }
0xa: {  	s3 =	simm.s32 $0x0;
	s0 =	ssub.s32 $0x2, s0;
	s5 =	smul.u32 $0x7, s4  }
.Ltmp0:
0xb: {  	[smem:$0x7FF] =	sst s3;
	s6 =	sshrl.u32 s0, $0x1;
	(pc) =	sbr.rel .LBB2_1-.Ltmp0, $4  }
0xc: {  	s7 =	sadd.s32 $0x1CC00, s1;
	_ =	strace $0x80000047;
	s0 =	ssub.s32 s0, s6  }
0xd: {  	[dreg:$0x3] =	wrdreg s7;
	s0 =	smax.u32 s0, $0x1;
	s5 =	sadd.s32 s5, s1  }
0xe: {  	s28 =	simm.s32 $0x0;
	[dreg:$0x5] =	wrdreg s0;
	s30 =	sadd.s32 $0xC00, s5  }
0xf: {  	s6 =	sadd.s32 $0xF43000, s1;
	s0 =	simm.s32 $0xF980;
	[dreg:$0x4] =	wrdreg s30  }
.LBB2_12:
0x10: {  	s1 =	simm.s32 $0x5  }
0x11: {  	_ =	swait.ge [sflag:s1], $0x3200  }
0x12: {  	[sflag:s1] =	ssyncset.done $0x0  }
0x13: {  	[sflag:s1] =	ssyncadd.s32 $0xFFFFCE00  }
0x14: {  	_ =	swait.ge [sflag:s24], $0x3200  }
0x15: {  	[sflag:s24] =	ssyncset.done $0x0  }
0x16: {  	[sflag:s24] =	ssyncadd.s32 $0xFFFFCE00  }
0x17: {  	_ =	swait.ge [sflag:s25], $0x3200  }
0x18: {  	[sflag:s25] =	ssyncset.done $0x0  }
0x19: {  	[sflag:s25] =	ssyncadd.s32 $0xFFFFCE00  }
0x1a: {  	_ =	swait.ge [sflag:s26], $0x3200  }
0x1b: {  	s28 =	sadd.s32 $0x1, s28;
	s30 =	rddreg [dreg:$0x5]  }
0x1c: {  	p0 =	sne.s32 s28, s30  }
.Ltmp1:
0x1d: {  	_ = 	snop;
	(pc) =	sbr.rel @!p0 .LBB2_13-.Ltmp1, $3  }
0x1e: {  	_ =	sdelay $0x1  }
0x1f: {  	[sflag:s26] =	ssyncset.done $0x0  }
0x20: {  	[sflag:s26] =	ssyncadd.s32 $0xFFFFCE00  }
.LBB2_1:
0x21: {  	s1 =	rddreg [dreg:$0x4]  }
0x22: {  	[tilespmem:s3], [sflag:$0x9] =	stream.linear.gather [hbm4b:s1+s3], $0x7000, $0x38;
	[tilespmem:$0x14480] =	vst v63  }
0x23: {  	_ =	swait.ge [sflag:s9], $0x7000  }
0x24: {  	[sflag:s9] =	ssyncset.done $0x0  }
0x25: {  	s5 =	simm.s32 $0x7000;
	s23 =	rddreg [dreg:$0x3];
	[sflag:s9] =	ssyncadd.s32 $0xFFFF9000  }
0x26: {  	[tilespmem:s5], [sflag:$0x9] =	stream.linear.gather [hbm4b:s23+s3], $0xC80, $0x38;
	[tilespmem:$0x14480] =	vst v63  }
0x27: {  	_ =	swait.ge [sflag:s9], $0xC80  }
0x28: {  	[sflag:s9] =	ssyncset.done $0x0  }
0x29: {  	[sflag:s9] =	ssyncadd.s32 $0xFFFFF380  }
0x2a: {  	[tilespmem:s12], [sflag:$0x1] =	stream.indirect.gather [hbm4b:s6+s11], $0x40, s3, s11, $0xb8;
	[tilespmem:$0x14480] =	vst v63  }
0x2b: {  	s7 =	simm.s32 $0x38;
	s8 =	simm.s32 $0x8900  }
0x2c: {  	[tilespmem:s8], [sflag:$0x1] =	stream.indirect.gather [hbm4b:s6+s11], $0x40, s7, s11, $0xb8;
	[tilespmem:$0x14480] =	vst v63  }
0x2d: {  	s10 =	simm.s32 $0x70;
	s23 =	simm.s32 $0x9580  }
0x2e: {  	[tilespmem:s23], [sflag:$0x1] =	stream.indirect.gather [hbm4b:s6+s11], $0x40, s10, s11, $0xb8;
	[tilespmem:$0x14480] =	vst v63  }
0x2f: {  	s5 =	simm.s32 $0xA8;
	s7 =	simm.s32 $0xA200  }
0x30: {  	[tilespmem:s7], [sflag:$0x1] =	stream.indirect.gather [hbm4b:s6+s11], $0x40, s5, s11, $0xb8;
	[tilespmem:$0x14480] =	vst v63  }
0x31: {  	s8 =	simm.s32 $0xE0  }
0x32: {  	[tilespmem:s20], [sflag:$0x2] =	stream.indirect.gather [hbm4b:s6+s11], $0x40, s8, s11, $0xb8;
	[tilespmem:$0x14480] =	vst v63  }
0x33: {  	s10 =	simm.s32 $0x118;
	s23 =	simm.s32 $0xBB00  }
0x34: {  	[tilespmem:s23], [sflag:$0x2] =	stream.indirect.gather [hbm4b:s6+s11], $0x40, s10, s11, $0xb8;
	[tilespmem:$0x14480] =	vst v63  }
0x35: {  	s7 =	simm.s32 $0x150;
	s8 =	simm.s32 $0xC780  }
0x36: {  	[tilespmem:s8], [sflag:$0x2] =	stream.indirect.gather [hbm4b:s6+s11], $0x40, s7, s11, $0xb8;
	[tilespmem:$0x14480] =	vst v63  }
0x37: {  	s10 =	simm.s32 $0x188;
	s23 =	simm.s32 $0xD400  }
0x38: {  	[tilespmem:s23], [sflag:$0x2] =	stream.indirect.gather [hbm4b:s6+s11], $0x40, s10, s11, $0xb8;
	[tilespmem:$0x14480] =	vst v63  }
0x39: {  	s7 =	simm.s32 $0x1C0  }
0x3a: {  	[tilespmem:s29], [sflag:$0x3] =	stream.indirect.gather [hbm4b:s6+s11], $0x40, s7, s11, $0xb8;
	[tilespmem:$0x14480] =	vst v63  }
0x3b: {  	s8 =	simm.s32 $0x1F8  }
0x3c: {  	[tilespmem:s31], [sflag:$0x3] =	stream.indirect.gather [hbm4b:s6+s11], $0x40, s8, s11, $0xb8;
	[tilespmem:$0x14480] =	vst v63  }
0x3d: {  	s10 =	simm.s32 $0x230  }
0x3e: {  	[tilespmem:s0], [sflag:$0x3] =	stream.indirect.gather [hbm4b:s6+s11], $0x40, s10, s11, $0xb8;
	[tilespmem:$0x14480] =	vst v63  }
0x3f: {  	s30 =	simm.s32 $0x0;
	s23 =	simm.s32 $0x268  }
0x40: {  	[tilespmem:s13], [sflag:$0x3] =	stream.indirect.gather [hbm4b:s6+s11], $0x40, s23, s11, $0xb8;
	[tilespmem:$0x14480] =	vst v63  }
.LBB2_2:
0x41: {  	_ =	swait.ge [sflag:s14], $0xC80  }
0x42: {  	[sflag:s14] =	ssyncset.done $0x0  }
0x43: {  	[sflag:s14] =	ssyncadd.s32 $0xFFFFF380  }
0x44: {  	_ =	swait.ge [sflag:s14], $0xC80  }
0x45: {  	[sflag:s14] =	ssyncset.done $0x0  }
0x46: {  	[sflag:s14] =	ssyncadd.s32 $0xFFFFF380  }
0x47: {  	_ =	swait.ge [sflag:s14], $0xC80  }
0x48: {  	[sflag:s14] =	ssyncset.done $0x0  }
0x49: {  	[sflag:s14] =	ssyncadd.s32 $0xFFFFF380  }
0x4a: {  	_ =	swait.ge [sflag:s14], $0xC80  }
0x4b: {  	[sflag:s14] =	ssyncset.done $0x0  }
0x4c: {  	s1 =	simm.s32 $0x0;
	[sflag:s14] =	ssyncadd.s32 $0xFFFFF380  }
0x4d: {  	v2 =	vld [tilespmem:s1+$0x7000]  }
0x4e: {  	v5 =	vld [tilespmem:s1+$0x7010]  }
0x4f: {  	v1 =	vld [tilespmem:s1+$0x7020]  }
0x50: {  	v3 =	vld [tilespmem:s1+$0x7C80]  }
0x51: {  	v4 =	vld [tilespmem:s1+$0x8900]  }
0x52: {  	v6 =	vld [tilespmem:s1+$0x9580]  }
0x53: {  	v7 =	vld [tilespmem:s1+$0xA200]  }
0x54: {  	v8 =	vld [tilespmem:s1+$0x7C90]  }
0x55: {  	v9 =	vld [tilespmem:s1+$0x8910]  }
0x56: {  	v0 =	vld [tilespmem:s1+$0x7030];
	v3 =	vadd.f32 v3, v2  }
0x57: {  	v11 =	vld [tilespmem:s1+$0xA210];
	v4 =	vadd.f32 v4, v2  }
0x58: {  	v10 =	vld [tilespmem:s1+$0x9590];
	[tilespmem:s1+$0x7C80] =	vst v3;
	v3 =	vadd.f32 v6, v2  }
0x59: {  	[tilespmem:s1+$0x8900] =	vst v4;
	v6 =	vld [tilespmem:s1+$0x7CA0];
	v2 =	vadd.f32 v7, v2  }
0x5a: {  	v7 =	vld [tilespmem:s1+$0x8920];
	v4 =	vadd.f32 v8, v5;
	v8 =	vadd.f32 v9, v5;
	[tilespmem:s1+$0x9580] =	vst v3  }
0x5b: {  	[tilespmem:s1+$0xA200] =	vst v2;
	v3 =	vld [tilespmem:s1+$0x95A0]  }
0x5c: {  	v2 =	vld [tilespmem:s1+$0xA220];
	[tilespmem:s1+$0x8910] =	vst v8;
	v8 =	vadd.f32 v11, v5  }
0x5d: {  	v9 =	vadd.f32 v10, v5;
	[tilespmem:s1+$0x7C90] =	vst v4;
	v4 =	vld [tilespmem:s1+$0x7CB0]  }
0x5e: {  	v5 =	vld [tilespmem:s1+$0x8930];
	[tilespmem:s1+$0xA210] =	vst v8;
	v8 =	vadd.f32 v6, v1  }
0x5f: {  	s5 =	simm.s32 $0x100;
	[tilespmem:s1+$0x9590] =	vst v9;
	v7 =	vadd.f32 v7, v1;
	v6 =	vld [tilespmem:s1+$0x95B0]  }
.LBB2_3:
0x60: {  	s7 =	sshra.s32 s5, $0x2;
	p0 =	sne.s32 s5, $0x3100;
	[tilespmem:s1+$0x7CA0] =	vst v8;
	v3 =	vadd.f32 v3, v1;
	v8 =	vld [tilespmem:s1+$0xA230]  }
0x61: {  	v9 =	vld [tilespmem:s7+$0x7000];
	[tilespmem:s1+$0x8920] =	vst v7;
	v2 =	vadd.f32 v2, v1  }
0x62: {  	v7 =	vld [tilespmem:s7+$0x7010];
	[tilespmem:s1+$0x95A0] =	vst v3;
	v3 =	vadd.f32 v4, v0  }
0x63: {  	v1 =	vld [tilespmem:s7+$0x7020];
	[tilespmem:s1+$0xA220] =	vst v2;
	v2 =	vadd.f32 v5, v0  }
0x64: {  	v4 =	vld [tilespmem:s7+$0x7030];
	[tilespmem:s1+$0x7CB0] =	vst v3;
	v3 =	vadd.f32 v6, v0  }
0x65: {  	v5 =	vld [tilespmem:s7+$0x7C80];
	[tilespmem:s1+$0x8930] =	vst v2;
	v0 =	vadd.f32 v8, v0  }
0x66: {  	v2 =	vld [tilespmem:s7+$0x8900];
	[tilespmem:s1+$0x95B0] =	vst v3  }
0x67: {  	v3 =	vld [tilespmem:s7+$0x9580];
	[tilespmem:s1+$0xA230] =	vst v0;
	s1 =	smov.u32 s7  }
0x68: {  	v6 =	vld [tilespmem:s1+$0xA200]  }
0x69: {  	v8 =	vld [tilespmem:s1+$0x7C90];
	v0 =	vmov v4  }
0x6a: {  	v4 =	vadd.f32 v5, v9;
	v5 =	vld [tilespmem:s1+$0x8910]  }
0x6b: {  	v2 =	vadd.f32 v2, v9;
	v10 =	vld [tilespmem:s1+$0x9590]  }
0x6c: {  	[tilespmem:s1+$0x7C80] =	vst v4;
	v3 =	vadd.f32 v3, v9;
	v4 =	vld [tilespmem:s1+$0xA210]  }
0x6d: {  	[tilespmem:s1+$0x8900] =	vst v2;
	v2 =	vadd.f32 v6, v9;
	v6 =	vld [tilespmem:s1+$0x7CA0]  }
0x6e: {  	[tilespmem:s1+$0x9580] =	vst v3;
	v8 =	vadd.f32 v8, v7;
	v9 =	vld [tilespmem:s1+$0x8920]  }
.Ltmp2:
0x6f: {  	[tilespmem:s1+$0xA200] =	vst v2;
	v5 =	vadd.f32 v5, v7;
	v3 =	vld [tilespmem:s1+$0x95A0];
	(pc) =	sbr.rel @p0 .LBB2_3-.Ltmp2, $4  }
0x70: {  	[tilespmem:s1+$0x7C90] =	vst v8;
	v8 =	vadd.f32 v10, v7;
	v2 =	vld [tilespmem:s1+$0xA220]  }
0x71: {  	[tilespmem:s1+$0x8910] =	vst v5;
	v7 =	vadd.f32 v4, v7;
	v4 =	vld [tilespmem:s1+$0x7CB0]  }
0x72: {  	[tilespmem:s1+$0x9590] =	vst v8;
	v8 =	vadd.f32 v6, v1;
	v5 =	vld [tilespmem:s1+$0x8930]  }
0x73: {  	s5 =	sadd.s32 $0x100, s5;
	[tilespmem:s1+$0xA210] =	vst v7;
	v7 =	vadd.f32 v9, v1;
	v6 =	vld [tilespmem:s1+$0x95B0]  }
0x74: {  	[tilespmem:s1+$0x7CA0] =	vst v8;
	v3 =	vadd.f32 v3, v1;
	v8 =	vld [tilespmem:s1+$0xA230]  }
0x75: {  	[tilespmem:s1+$0x8920] =	vst v7;
	v1 =	vadd.f32 v2, v1  }
0x76: {  	[tilespmem:s1+$0x95A0] =	vst v3;
	v2 =	vadd.f32 v4, v0  }
0x77: {  	s5 =	sshll.u32 s30, $0x4;
	[tilespmem:s1+$0xA220] =	vst v1;
	v1 =	vadd.f32 v5, v0  }
0x78: {  	s7 =	sadd.s32 s4, s5;
	[tilespmem:s1+$0x7CB0] =	vst v2;
	v2 =	vadd.f32 v6, v0  }
0x79: {  	s7 =	smul.u32 $0x190, s7;
	[tilespmem:s1+$0x8930] =	vst v1;
	v0 =	vadd.f32 v8, v0  }
0x7a: {  	p0 =	seq.s32 s30, $0x0;
	[tilespmem:s1+$0x95B0] =	vst v2  }
0x7b: {  	s8 =	sadd.s32 s2, s7;
	s7 =	simm.s32 @!p0 $0x8;
	[tilespmem:s1+$0xA230] =	vst v0;
	s1 =	sshllo.u32 s30, $0x2  }
0x7c: {  	[hbm4b:s8+s3] =	stream.linear.scatter [tilespmem:s12], [sflag:$0x5], $0x3200, $0x38;
	[tilespmem:$0x14480] =	vst v63  }
0x7d: {  	s8 =	smul.u32 $0x380, s1;
	_ =	swait.ge @!p0 [sflag:s7], $0x3200  }
0x7e: {  	[sflag:s7] =	ssyncset.done @!p0 $0x0  }
0x7f: {  	s10 =	sshra.s32 s8, $0x2;
	[sflag:s7] =	ssyncadd.s32 @!p0 $0xFFFFCE00  }
0x80: {  	[tilespmem:s15], [sflag:$0x4] =	stream.indirect.gather [hbm4b:s6+s11], $0x40, s10, s11, $0xb8;
	[tilespmem:$0x14480] =	vst v63  }
0x81: {  	s8 =	sadd.s32 $0x38, s10  }
0x82: {  	[tilespmem:s16], [sflag:$0x4] =	stream.indirect.gather [hbm4b:s6+s11], $0x40, s8, s11, $0xb8;
	[tilespmem:$0x14480] =	vst v63  }
0x83: {  	s23 =	sadd.s32 $0x70, s10  }
0x84: {  	[tilespmem:s17], [sflag:$0x4] =	stream.indirect.gather [hbm4b:s6+s11], $0x40, s23, s11, $0xb8;
	[tilespmem:$0x14480] =	vst v63  }
0x85: {  	s7 =	sadd.s32 $0xA8, s10  }
0x86: {  	[tilespmem:s18], [sflag:$0x4] =	stream.indirect.gather [hbm4b:s6+s11], $0x40, s7, s11, $0xb8;
	[tilespmem:$0x14480] =	vst v63  }
0x87: {  	_ =	swait.ge [sflag:s19], $0xC80  }
0x88: {  	[sflag:s19] =	ssyncset.done $0x0  }
0x89: {  	[sflag:s19] =	ssyncadd.s32 $0xFFFFF380  }
0x8a: {  	_ =	swait.ge [sflag:s19], $0xC80  }
0x8b: {  	[sflag:s19] =	ssyncset.done $0x0  }
0x8c: {  	[sflag:s19] =	ssyncadd.s32 $0xFFFFF380  }
0x8d: {  	_ =	swait.ge [sflag:s19], $0xC80  }
0x8e: {  	[sflag:s19] =	ssyncset.done $0x0  }
0x8f: {  	[sflag:s19] =	ssyncadd.s32 $0xFFFFF380  }
0x90: {  	_ =	swait.ge [sflag:s19], $0xC80  }
0x91: {  	[sflag:s19] =	ssyncset.done $0x0  }
0x92: {  	s10 =	simm.s32 $0x0;
	[sflag:s19] =	ssyncadd.s32 $0xFFFFF380  }
0x93: {  	v2 =	vld [tilespmem:s10+$0x7000]  }
0x94: {  	v5 =	vld [tilespmem:s10+$0x7010]  }
0x95: {  	v1 =	vld [tilespmem:s10+$0x7020]  }
0x96: {  	v3 =	vld [tilespmem:s10+$0xAE80]  }
0x97: {  	v4 =	vld [tilespmem:s10+$0xBB00]  }
0x98: {  	v6 =	vld [tilespmem:s10+$0xC780]  }
0x99: {  	v7 =	vld [tilespmem:s10+$0xD400]  }
0x9a: {  	v8 =	vld [tilespmem:s10+$0xAE90]  }
0x9b: {  	v9 =	vld [tilespmem:s10+$0xBB10]  }
0x9c: {  	v0 =	vld [tilespmem:s10+$0x7030];
	v3 =	vadd.f32 v3, v2  }
0x9d: {  	v11 =	vld [tilespmem:s10+$0xD410];
	v4 =	vadd.f32 v4, v2  }
0x9e: {  	v10 =	vld [tilespmem:s10+$0xC790];
	[tilespmem:s10+$0xAE80] =	vst v3;
	v3 =	vadd.f32 v6, v2  }
0x9f: {  	[tilespmem:s10+$0xBB00] =	vst v4;
	v6 =	vld [tilespmem:s10+$0xAEA0];
	v2 =	vadd.f32 v7, v2  }
0xa0: {  	v7 =	vld [tilespmem:s10+$0xBB20];
	v4 =	vadd.f32 v8, v5;
	v8 =	vadd.f32 v9, v5;
	[tilespmem:s10+$0xC780] =	vst v3  }
0xa1: {  	[tilespmem:s10+$0xD400] =	vst v2;
	v3 =	vld [tilespmem:s10+$0xC7A0]  }
0xa2: {  	v2 =	vld [tilespmem:s10+$0xD420];
	[tilespmem:s10+$0xBB10] =	vst v8;
	v8 =	vadd.f32 v11, v5  }
0xa3: {  	v9 =	vadd.f32 v10, v5;
	[tilespmem:s10+$0xAE90] =	vst v4;
	v4 =	vld [tilespmem:s10+$0xAEB0]  }
0xa4: {  	v5 =	vld [tilespmem:s10+$0xBB30];
	[tilespmem:s10+$0xD410] =	vst v8;
	v8 =	vadd.f32 v6, v1  }
0xa5: {  	s7 =	simm.s32 $0x100;
	[tilespmem:s10+$0xC790] =	vst v9;
	v7 =	vadd.f32 v7, v1;
	v6 =	vld [tilespmem:s10+$0xC7B0]  }
.LBB2_5:
0xa6: {  	s8 =	sshra.s32 s7, $0x2;
	p0 =	sne.s32 s7, $0x3100;
	[tilespmem:s10+$0xAEA0] =	vst v8;
	v3 =	vadd.f32 v3, v1;
	v8 =	vld [tilespmem:s10+$0xD430]  }
0xa7: {  	v9 =	vld [tilespmem:s8+$0x7000];
	[tilespmem:s10+$0xBB20] =	vst v7;
	v2 =	vadd.f32 v2, v1  }
0xa8: {  	v7 =	vld [tilespmem:s8+$0x7010];
	[tilespmem:s10+$0xC7A0] =	vst v3;
	v3 =	vadd.f32 v4, v0  }
0xa9: {  	v1 =	vld [tilespmem:s8+$0x7020];
	[tilespmem:s10+$0xD420] =	vst v2;
	v2 =	vadd.f32 v5, v0  }
0xaa: {  	v4 =	vld [tilespmem:s8+$0x7030];
	[tilespmem:s10+$0xAEB0] =	vst v3;
	v3 =	vadd.f32 v6, v0  }
0xab: {  	v5 =	vld [tilespmem:s8+$0xAE80];
	[tilespmem:s10+$0xBB30] =	vst v2;
	v0 =	vadd.f32 v8, v0  }
0xac: {  	v2 =	vld [tilespmem:s8+$0xBB00];
	[tilespmem:s10+$0xC7B0] =	vst v3  }
0xad: {  	v3 =	vld [tilespmem:s8+$0xC780];
	[tilespmem:s10+$0xD430] =	vst v0;
	s10 =	smov.u32 s8  }
0xae: {  	v6 =	vld [tilespmem:s10+$0xD400]  }
0xaf: {  	v8 =	vld [tilespmem:s10+$0xAE90];
	v0 =	vmov v4  }
0xb0: {  	v4 =	vadd.f32 v5, v9;
	v5 =	vld [tilespmem:s10+$0xBB10]  }
0xb1: {  	v2 =	vadd.f32 v2, v9;
	v10 =	vld [tilespmem:s10+$0xC790]  }
0xb2: {  	[tilespmem:s10+$0xAE80] =	vst v4;
	v3 =	vadd.f32 v3, v9;
	v4 =	vld [tilespmem:s10+$0xD410]  }
0xb3: {  	[tilespmem:s10+$0xBB00] =	vst v2;
	v2 =	vadd.f32 v6, v9;
	v6 =	vld [tilespmem:s10+$0xAEA0]  }
0xb4: {  	[tilespmem:s10+$0xC780] =	vst v3;
	v8 =	vadd.f32 v8, v7;
	v9 =	vld [tilespmem:s10+$0xBB20]  }
.Ltmp3:
0xb5: {  	[tilespmem:s10+$0xD400] =	vst v2;
	v5 =	vadd.f32 v5, v7;
	v3 =	vld [tilespmem:s10+$0xC7A0];
	(pc) =	sbr.rel @p0 .LBB2_5-.Ltmp3, $4  }
0xb6: {  	[tilespmem:s10+$0xAE90] =	vst v8;
	v8 =	vadd.f32 v10, v7;
	v2 =	vld [tilespmem:s10+$0xD420]  }
0xb7: {  	[tilespmem:s10+$0xBB10] =	vst v5;
	v7 =	vadd.f32 v4, v7;
	v4 =	vld [tilespmem:s10+$0xAEB0]  }
0xb8: {  	[tilespmem:s10+$0xC790] =	vst v8;
	v8 =	vadd.f32 v6, v1;
	v5 =	vld [tilespmem:s10+$0xBB30]  }
0xb9: {  	s7 =	sadd.s32 $0x100, s7;
	[tilespmem:s10+$0xD410] =	vst v7;
	v7 =	vadd.f32 v9, v1;
	v6 =	vld [tilespmem:s10+$0xC7B0]  }
0xba: {  	[tilespmem:s10+$0xAEA0] =	vst v8;
	v3 =	vadd.f32 v3, v1;
	v8 =	vld [tilespmem:s10+$0xD430]  }
0xbb: {  	[tilespmem:s10+$0xBB20] =	vst v7;
	v1 =	vadd.f32 v2, v1  }
0xbc: {  	[tilespmem:s10+$0xC7A0] =	vst v3;
	v2 =	vadd.f32 v4, v0  }
0xbd: {  	s5 =	sadd.s32 s5, s4;
	[tilespmem:s10+$0xD420] =	vst v1;
	v1 =	vadd.f32 v5, v0  }
0xbe: {  	s5 =	smul.u32 $0x190, s5;
	[tilespmem:s10+$0xAEB0] =	vst v2;
	v2 =	vadd.f32 v6, v0  }
0xbf: {  	[tilespmem:s10+$0xBB30] =	vst v1;
	v0 =	vadd.f32 v8, v0  }
0xc0: {  	s5 =	sadd.s32 s2, s5;
	[tilespmem:s10+$0xC7B0] =	vst v2  }
0xc1: {  	p0 =	seq.s32 s30, $0x1F;
	s7 =	sadd.s32 $0x640, s5;
	[tilespmem:s10+$0xD430] =	vst v0  }
0xc2: {  	[hbm4b:s7+s3] =	stream.linear.scatter [tilespmem:s20], [sflag:$0x6], $0x3200, $0x38;
	[tilespmem:$0x14480] =	vst v63  }
0xc3: {  	s8 =	smul.u32 @!p0 $0xE00, s30;
	s7 =	simm.s32 @!p0 $0x5  }
0xc4: {  	_ =	swait.ge @!p0 [sflag:s7], $0x3200  }
0xc5: {  	s23 =	simm.s32 @!p0 $0x7C80;
	s10 =	sshra.s32 @!p0 s8, $0x2;
	[sflag:s7] =	ssyncset.done @!p0 $0x0  }
0xc6: {  	s8 =	simm.s32 @!p0 $0x32;
	[sflag:s7] =	ssyncadd.s32 @!p0 $0xFFFFCE00;
	s7 =	sadd.s32 @!p0 $0x380, s10  }
0xc7: {  	[tilespmem:s23], [sflag:$0x1] =	stream.indirect.gather @!p0 [hbm4b:s6+s8], $0x40, s7, s8, $0xb8;
	[tilespmem:$0x14480] =	vst v63  }
0xc8: {  	s7 =	sadd.s32 @!p0 $0x3B8, s10;
	s23 =	simm.s32 @!p0 $0x8900  }
0xc9: {  	[tilespmem:s23], [sflag:$0x1] =	stream.indirect.gather @!p0 [hbm4b:s6+s8], $0x40, s7, s8, $0xb8;
	[tilespmem:$0x14480] =	vst v63  }
0xca: {  	s7 =	sadd.s32 @!p0 $0x3F0, s10;
	s23 =	simm.s32 @!p0 $0x9580  }
0xcb: {  	[tilespmem:s23], [sflag:$0x1] =	stream.indirect.gather @!p0 [hbm4b:s6+s8], $0x40, s7, s8, $0xb8;
	[tilespmem:$0x14480] =	vst v63  }
0xcc: {  	s7 =	sadd.s32 @!p0 $0x428, s10;
	s23 =	simm.s32 @!p0 $0xA200  }
0xcd: {  	[tilespmem:s23], [sflag:$0x1] =	stream.indirect.gather @!p0 [hbm4b:s6+s8], $0x40, s7, s8, $0xb8;
	[tilespmem:$0x14480] =	vst v63  }
0xce: {  	_ =	swait.ge [sflag:s21], $0xC80  }
0xcf: {  	[sflag:s21] =	ssyncset.done $0x0  }
0xd0: {  	[sflag:s21] =	ssyncadd.s32 $0xFFFFF380  }
0xd1: {  	_ =	swait.ge [sflag:s21], $0xC80  }
0xd2: {  	[sflag:s21] =	ssyncset.done $0x0  }
0xd3: {  	[sflag:s21] =	ssyncadd.s32 $0xFFFFF380  }
0xd4: {  	_ =	swait.ge [sflag:s21], $0xC80  }
0xd5: {  	[sflag:s21] =	ssyncset.done $0x0  }
0xd6: {  	[sflag:s21] =	ssyncadd.s32 $0xFFFFF380  }
0xd7: {  	_ =	swait.ge [sflag:s21], $0xC80  }
0xd8: {  	[sflag:s21] =	ssyncset.done $0x0  }
0xd9: {  	s7 =	simm.s32 $0x0;
	[sflag:s21] =	ssyncadd.s32 $0xFFFFF380  }
0xda: {  	v2 =	vld [tilespmem:s7+$0x7000]  }
0xdb: {  	v5 =	vld [tilespmem:s7+$0x7010]  }
0xdc: {  	v1 =	vld [tilespmem:s7+$0x7020]  }
0xdd: {  	v3 =	vld [tilespmem:s7+$0xE080]  }
0xde: {  	v4 =	vld [tilespmem:s7+$0xED00]  }
0xdf: {  	v6 =	vld [tilespmem:s7+$0xF980]  }
0xe0: {  	v7 =	vld [tilespmem:s7+$0x10600]  }
0xe1: {  	v8 =	vld [tilespmem:s7+$0xE090]  }
0xe2: {  	v9 =	vld [tilespmem:s7+$0xED10]  }
0xe3: {  	v0 =	vld [tilespmem:s7+$0x7030];
	v3 =	vadd.f32 v3, v2  }
0xe4: {  	v11 =	vld [tilespmem:s7+$0x10610];
	v4 =	vadd.f32 v4, v2  }
0xe5: {  	v10 =	vld [tilespmem:s7+$0xF990];
	[tilespmem:s7+$0xE080] =	vst v3;
	v3 =	vadd.f32 v6, v2  }
0xe6: {  	[tilespmem:s7+$0xED00] =	vst v4;
	v6 =	vld [tilespmem:s7+$0xE0A0];
	v2 =	vadd.f32 v7, v2  }
0xe7: {  	v7 =	vld [tilespmem:s7+$0xED20];
	v4 =	vadd.f32 v8, v5;
	v8 =	vadd.f32 v9, v5;
	[tilespmem:s7+$0xF980] =	vst v3  }
0xe8: {  	[tilespmem:s7+$0x10600] =	vst v2;
	v3 =	vld [tilespmem:s7+$0xF9A0]  }
0xe9: {  	v2 =	vld [tilespmem:s7+$0x10620];
	[tilespmem:s7+$0xED10] =	vst v8;
	v8 =	vadd.f32 v11, v5  }
0xea: {  	v9 =	vadd.f32 v10, v5;
	[tilespmem:s7+$0xE090] =	vst v4;
	v4 =	vld [tilespmem:s7+$0xE0B0]  }
0xeb: {  	v5 =	vld [tilespmem:s7+$0xED30];
	[tilespmem:s7+$0x10610] =	vst v8;
	v8 =	vadd.f32 v6, v1  }
0xec: {  	s8 =	simm.s32 $0x100;
	[tilespmem:s7+$0xF990] =	vst v9;
	v7 =	vadd.f32 v7, v1;
	v6 =	vld [tilespmem:s7+$0xF9B0]  }
.LBB2_7:
0xed: {  	s23 =	sshra.s32 s8, $0x2;
	p1 =	sne.s32 s8, $0x3100;
	[tilespmem:s7+$0xE0A0] =	vst v8;
	v3 =	vadd.f32 v3, v1;
	v8 =	vld [tilespmem:s7+$0x10630]  }
0xee: {  	v9 =	vld [tilespmem:s23+$0x7000];
	[tilespmem:s7+$0xED20] =	vst v7;
	v2 =	vadd.f32 v2, v1  }
0xef: {  	v7 =	vld [tilespmem:s23+$0x7010];
	[tilespmem:s7+$0xF9A0] =	vst v3;
	v3 =	vadd.f32 v4, v0  }
0xf0: {  	v1 =	vld [tilespmem:s23+$0x7020];
	[tilespmem:s7+$0x10620] =	vst v2;
	v2 =	vadd.f32 v5, v0  }
0xf1: {  	v4 =	vld [tilespmem:s23+$0x7030];
	[tilespmem:s7+$0xE0B0] =	vst v3;
	v3 =	vadd.f32 v6, v0  }
0xf2: {  	v5 =	vld [tilespmem:s23+$0xE080];
	[tilespmem:s7+$0xED30] =	vst v2;
	v0 =	vadd.f32 v8, v0  }
0xf3: {  	v2 =	vld [tilespmem:s23+$0xED00];
	[tilespmem:s7+$0xF9B0] =	vst v3  }
0xf4: {  	v3 =	vld [tilespmem:s23+$0xF980];
	[tilespmem:s7+$0x10630] =	vst v0;
	s7 =	smov.u32 s23  }
0xf5: {  	v6 =	vld [tilespmem:s7+$0x10600]  }
0xf6: {  	v8 =	vld [tilespmem:s7+$0xE090];
	v0 =	vmov v4  }
0xf7: {  	v4 =	vadd.f32 v5, v9;
	v5 =	vld [tilespmem:s7+$0xED10]  }
0xf8: {  	v2 =	vadd.f32 v2, v9;
	v10 =	vld [tilespmem:s7+$0xF990]  }
0xf9: {  	[tilespmem:s7+$0xE080] =	vst v4;
	v3 =	vadd.f32 v3, v9;
	v4 =	vld [tilespmem:s7+$0x10610]  }
0xfa: {  	[tilespmem:s7+$0xED00] =	vst v2;
	v2 =	vadd.f32 v6, v9;
	v6 =	vld [tilespmem:s7+$0xE0A0]  }
0xfb: {  	[tilespmem:s7+$0xF980] =	vst v3;
	v8 =	vadd.f32 v8, v7;
	v9 =	vld [tilespmem:s7+$0xED20]  }
.Ltmp4:
0xfc: {  	[tilespmem:s7+$0x10600] =	vst v2;
	v5 =	vadd.f32 v5, v7;
	v3 =	vld [tilespmem:s7+$0xF9A0];
	(pc) =	sbr.rel @p1 .LBB2_7-.Ltmp4, $4  }
0xfd: {  	[tilespmem:s7+$0xE090] =	vst v8;
	v8 =	vadd.f32 v10, v7;
	v2 =	vld [tilespmem:s7+$0x10620]  }
0xfe: {  	[tilespmem:s7+$0xED10] =	vst v5;
	v7 =	vadd.f32 v4, v7;
	v4 =	vld [tilespmem:s7+$0xE0B0]  }
0xff: {  	[tilespmem:s7+$0xF990] =	vst v8;
	v8 =	vadd.f32 v6, v1;
	v5 =	vld [tilespmem:s7+$0xED30]  }
0x100: {  	s8 =	sadd.s32 $0x100, s8;
	[tilespmem:s7+$0x10610] =	vst v7;
	v7 =	vadd.f32 v9, v1;
	v6 =	vld [tilespmem:s7+$0xF9B0]  }
0x101: {  	[tilespmem:s7+$0xE0A0] =	vst v8;
	v3 =	vadd.f32 v3, v1;
	v8 =	vld [tilespmem:s7+$0x10630]  }
0x102: {  	[tilespmem:s7+$0xED20] =	vst v7;
	v1 =	vadd.f32 v2, v1  }
0x103: {  	[tilespmem:s7+$0xF9A0] =	vst v3;
	v2 =	vadd.f32 v4, v0  }
0x104: {  	[tilespmem:s7+$0x10620] =	vst v1;
	v1 =	vadd.f32 v5, v0  }
0x105: {  	[tilespmem:s7+$0xE0B0] =	vst v2;
	v2 =	vadd.f32 v6, v0  }
0x106: {  	[tilespmem:s7+$0xED30] =	vst v1;
	v0 =	vadd.f32 v8, v0  }
0x107: {  	[tilespmem:s7+$0xF9B0] =	vst v2  }
0x108: {  	s5 =	sadd.s32 $0xC80, s5;
	[tilespmem:s7+$0x10630] =	vst v0  }
0x109: {  	[hbm4b:s5+s3] =	stream.linear.scatter [tilespmem:s29], [sflag:$0x7], $0x3200, $0x38;
	[tilespmem:$0x14480] =	vst v63  }
0x10a: {  	s5 =	simm.s32 @!p0 $0x6  }
0x10b: {  	_ =	swait.ge @!p0 [sflag:s5], $0x3200  }
0x10c: {  	s8 =	simm.s32 @!p0 $0xAE80;
	[sflag:s5] =	ssyncset.done @!p0 $0x0  }
0x10d: {  	s7 =	simm.s32 @!p0 $0x32;
	[sflag:s5] =	ssyncadd.s32 @!p0 $0xFFFFCE00;
	s5 =	sadd.s32 @!p0 $0x460, s10  }
0x10e: {  	[tilespmem:s8], [sflag:$0x2] =	stream.indirect.gather @!p0 [hbm4b:s6+s7], $0x40, s5, s7, $0xb8;
	[tilespmem:$0x14480] =	vst v63  }
0x10f: {  	s5 =	sadd.s32 @!p0 $0x498, s10;
	s8 =	simm.s32 @!p0 $0xBB00  }
0x110: {  	[tilespmem:s8], [sflag:$0x2] =	stream.indirect.gather @!p0 [hbm4b:s6+s7], $0x40, s5, s7, $0xb8;
	[tilespmem:$0x14480] =	vst v63  }
0x111: {  	s5 =	sadd.s32 @!p0 $0x4D0, s10;
	s8 =	simm.s32 @!p0 $0xC780  }
0x112: {  	[tilespmem:s8], [sflag:$0x2] =	stream.indirect.gather @!p0 [hbm4b:s6+s7], $0x40, s5, s7, $0xb8;
	[tilespmem:$0x14480] =	vst v63  }
0x113: {  	s5 =	sadd.s32 @!p0 $0x508, s10;
	s8 =	simm.s32 @!p0 $0xD400  }
0x114: {  	[tilespmem:s8], [sflag:$0x2] =	stream.indirect.gather @!p0 [hbm4b:s6+s7], $0x40, s5, s7, $0xb8;
	[tilespmem:$0x14480] =	vst v63  }
0x115: {  	_ =	swait.ge [sflag:s22], $0xC80  }
0x116: {  	[sflag:s22] =	ssyncset.done $0x0  }
0x117: {  	[sflag:s22] =	ssyncadd.s32 $0xFFFFF380  }
0x118: {  	_ =	swait.ge [sflag:s22], $0xC80  }
0x119: {  	[sflag:s22] =	ssyncset.done $0x0  }
0x11a: {  	[sflag:s22] =	ssyncadd.s32 $0xFFFFF380  }
0x11b: {  	_ =	swait.ge [sflag:s22], $0xC80  }
0x11c: {  	[sflag:s22] =	ssyncset.done $0x0  }
0x11d: {  	[sflag:s22] =	ssyncadd.s32 $0xFFFFF380  }
0x11e: {  	_ =	swait.ge [sflag:s22], $0xC80  }
0x11f: {  	[sflag:s22] =	ssyncset.done $0x0  }
0x120: {  	s5 =	simm.s32 $0x0;
	[sflag:s22] =	ssyncadd.s32 $0xFFFFF380  }
0x121: {  	v2 =	vld [tilespmem:s5+$0x7000]  }
0x122: {  	v5 =	vld [tilespmem:s5+$0x7010]  }
0x123: {  	v1 =	vld [tilespmem:s5+$0x7020]  }
0x124: {  	v3 =	vld [tilespmem:s5+$0x11280]  }
0x125: {  	v4 =	vld [tilespmem:s5+$0x11F00]  }
0x126: {  	v6 =	vld [tilespmem:s5+$0x12B80]  }
0x127: {  	v7 =	vld [tilespmem:s5+$0x13800]  }
0x128: {  	v8 =	vld [tilespmem:s5+$0x11290]  }
0x129: {  	v9 =	vld [tilespmem:s5+$0x11F10]  }
0x12a: {  	v0 =	vld [tilespmem:s5+$0x7030];
	v3 =	vadd.f32 v3, v2  }
0x12b: {  	v11 =	vld [tilespmem:s5+$0x13810];
	v4 =	vadd.f32 v4, v2  }
0x12c: {  	v10 =	vld [tilespmem:s5+$0x12B90];
	[tilespmem:s5+$0x11280] =	vst v3;
	v3 =	vadd.f32 v6, v2  }
0x12d: {  	[tilespmem:s5+$0x11F00] =	vst v4;
	v6 =	vld [tilespmem:s5+$0x112A0];
	v2 =	vadd.f32 v7, v2  }
0x12e: {  	v7 =	vld [tilespmem:s5+$0x11F20];
	v4 =	vadd.f32 v8, v5;
	v8 =	vadd.f32 v9, v5;
	[tilespmem:s5+$0x12B80] =	vst v3  }
0x12f: {  	[tilespmem:s5+$0x13800] =	vst v2;
	v3 =	vld [tilespmem:s5+$0x12BA0]  }
0x130: {  	v2 =	vld [tilespmem:s5+$0x13820];
	[tilespmem:s5+$0x11F10] =	vst v8;
	v8 =	vadd.f32 v11, v5  }
0x131: {  	v9 =	vadd.f32 v10, v5;
	[tilespmem:s5+$0x11290] =	vst v4;
	v4 =	vld [tilespmem:s5+$0x112B0]  }
0x132: {  	v5 =	vld [tilespmem:s5+$0x11F30];
	[tilespmem:s5+$0x13810] =	vst v8;
	v8 =	vadd.f32 v6, v1  }
0x133: {  	s7 =	simm.s32 $0x100;
	[tilespmem:s5+$0x12B90] =	vst v9;
	v7 =	vadd.f32 v7, v1;
	v6 =	vld [tilespmem:s5+$0x12BB0]  }
.LBB2_9:
0x134: {  	s8 =	sshra.s32 s7, $0x2;
	p1 =	sne.s32 s7, $0x3100;
	[tilespmem:s5+$0x112A0] =	vst v8;
	v3 =	vadd.f32 v3, v1;
	v8 =	vld [tilespmem:s5+$0x13830]  }
0x135: {  	v9 =	vld [tilespmem:s8+$0x7000];
	[tilespmem:s5+$0x11F20] =	vst v7;
	v2 =	vadd.f32 v2, v1  }
0x136: {  	v7 =	vld [tilespmem:s8+$0x7010];
	[tilespmem:s5+$0x12BA0] =	vst v3;
	v3 =	vadd.f32 v4, v0  }
0x137: {  	v1 =	vld [tilespmem:s8+$0x7020];
	[tilespmem:s5+$0x13820] =	vst v2;
	v2 =	vadd.f32 v5, v0  }
0x138: {  	v4 =	vld [tilespmem:s8+$0x7030];
	[tilespmem:s5+$0x112B0] =	vst v3;
	v3 =	vadd.f32 v6, v0  }
0x139: {  	v5 =	vld [tilespmem:s8+$0x11280];
	[tilespmem:s5+$0x11F30] =	vst v2;
	v0 =	vadd.f32 v8, v0  }
0x13a: {  	v2 =	vld [tilespmem:s8+$0x11F00];
	[tilespmem:s5+$0x12BB0] =	vst v3  }
0x13b: {  	v3 =	vld [tilespmem:s8+$0x12B80];
	[tilespmem:s5+$0x13830] =	vst v0;
	s5 =	smov.u32 s8  }
0x13c: {  	v6 =	vld [tilespmem:s5+$0x13800]  }
0x13d: {  	v8 =	vld [tilespmem:s5+$0x11290];
	v0 =	vmov v4  }
0x13e: {  	v4 =	vadd.f32 v5, v9;
	v5 =	vld [tilespmem:s5+$0x11F10]  }
0x13f: {  	v2 =	vadd.f32 v2, v9;
	v10 =	vld [tilespmem:s5+$0x12B90]  }
0x140: {  	[tilespmem:s5+$0x11280] =	vst v4;
	v3 =	vadd.f32 v3, v9;
	v4 =	vld [tilespmem:s5+$0x13810]  }
0x141: {  	[tilespmem:s5+$0x11F00] =	vst v2;
	v2 =	vadd.f32 v6, v9;
	v6 =	vld [tilespmem:s5+$0x112A0]  }
0x142: {  	[tilespmem:s5+$0x12B80] =	vst v3;
	v8 =	vadd.f32 v8, v7;
	v9 =	vld [tilespmem:s5+$0x11F20]  }
.Ltmp5:
0x143: {  	[tilespmem:s5+$0x13800] =	vst v2;
	v5 =	vadd.f32 v5, v7;
	v3 =	vld [tilespmem:s5+$0x12BA0];
	(pc) =	sbr.rel @p1 .LBB2_9-.Ltmp5, $4  }
0x144: {  	[tilespmem:s5+$0x11290] =	vst v8;
	v8 =	vadd.f32 v10, v7;
	v2 =	vld [tilespmem:s5+$0x13820]  }
0x145: {  	[tilespmem:s5+$0x11F10] =	vst v5;
	v7 =	vadd.f32 v4, v7;
	v4 =	vld [tilespmem:s5+$0x112B0]  }
0x146: {  	[tilespmem:s5+$0x12B90] =	vst v8;
	v8 =	vadd.f32 v6, v1;
	v5 =	vld [tilespmem:s5+$0x11F30]  }
0x147: {  	s7 =	sadd.s32 $0x100, s7;
	[tilespmem:s5+$0x13810] =	vst v7;
	v7 =	vadd.f32 v9, v1;
	v6 =	vld [tilespmem:s5+$0x12BB0]  }
0x148: {  	[tilespmem:s5+$0x112A0] =	vst v8;
	v3 =	vadd.f32 v3, v1;
	v58 =	vld [tilespmem:s5+$0x13830]  }
0x149: {  	[tilespmem:s5+$0x11F20] =	vst v7;
	v59 =	vadd.f32 v2, v1  }
0x14a: {  	[tilespmem:s5+$0x12BA0] =	vst v3;
	v60 =	vadd.f32 v4, v0  }
0x14b: {  	s1 =	sshll.u32 s1, $0x2;
	[tilespmem:s5+$0x13820] =	vst v59;
	v61 =	vadd.f32 v5, v0  }
.Ltmp6:
0x14c: {  	s1 =	sadd.s32 s4, s1;
	[tilespmem:s5+$0x112B0] =	vst v60;
	v62 =	vadd.f32 v6, v0;
	(pc) =	sbr.rel @p0 .LBB2_12-.Ltmp6, $4  }
0x14d: {  	s1 =	smul.u32 $0x190, s1;
	[tilespmem:s5+$0x11F30] =	vst v61;
	v63 =	vadd.f32 v58, v0  }
0x14e: {  	[tilespmem:s5+$0x12BB0] =	vst v62  }
0x14f: {  	s1 =	sadd.s32 s2, s1;
	[tilespmem:s5+$0x13830] =	vst v63  }
0x150: {  	[hbm4b:s1+s3] =	stream.linear.scatter [tilespmem:s15], [sflag:$0x8], $0x3200, $0x38;
	[tilespmem:$0x14480] =	vst v63  }
0x151: {  	s1 =	smul.u32 $0xE00, s30  }
0x152: {  	_ =	swait.ge [sflag:s25], $0x3200  }
0x153: {  	[sflag:s25] =	ssyncset.done $0x0;
	s1 =	sshra.s32 s1, $0x2  }
0x154: {  	[sflag:s25] =	ssyncadd.s32 $0xFFFFCE00;
	s5 =	sadd.s32 $0x540, s1  }
0x155: {  	[tilespmem:s29], [sflag:$0x3] =	stream.indirect.gather [hbm4b:s6+s11], $0x40, s5, s11, $0xb8;
	[tilespmem:$0x14480] =	vst v63  }
0x156: {  	s10 =	sadd.s32 $0x578, s1  }
0x157: {  	[tilespmem:s31], [sflag:$0x3] =	stream.indirect.gather [hbm4b:s6+s11], $0x40, s10, s11, $0xb8;
	[tilespmem:$0x14480] =	vst v63  }
.Ltmp7:
0x158: {  	_ = 	snop;
	(pc) =	sbr.rel .LBB2_2-.Ltmp7, $4  }
0x159: {  	s23 =	sadd.s32 $0x5B0, s1  }
0x15a: {  	[tilespmem:s0], [sflag:$0x3] =	stream.indirect.gather [hbm4b:s6+s11], $0x40, s23, s11, $0xb8;
	[tilespmem:$0x14480] =	vst v63  }
0x15b: {  	s30 =	sadd.s32 $0x1, s30;
	s1 =	sadd.s32 $0x5E8, s1  }
0x15c: {  	[tilespmem:s13], [sflag:$0x3] =	stream.indirect.gather [hbm4b:s6+s11], $0x40, s1, s11, $0xb8;
	[tilespmem:$0x14480] =	vst v63  }
.LBB2_13:
0x15d: {  	_ =	sfence.sel $0x180000  }
0x15e: {  	[bflag:$0x0] =	sbarrier.arrive $0xFFFF  }
0x15f: {  	_ =	strace $0x90000047  }
0x160: {  	s0 =	stileid.u32;
	[bflag:$0x2] =	sbarrier.arrive $0xFFFF  }
0x161: {  	p0 =	sne.s32 s0, $0x0;
	s0 =	rddreg [dreg:$0x2]  }
0x162: {  	s0 =	sadd.s32 @!p0 $0x100000, s0  }
0x163: {  	[sflag:s0] =	ssyncadd.tile.s32 @!p0 $0x1;
	_ =	shalt  }
.Lfunc_end2:
_tile_overlayer_lowered:
.L_overlay_start_2:
0x164: {  	(tag) =	ssettag $0x2  }
0x165: {  	s0 =	rddreg [dreg:$0x0];
	s2 =	stileid.u32  }
0x166: {  	s1 =	rddreg [dreg:$0x1];
	p0 =	sne.s32 s2, $0x0  }
0x167: {  	s3 =	rddreg [dreg:$0x2];
	[bflag:$0x3] =	sbarrier.arrive $0xFFFF;
	s2 =	simm.s32 @!p0 $0x1C09  }
0x168: {  	[timem:s3], [sflag:s2] =	dma.local @!p0 [hbm:s0], s1  }
0x169: {  	s0 =	simm.s32 @!p0 $0x9  }
0x16a: {  	_ =	swait.ge @!p0 [sflag:s0], s1  }
0x16b: {  	s1 =	ssub.s32 @!p0 $0x0, s1;
	[sflag:s0] =	ssyncset.done @!p0 $0x0  }
0x16c: {  	[sflag:s0] =	ssyncadd.s32 @!p0 s1  }
0x16d: {  	[bflag:$0x3] =	sbarrier.arrive $0xFFFF  }
0x16e: {  	_ =	shalt  }

// kernel: sparse-core-data-format-call.cloned.1.call-start
scs
called_computation_lowered:
.L_overlay_start_0:
0x0: {  	s2 =	sld [smem:$0x3FD9]  }
0x1: {  	s3 =	sld [smem:$0x3FFE];
	_ =	sdelay $0x1  }
0x2: {  	s1 =	srdreg.scid  }
0x3: {  	s0 =	sand.u32 $0x1, s1  }
0x4: {  	s18 =	sshll.u32 s0, $0xA;
	s2 =	sadd.s32 s3, s2  }
0x5: {  	s2 =	sadd.s32 s2, s18  }
0x6: {  	[smem:$0x3FC6] =	sst s2  }
0x7: {  	_ = 	snop  }
0x8: {  	s2 =	sld [smem:$0x3FD0];
	(tm) =	ssettm $0x1  }
0x9: {  	s19 =	sld [smem:$0x3FFB];
	_ =	sdelay $0x3  }
0xa: {  	_ =	strace s19  }
0xb: {  	s3 =	sld [smem:$0x3FFC];
	_ =	sdelay $0x3  }
0xc: {  	_ =	strace s3  }
0xd: {  	s3 =	sld [smem:$0x3FFD];
	_ =	sdelay $0x3  }
0xe: {  	_ =	strace s3  }
0xf: {  	_ =	strace $0x8FFFFFFF  }
0x10: {  	s20 =	sld [smem:$0x3FDB];
	_ =	sdelay $0x1  }
0x11: {  	s4 =	simm.s32 $_scs_section_size  }
0x12: {  	s5 =	simm.s32 $_size__tile_overlayer_lowered;
	s6 =	simm.s32 $_tile_overlayer_lowered  }
0x13: {  	s23 =	simm.s32 $0x1BFF;
	s22 =	sshll.u32 s6, $0x1;
	s3 =	sadd.s32 s4, s20  }
0x14: {  	s7 =	simm.s32 $0x0;
	s21 =	sshll.u32 s5, $0x1;
	s5 =	sadd.s32 s22, s3  }
0x15: {  	[timem:s7], [sflag:s23] =	dma.local [hbm:s5], s21  }
0x16: {  	_ =	swait.ge [sflag:s23], s21  }
0x17: {  	s4 =	ssub.s32 $0x0, s21;
	[sflag:s23] =	ssyncset.done $0x0  }
0x18: {  	[sflag:s23] =	ssyncadd.s32 s4;
	_ =	sdelay $0x1  }
0x19: {  	s24 =	simm.s32 $0x1B8B  }
0x1a: {  	_ =	swait.ge [sflag:s24], $0x1  }
0x1b: {  	[sflag:s24] =	ssyncset.done $0x0  }
0x1c: {  	s26 =	simm.s32 $0x1B8E;
	s25 =	sld [smem:$0x3FFE];
	[sflag:s24] =	ssyncadd.s32 $0xFFFFFFFF  }
0x1d: {  	s27 =	simm.s32 $execute0_lowered;
	[smem:$0x3FD2] =	sst s26  }
0x1e: {  	s5 =	sshll.u32 s27, $0x1;
	_ =	strace $0x80000049;
	[dreg:$0x1] =	wrdreg $0xFFFFFFFF  }
0x1f: {  	s28 =	simm.s32 $_size_execute0_lowered;
	s3 =	sadd.s32 s3, s5;
	[dreg:$0x0] =	wrdreg $0x0  }
0x20: {  	s5 =	sshll.u32 s28, $0x1;
	[dreg:$0x2] =	wrdreg s3  }
0x21: {  	[dreg:$0x3] =	wrdreg s5  }
0x22: {  	[dreg:$0x4] =	wrdreg $0xC0  }
0x23: {  	_ =	task [dreg:s7], $0x5FFFF  }
0x24: {  	[dreg:$0x1] =	wrdreg $0xFFFFFFFF  }
0x25: {  	[dreg:$0x0] =	wrdreg $0x60  }
0x26: {  	[dreg:$0x2] =	wrdreg s25  }
0x27: {  	[dreg:$0x3] =	wrdreg s2  }
0x28: {  	[dreg:$0x4] =	wrdreg $0x9  }
0x29: {  	_ =	task.clear_ibuf [dreg:s7], $0x5FFFF;
	_ =	strace $0x90000049  }
0x2a: {  	s29 =	simm.s32 $0x9;
	_ =	strace $0x8000004B  }
0x2b: {  	_ =	swait.ge [sflag:s29], $0x1  }
0x2c: {  	[sflag:s29] =	ssyncadd.s32 $0xFFFFFFFF  }
0x2d: {  	_ =	strace $0x9000004B  }
0x2e: {  	_ =	sfence  }
0x2f: {  	s30 =	sld [smem:$0x0];
	_ =	sdelay $0x2  }
0x30: {  	s31 =	sshll.u32 s1, $0xD;
	s1 =	sshrl.u32 s1, $0x2  }
0x31: {  	s3 =	sand.u32 $0x4000, s31;
	s1 =	sadd.s32 s1, s30  }
0x32: {  	s0 =	sor.u32 s3, s0;
	s1 =	sshll.u32 s1, $0x11  }
0x33: {  	s0 =	sor.u32 s1, s0  }
0x34: {  	s0 =	sadd.s32 $0x8F2B, s0  }
0x35: {  	[sflag:s0] =	ssyncadd.remote.s32 $0x1  }
0x36: {  	_ =	sfence.sel $0xFFFF  }
0x37: {  	[dreg:$0x0] =	wrdreg $0xFFFFFFFF;
	(pc) =	sbr.abs _section_cstart, $3  }
0x38: {  	[dreg:$0x1] =	wrdreg $0xFFFFFFFF  }
0x39: {  	_ =	task.clear_ibuf [dreg:s7], $0x2FFFF;
	_ =	strace $0x9FFFFFFF  }
0x3a: {  	(tm) =	ssettm $0x7FFFFFFF  }
0x3b: {  	_ =	shalt  }
tec
execute0_lowered:
.L_overlay_start_1:
0x0: {  	(tag) =	ssettag $0x1  }
0x1: {  	s0 =	srdreg.scid  }
0x2: {  	s1 =	sshll.u32 s0, $0x4  }
0x3: {  	s0 =	stileid.u32;
	s1 =	sand.u32 $0x10, s1  }
0x4: {  	s1 =	sor.u32 s0, s1  }
0x5: {  	s6 =	rddreg [dreg:$0x0];
	s4 =	simm.s32 $0x1;
	s2 =	sshll.u32 s1, $0x7  }
0x6: {  	s7 =	simm.s32 $0x2;
	s12 =	simm.s32 $0x0;
	s1 =	ssub.s32 $0x4000, s2  }
0x7: {  	s8 =	simm.s32 $0x20000;
	s13 =	simm.s32 $0x0;
	s3 =	sand.u32 $0xF80, s1  }
0x8: {  	s9 =	simm.s32 $0x0;
	s5 =	sshrl.u32 s1, $0xC;
	p0 =	sne.s32 s3, $0x0  }
.Ltmp0:
0x9: {  	s1 =	rddreg [dreg:$0x2];
	s4 =	simm.s32 @!p0 $0x0;
	(pc) =	sbr.rel .LBB1_1-.Ltmp0, $4  }
0xa: {  	s11 =	simm.s32 $0x0;
	s3 =	rddreg [dreg:$0x1];
	s5 =	sadd.s32 s4, s5  }
0xb: {  	_ =	strace $0x8000004A;
	s4 =	simm.s32 $0x1;
	s5 =	smul.u32 $0x32, s5  }
0xc: {  	s6 =	sadd.s32 $0xC00, s6;
	s10 =	smov.u32 s2;
	[sflag:s4] =	ssyncpa.u1 $0x0  }
0xd: {  	p0 =	por $0x0, $0x0;
	[sflag:s7] =	ssyncpa.u1 $0x0;
	s7 =	sor.u32 $0x1, s5  }
.LBB1_4:
0xe: {  	s16 =	sshll.u32 s13, $0x3;
	s17 =	sand.u32 $0x78, s13  }
0xf: {  	s30 =	sand.u32 $0x1F800, s13;
	s12 =	sshll.u32 s12, $0x11;
	s16 =	sand.u32 $0x3C00, s16  }
0x10: {  	[tilespmem:s15+$0x810 ss:$0x81] =	vst.msk $0xffff, v2;
	s31 =	sand.u32 $0x7, s13;
	s16 =	sor.u32 s17, s16;
	s17 =	sadd.s32 s3, s30  }
0x11: {  	[tilespmem:s15+$0x1020 ss:$0x81] =	vst.msk $0xffff, v0;
	s13 =	sshll.u32 s31, $0x12;
	s12 =	sadd.s32 s12, s17;
	s16 =	sshrl.u32 s16, $0x3  }
0x12: {  	[tilespmem:s15+$0x0 ss:$0x81] =	vst.msk $0xffff, v1;
	s13 =	sor.u32 $0x400, s13;
	s12 =	sadd.s32 s16, s12  }
0x13: {  	[hbm4b:s12+s13] =	stream.strided.scatter [tilespmem:s14], [sflag:$0x2], $0x2000, s8, s13, $0x20;
	[tilespmem:$0x8080] =	vst v63  }
.LBB1_5:
0x14: {  	s14 =	sadd.s32 $0x1, s9  }
0x15: {  	s12 =	sadd.s32 $0x1000, s10;
	s16 =	smov.u32 s10;
	p2 =	sgt.s32 s14, $0x31  }
0x16: {  	s16 =	smov.u32 @p2 s12  }
0x17: {  	s14 =	simm.s32 @p2 $0x0;
	p2 =	sgt.s32 s16, $0x3FFF  }
0x18: {  	s16 =	smov.u32 @p2 s2;
	p2 =	sne.s32 s11, s7  }
.Ltmp1:
0x19: {  	p1 =	slt.u32 s11, $0x2;
	(pc) =	sbr.rel @!p2 .LBB1_6-.Ltmp1, $4  }
0x1a: {  	s15 =	simm.s32 @!p1 $0x2  }
0x1b: {  	s13 =	smov.u32 s10;
	p0 =	por !p0, !p0;
	_ =	swait.ge @!p1 [sflag:s15], $0x2000  }
0x1c: {  	s12 =	smov.u32 s9;
	[sflag:s15] =	ssyncset.done @!p1 $0x0;
	s9 =	smov.u32 s14  }
0x1d: {  	s11 =	sadd.s32 $0x1, s11;
	[sflag:s15] =	ssyncadd.s32 @!p1 $0xFFFFE000;
	s10 =	smov.u32 s16  }
.LBB1_1:
0x1e: {  	p1 =	sge.u32 s11, s5  }
0x1f: {  	s14 =	sand.u32 @!p1 $0x1FFFFFF, s9  }
0x20: {  	s15 =	smulhi.u32 @!p1 $0x4924925, s14;
	_ =	sdelay $0x1  }
0x21: {  	s15 =	smul.u32 @!p1 $0x38, s15  }
0x22: {  	s16 =	sxor.u32 @!p1 $0xFFFFFFFF, s11;
	s17 =	smul.u32 @!p1 $0x380, s10  }
0x23: {  	s31 =	sadd.s32 $0xFFFFFFFF, s11;
	s16 =	sshll.u32 @!p1 s16, $0xD;
	s14 =	ssub.s32 @!p1 s14, s15  }
0x24: {  	s15 =	sand.u32 @!p1 $0x2000, s16;
	s16 =	sadd.s32 @!p1 s6, s17;
	s14 =	sshll.u32 @!p1 s14, $0x4  }
0x25: {  	s17 =	simm.s32 @!p1 $0x1C00;
	s14 =	sadd.s32 @!p1 s14, s16;
	s16 =	simm.s32 @!p1 $0x40  }
0x26: {  	[tilespmem:s15], [sflag:$0x1] =	stream.strided.gather @!p1 [hbm4b:s14+s16], $0x2000, s17, s16, $0x38;
	[tilespmem:$0x8080] =	vst v63  }
0x27: {  	p1 =	sge.u32 s31, s5  }
.Ltmp2:
0x28: {  	_ = 	snop;
	(pc) =	sbr.rel @p1 .LBB1_5-.Ltmp2, $1  }
0x29: {  	_ =	sdelay $0x3  }
0x2a: {  	s14 =	simm.s32 $0x1  }
0x2b: {  	_ =	swait.ge [sflag:s4], $0x2000;
	s14 =	simm.s32 @!p0 $0x0  }
0x2c: {  	[sflag:s4] =	ssyncset.done $0x0;
	s15 =	sshll.u32 s14, $0xD  }
0x2d: {  	[sflag:s4] =	ssyncadd.s32 $0xFFFFE000;
	s18 =	sor.u32 $0x20, s15  }
0x2e: {  	s14 =	smul.u32 $0x8100, s14;
	v3 =	vld [tilespmem:s18+$0x10]  }
0x2f: {  	s30 =	sand.u32 $0x1, s11;
	v2 =	vld [tilespmem:s18+$0xFFFFFFF0]  }
0x30: {  	s15 =	smul.u32 $0x8100, s30;
	s14 =	sshrl.u32 s14, $0x2;
	v0 =	vld [tilespmem:s18+$0x0]  }
0x31: {  	v1 =	vld [tilespmem:s18+$0xFFFFFFE0];
	s16 =	sor.u32 $0x4000, s14  }
0x32: {  	s31 =	sshrl.u32 s15, $0x2;
	s15 =	sadd.s32 $0x0, s16  }
0x33: {  	s17 =	simm.s32 $0x4;
	s18 =	sadd.s32 $0x40, s18;
	s14 =	sor.u32 $0x4000, s31;
	[tilespmem:s15+$0x1830 ss:$0x81] =	vst.msk $0xffff, v3  }
.LBB1_3:
0x34: {  	v3 =	vld [tilespmem:s18+$0x10];
	p1 =	sne.s32 s17, $0x1FC;
	[tilespmem:s15+$0x810 ss:$0x81] =	vst.msk $0xffff, v2;
	s19 =	smov.u32 s17;
	s17 =	sadd.s32 $0x4, s17  }
.Ltmp3:
0x35: {  	v2 =	vld [tilespmem:s18+$0xFFFFFFF0];
	[tilespmem:s15+$0x1020 ss:$0x81] =	vst.msk $0xffff, v0;
	(pc) =	sbr.rel @p1 .LBB1_3-.Ltmp3, $4  }
0x36: {  	v0 =	vld [tilespmem:s18+$0x0];
	[tilespmem:s15+$0x0 ss:$0x81] =	vst.msk $0xffff, v1  }
0x37: {  	s15 =	sshra.s32 s19, $0x2;
	v1 =	vld [tilespmem:s18+$0xFFFFFFE0]  }
0x38: {  	s15 =	sadd.s32 s15, s16  }
0x39: {  	s18 =	sadd.s32 $0x40, s18;
	[tilespmem:s15+$0x1830 ss:$0x81] =	vst.msk $0xffff, v3  }
.Ltmp4:
0x3a: {  	_ = 	snop;
	(pc) =	sbr.rel .LBB1_4-.Ltmp4, $1  }
0x3b: {  	_ =	sdelay $0x3  }
.LBB1_6:
0x3c: {  	_ =	sfence.sel $0x180000  }
0x3d: {  	s2 =	simm.s32 $0x1;
	[bflag:$0x0] =	sbarrier.arrive $0xFFFF  }
0x3e: {  	s31 =	simm.s32 $0x2;
	[sflag:s2] =	ssyncpa.u1 $0x1  }
0x3f: {  	[sflag:s31] =	ssyncpa.u1 $0x1  }
0x40: {  	p0 =	sne.s32 s0, $0x0;
	_ =	strace $0x9000004A  }
0x41: {  	s0 =	sadd.s32 @!p0 $0x100000, s1;
	[bflag:$0x2] =	sbarrier.arrive $0xFFFF  }
0x42: {  	[sflag:s0] =	ssyncadd.tile.s32 @!p0 $0x1;
	_ =	shalt  }
.Lfunc_end1:
_tile_overlayer_lowered:
.L_overlay_start_2:
0x43: {  	(tag) =	ssettag $0x2  }
0x44: {  	s0 =	rddreg [dreg:$0x0];
	s2 =	stileid.u32  }
0x45: {  	s1 =	rddreg [dreg:$0x1];
	p0 =	sne.s32 s2, $0x0  }
0x46: {  	s3 =	rddreg [dreg:$0x2];
	[bflag:$0x3] =	sbarrier.arrive $0xFFFF;
	s2 =	simm.s32 @!p0 $0x1C01  }
0x47: {  	[timem:s3], [sflag:s2] =	dma.local @!p0 [hbm:s0], s1  }
0x48: {  	s0 =	simm.s32 @!p0 $0x1  }
0x49: {  	_ =	swait.ge @!p0 [sflag:s0], s1  }
0x4a: {  	s1 =	ssub.s32 @!p0 $0x0, s1;
	[sflag:s0] =	ssyncset.done @!p0 $0x0  }
0x4b: {  	[sflag:s0] =	ssyncadd.s32 @!p0 s1  }
0x4c: {  	[bflag:$0x3] =	sbarrier.arrive $0xFFFF  }
0x4d: {  	_ =	shalt  }

</sc_bundles>
